<compile_context>
chip_gen: v7x
topology: tpu7x:2x2x1
jax: 0.10.2.dev20260603
libtpu: 0.0.44.dev20260713+nightly
codegen_flags: <defaults>
</compile_context>

<pallas_src>
import jax
import jax.numpy as jnp
from jax import lax
from jax.experimental import pallas as pl
from jax.experimental.pallas import tpu as pltpu
from jax.experimental.pallas import tpu_sc as plsc

N = 10000
D = 128
NC, NS = 2, 16
NW = NC * NS
LANES = 16
CHUNK = 128
NB = 4
GROUP = 8
ACC_ROWS = 10112
ZROWS = ACC_ROWS // NS


def _build_sc_aggregate(k_per_worker: int, with_cnt: bool):
    K = k_per_worker
    assert K % NB == 0 and K % GROUP == 0
    ngroups = K // GROUP
    mesh = plsc.VectorSubcoreMesh(
        core_axis_name="c", subcore_axis_name="s", num_cores=NC, num_subcores=NS
    )
    out_type = [jax.ShapeDtypeStruct((2 * NC, ACC_ROWS, D), jnp.bfloat16)]
    scratch = [
        pltpu.VMEM((2 * GROUP, CHUNK), jnp.int32),
        pltpu.VMEM((2 * GROUP, CHUNK), jnp.int32),
    ]
    scratch += [pltpu.VMEM((CHUNK, D), jnp.bfloat16) for _ in range(NB)]
    scratch += [
        pltpu.VMEM_SHARED((ACC_ROWS, D), jnp.bfloat16),
        pltpu.VMEM_SHARED((ACC_ROWS, D), jnp.bfloat16),
    ]
    scratch += [pltpu.SemaphoreType.DMA for _ in range(2 * NB + 1)]
    if with_cnt:
        out_type.append(
            jax.ShapeDtypeStruct((2 * NC, ACC_ROWS, LANES), jnp.bfloat16))
        scratch += [
            pltpu.VMEM((CHUNK, LANES), jnp.bfloat16),
            pltpu.VMEM_SHARED((ACC_ROWS, LANES), jnp.bfloat16),
            pltpu.VMEM_SHARED((ACC_ROWS, LANES), jnp.bfloat16),
        ]

    def body(*refs):
        if with_cnt:
            (feats, src_h, dst_h, zacc_h, zcnt_h, ones_h,
             out_sum, out_cnt, src_v, dst_v, *rest) = refs
        else:
            (feats, src_h, dst_h, zacc_h,
             out_sum, src_v, dst_v, *rest) = refs
        rows = rest[:NB]
        accs = rest[NB:NB + 2]
        sem_g = rest[NB + 2:NB + 2 + NB]
        sem_s = rest[NB + 2 + NB:NB + 2 + 2 * NB]
        sem_i = rest[NB + 2 + 2 * NB]
        if with_cnt:
            ones_v, cnt0, cnt1 = rest[NB + 3 + 2 * NB:]
            cnts = (cnt0, cnt1)
        cid = lax.axis_index("c")
        sid = lax.axis_index("s")
        wid = cid * NS + sid
        ibase = wid * K

        for a in accs:
            pltpu.sync_copy(zacc_h, a.at[pl.ds(sid * ZROWS, ZROWS)])
        if with_cnt:
            for cacc in cnts:
                pltpu.sync_copy(zcnt_h, cacc.at[pl.ds(sid * ZROWS, ZROWS)])
            pltpu.sync_copy(ones_h, ones_v)
        pltpu.sync_copy(src_h.at[pl.ds(ibase, GROUP)], src_v.at[pl.ds(0, GROUP)])
        pltpu.sync_copy(dst_h.at[pl.ds(ibase, GROUP)], dst_v.at[pl.ds(0, GROUP)])
        plsc.subcore_barrier()

        def irow(j):
            return j % (2 * GROUP)

        def gather_desc(j, b):
            return pltpu.make_async_copy(
                feats.at[src_v.at[irow(j)]], rows[b], sem_g[b])

        def scat_start(j, b):
            r = irow(j)
            acc = accs[b % 2]
            pltpu.async_copy(rows[b], acc.at[dst_v.at[r]], sem_s[b], add=True)
            if with_cnt:
                pltpu.async_copy(ones_v, cnts[b % 2].at[dst_v.at[r]],
                                 sem_s[b], add=True)

        def scat_wait(j, b):
            r = irow(j)
            acc = accs[b % 2]
            pltpu.make_async_copy(rows[b], acc.at[dst_v.at[r]], sem_s[b]).wait()
            if with_cnt:
                pltpu.make_async_copy(ones_v, cnts[b % 2].at[dst_v.at[r]],
                                      sem_s[b]).wait()

        def idx_descs(g):
            h = g % 2
            base = ibase + g * GROUP
            return (
                pltpu.make_async_copy(src_h.at[pl.ds(base, GROUP)],
                                      src_v.at[pl.ds(h * GROUP, GROUP)], sem_i),
                pltpu.make_async_copy(dst_h.at[pl.ds(base, GROUP)],
                                      dst_v.at[pl.ds(h * GROUP, GROUP)], sem_i),
            )

        gather_desc(0, 0).start()
        gather_desc(1, 1).start()

        def slot(j, b):
            jn = j + 2
            bn = (b + 2) % NB
            gather_desc(j, b).wait()

            @pl.when(j >= 2)
            def _():
                scat_wait(j - 2, bn)

            scat_start(j, b)

            @pl.when(jn < K)
            def _():
                @pl.when(jn % GROUP == 0)
                def _():
                    a, bdesc = idx_descs(jn // GROUP)
                    a.wait()
                    bdesc.wait()

                gather_desc(jn, bn).start()

            @pl.when(j % GROUP == 1)
            def _():
                g1 = j // GROUP + 1

                @pl.when(g1 < ngroups)
                def _():
                    a, bdesc = idx_descs(g1)
                    a.start()
                    bdesc.start()

        def step(q, carry):
            j0 = NB * q
            for b in range(NB):
                slot(j0 + b, b)
            return carry

        lax.fori_loop(0, K // NB, step, 0)
        scat_wait(K - 2, (K - 2) % NB)
        scat_wait(K - 1, (K - 1) % NB)
        plsc.subcore_barrier()

        for p in range(2):
            pltpu.sync_copy(
                accs[p].at[pl.ds(sid * ZROWS, ZROWS)],
                out_sum.at[2 * cid + p, pl.ds(sid * ZROWS, ZROWS)],
            )
            if with_cnt:
                pltpu.sync_copy(
                    cnts[p].at[pl.ds(sid * ZROWS, ZROWS)],
                    out_cnt.at[2 * cid + p, pl.ds(sid * ZROWS, ZROWS)],
                )

    return pl.kernel(
        body, out_type=out_type, mesh=mesh, scratch_types=scratch,
        compiler_params=pltpu.CompilerParams(use_tc_tiling_on_sc=False),
    )


def _tc_layer(S, C, xin, W_l, W_r, b, Wfc=None, bfc=None):
    BR = 1000
    final = Wfc is not None

    def body(*refs):
        if final:
            S_r, C_r, x_r, Wl_r, Wr_r, b_r, Wfc_r, bfc_r, o_r = refs
        else:
            S_r, C_r, x_r, Wl_r, Wr_r, b_r, o_r, obf_r = refs
        s = sum(S_r[i].astype(jnp.float32) for i in range(2 * NC))
        cnt = sum(C_r[i, :, :1].astype(jnp.float32) for i in range(2 * NC))
        aggr = s / jnp.maximum(cnt, 1.0)
        h = (jnp.dot(aggr, Wl_r[...], preferred_element_type=jnp.float32)
             + jnp.dot(x_r[...], Wr_r[...], preferred_element_type=jnp.float32)
             + b_r[...])
        h = jnp.maximum(h, 0.0)
        if final:
            o_r[...] = (jnp.dot(h, Wfc_r[...], preferred_element_type=jnp.float32)
                        + bfc_r[...])
        else:
            o_r[...] = h
            obf_r[...] = h.astype(jnp.bfloat16)

    in_specs = [
        pl.BlockSpec((2 * NC, BR, D), lambda i: (0, i, 0)),
        pl.BlockSpec((2 * NC, BR, LANES), lambda i: (0, i, 0)),
        pl.BlockSpec((BR, D), lambda i: (i, 0)),
        pl.BlockSpec((D, D), lambda i: (0, 0)),
        pl.BlockSpec((D, D), lambda i: (0, 0)),
        pl.BlockSpec((1, D), lambda i: (0, 0)),
    ]
    args = [S, C, xin, W_l, W_r, b.reshape(1, D)]
    if final:
        in_specs += [pl.BlockSpec((D, 1), lambda i: (0, 0)),
                     pl.BlockSpec((1, 1), lambda i: (0, 0))]
        args += [Wfc, bfc.reshape(1, 1)]
        out_spec = pl.BlockSpec((BR, 1), lambda i: (i, 0))
        out_shape = jax.ShapeDtypeStruct((N, 1), jnp.float32)
    else:
        out_spec = [pl.BlockSpec((BR, D), lambda i: (i, 0)),
                    pl.BlockSpec((BR, D), lambda i: (i, 0))]
        out_shape = [jax.ShapeDtypeStruct((N, D), jnp.float32),
                     jax.ShapeDtypeStruct((N, D), jnp.bfloat16)]

    return pl.pallas_call(
        body, grid=(N // BR,), in_specs=in_specs, out_specs=out_spec,
        out_shape=out_shape,
    )(*args)


def kernel(x, edge_index, W1_l, W1_r, b1, W2_l, W2_r, b2, Wfc, bfc):
    e = edge_index.shape[1]
    quantum = NW * CHUNK * GROUP
    e_pad = ((e + quantum - 1) // quantum) * quantum
    k_per_worker = e_pad // (NW * CHUNK)
    pad = e_pad - e

    src = jnp.concatenate(
        [edge_index[0].astype(jnp.int32), jnp.zeros((pad,), jnp.int32)]
    ).reshape(-1, CHUNK)
    dst = jnp.concatenate(
        [edge_index[1].astype(jnp.int32), jnp.full((pad,), N, jnp.int32)]
    ).reshape(-1, CHUNK)
    zacc = jnp.zeros((ZROWS, D), jnp.bfloat16)
    zcnt = jnp.zeros((ZROWS, LANES), jnp.bfloat16)
    ones = jnp.ones((CHUNK, LANES), jnp.bfloat16)
    x_bf = x.astype(jnp.bfloat16)

    agg1 = _build_sc_aggregate(k_per_worker, with_cnt=True)
    agg2 = _build_sc_aggregate(k_per_worker, with_cnt=False)

    S1, C = agg1(x_bf, src, dst, zacc, zcnt, ones)
    h1, h1_bf = _tc_layer(S1, C, x, W1_l, W1_r, b1)
    (S2,) = agg2(h1_bf, src, dst, zacc)
    out = _tc_layer(S2, C, h1, W2_l, W2_r, b2, Wfc=Wfc, bfc=bfc)
    return out[:, 0]

# --- scband reference (transcript-rebuilt; emitter-appended) ---
"""Pipeline reference for scband-toggle-gnn-90855738180233 (READ-ONLY COPY).

The authoritative reference and input builder live on the scoring server;
editing this copy changes nothing except your own understanding.
"""

import jax, jax.numpy as jnp
import numpy as np

N_NODES = 10000
N_EDGES = 320000
D_IN = 128
D_HID = 128


def setup_inputs(seed: int = 0) -> dict:
    key = jax.random.key(seed)
    ks = jax.random.split(key, 12)
    x = jax.random.normal(ks[0], (N_NODES, D_IN), dtype=jnp.float32)
    edge_index = jax.random.randint(ks[1], (2, N_EDGES), 0, N_NODES, dtype=jnp.int64)
    s1 = 1.0 / np.sqrt(D_IN)
    s2 = 1.0 / np.sqrt(D_HID)
    W1_l = jax.random.uniform(ks[2], (D_IN, D_HID), jnp.float32, -s1, s1)
    W1_r = jax.random.uniform(ks[3], (D_IN, D_HID), jnp.float32, -s1, s1)
    b1 = jax.random.uniform(ks[4], (D_HID,), jnp.float32, -s1, s1)
    W2_l = jax.random.uniform(ks[5], (D_HID, D_HID), jnp.float32, -s2, s2)
    W2_r = jax.random.uniform(ks[6], (D_HID, D_HID), jnp.float32, -s2, s2)
    b2 = jax.random.uniform(ks[7], (D_HID,), jnp.float32, -s2, s2)
    Wfc = jax.random.uniform(ks[8], (D_HID, 1), jnp.float32, -s2, s2)
    bfc = jax.random.uniform(ks[9], (1,), jnp.float32, -s2, s2)
    return {"x": x, "edge_index": edge_index, "W1_l": W1_l, "W1_r": W1_r, "b1": b1,
            "W2_l": W2_l, "W2_r": W2_r, "b2": b2, "Wfc": Wfc, "bfc": bfc}


def _sage_conv(x, edge_index, W_l, W_r, b):
    # PyG SAGEConv with mean aggregation:
    # out = lin_l(mean_{j in N(i)} x_j) + lin_r(x_i)
    src = edge_index[0]
    dst = edge_index[1]
    msgs = jnp.take(x, src, axis=0)
    summed = jax.ops.segment_sum(msgs, dst, num_segments=x.shape[0])
    cnt = jax.ops.segment_sum(jnp.ones((src.shape[0],), dtype=x.dtype), dst, num_segments=x.shape[0])
    aggr = summed / jnp.maximum(cnt, 1.0)[:, None]
    return aggr @ W_l + x @ W_r + b


def reference(x, edge_index, W1_l, W1_r, b1, W2_l, W2_r, b2, Wfc, bfc):
    # eval mode: dropout is identity
    h = jax.nn.relu(_sage_conv(x, edge_index, W1_l, W1_r, b1))
    h = jax.nn.relu(_sage_conv(h, edge_index, W2_l, W2_r, b2))
    out = h @ Wfc + bfc
    return jnp.squeeze(out, axis=-1)

if __name__ == "__main__":
    import jax
    _d = setup_inputs()
    print(jax.jit(kernel)(*tuple(_d.values())))

</pallas_src>

<mosaic_0001>
#map = affine_map<(d0, d1) -> (0, 0)>
#map1 = affine_map<(d0, d1) -> (0, 0, 0)>
module attributes {stable_mosaic.version = 14 : i64} {
  func.func @body(%arg0: i32, %arg1: i32, %arg2: memref<10000x128xbf16, #tpu.memory_space<hbm>>, %arg3: memref<2560x128xi32, #tpu.memory_space<hbm>>, %arg4: memref<2560x128xi32, #tpu.memory_space<hbm>>, %arg5: memref<632x128xbf16, #tpu.memory_space<hbm>>, %arg6: memref<632x16xbf16, #tpu.memory_space<hbm>>, %arg7: memref<128x16xbf16, #tpu.memory_space<hbm>>, %arg8: memref<4x10112x128xbf16, #tpu.memory_space<hbm>>, %arg9: memref<4x10112x16xbf16, #tpu.memory_space<hbm>>, %arg10: memref<16x128xi32, #tpu.memory_space<vmem>>, %arg11: memref<16x128xi32, #tpu.memory_space<vmem>>, %arg12: memref<128x128xbf16, #tpu.memory_space<vmem>>, %arg13: memref<128x128xbf16, #tpu.memory_space<vmem>>, %arg14: memref<128x128xbf16, #tpu.memory_space<vmem>>, %arg15: memref<128x128xbf16, #tpu.memory_space<vmem>>, %arg16: memref<10112x128xbf16, #tpu.memory_space<vmem_shared>>, %arg17: memref<10112x128xbf16, #tpu.memory_space<vmem_shared>>, %arg18: memref<!tpu.dma_semaphore, #tpu.memory_space<semaphore_mem>>, %arg19: memref<!tpu.dma_semaphore, #tpu.memory_space<semaphore_mem>>, %arg20: memref<!tpu.dma_semaphore, #tpu.memory_space<semaphore_mem>>, %arg21: memref<!tpu.dma_semaphore, #tpu.memory_space<semaphore_mem>>, %arg22: memref<!tpu.dma_semaphore, #tpu.memory_space<semaphore_mem>>, %arg23: memref<!tpu.dma_semaphore, #tpu.memory_space<semaphore_mem>>, %arg24: memref<!tpu.dma_semaphore, #tpu.memory_space<semaphore_mem>>, %arg25: memref<!tpu.dma_semaphore, #tpu.memory_space<semaphore_mem>>, %arg26: memref<!tpu.dma_semaphore, #tpu.memory_space<semaphore_mem>>, %arg27: memref<128x16xbf16, #tpu.memory_space<vmem>>, %arg28: memref<10112x16xbf16, #tpu.memory_space<vmem_shared>>, %arg29: memref<10112x16xbf16, #tpu.memory_space<vmem_shared>>) attributes {dimension_semantics = [#tpu.dimension_semantics<core_parallel>, #tpu.dimension_semantics<subcore_parallel>], iteration_bounds = array<i64: 2, 16>, scalar_prefetch = 0 : i64, scratch_operands = 20 : i64, tpu.core_type = #tpu.core_type<sc_vector_subcore>, window_params = [{transform_indices = #map}, {transform_indices = #map}, {transform_indices = #map}, {transform_indices = #map}, {transform_indices = #map}, {transform_indices = #map}, {transform_indices = #map1}, {transform_indices = #map1}]} {
    %mul3A = arith.constant 16 : i32
    %mul3A_0 = arith.muli %arg0, %mul3A : i32
    %add3A = arith.addi %mul3A_0, %arg1 : i32
    %mul3A_1 = arith.constant 80 : i32
    %mul3A_2 = arith.muli %add3A, %mul3A_1 : i32
    %mul3A_3 = arith.constant 632 : i32
    %mul3A_4 = arith.muli %arg1, %mul3A_3 : i32
    "tpu.region"() ({
      %run_scoped3A = tpu.sem_alloc : memref<!tpu.dma_semaphore, #tpu.memory_space<semaphore_mem>>
      %dma_start3A_89 = arith.constant 0 : i32
      %dma_start3A_90 = tpu.memref_slice %arg16[%mul3A_4, %dma_start3A_89] : memref<10112x128xbf16, #tpu.memory_space<vmem_shared>> -> memref<632x128xbf16, #tpu.memory_space<vmem_shared>>
      tpu.enqueue_dma source(%arg5 : memref<632x128xbf16, #tpu.memory_space<hbm>>) target(%dma_start3A_90 : memref<632x128xbf16, #tpu.memory_space<vmem_shared>>) target_semaphore(%run_scoped3A : memref<!tpu.dma_semaphore, #tpu.memory_space<semaphore_mem>>)
      %dma_wait3A_91 = arith.constant 0 : i32
      %dma_wait3A_92 = tpu.memref_slice %arg16[%mul3A_4, %dma_wait3A_91] : memref<10112x128xbf16, #tpu.memory_space<vmem_shared>> -> memref<632x128xbf16, #tpu.memory_space<vmem_shared>>
      tpu.wait_dma2 semaphore(%run_scoped3A : memref<!tpu.dma_semaphore, #tpu.memory_space<semaphore_mem>>) src(%arg5 : memref<632x128xbf16, #tpu.memory_space<hbm>>) dst(%dma_wait3A_92 : memref<632x128xbf16, #tpu.memory_space<vmem_shared>>)
      tpu.yield
    }) : () -> ()
    %mul3A_5 = arith.constant 632 : i32
    %mul3A_6 = arith.muli %arg1, %mul3A_5 : i32
    "tpu.region"() ({
      %run_scoped3A = tpu.sem_alloc : memref<!tpu.dma_semaphore, #tpu.memory_space<semaphore_mem>>
      %dma_start3A_89 = arith.constant 0 : i32
      %dma_start3A_90 = tpu.memref_slice %arg17[%mul3A_6, %dma_start3A_89] : memref<10112x128xbf16, #tpu.memory_space<vmem_shared>> -> memref<632x128xbf16, #tpu.memory_space<vmem_shared>>
      tpu.enqueue_dma source(%arg5 : memref<632x128xbf16, #tpu.memory_space<hbm>>) target(%dma_start3A_90 : memref<632x128xbf16, #tpu.memory_space<vmem_shared>>) target_semaphore(%run_scoped3A : memref<!tpu.dma_semaphore, #tpu.memory_space<semaphore_mem>>)
      %dma_wait3A_91 = arith.constant 0 : i32
      %dma_wait3A_92 = tpu.memref_slice %arg17[%mul3A_6, %dma_wait3A_91] : memref<10112x128xbf16, #tpu.memory_space<vmem_shared>> -> memref<632x128xbf16, #tpu.memory_space<vmem_shared>>
      tpu.wait_dma2 semaphore(%run_scoped3A : memref<!tpu.dma_semaphore, #tpu.memory_space<semaphore_mem>>) src(%arg5 : memref<632x128xbf16, #tpu.memory_space<hbm>>) dst(%dma_wait3A_92 : memref<632x128xbf16, #tpu.memory_space<vmem_shared>>)
      tpu.yield
    }) : () -> ()
    %mul3A_7 = arith.constant 632 : i32
    %mul3A_8 = arith.muli %arg1, %mul3A_7 : i32
    "tpu.region"() ({
      %run_scoped3A = tpu.sem_alloc : memref<!tpu.dma_semaphore, #tpu.memory_space<semaphore_mem>>
      %dma_start3A_89 = arith.constant 0 : i32
      %dma_start3A_90 = tpu.memref_slice %arg28[%mul3A_8, %dma_start3A_89] : memref<10112x16xbf16, #tpu.memory_space<vmem_shared>> -> memref<632x16xbf16, #tpu.memory_space<vmem_shared>>
      tpu.enqueue_dma source(%arg6 : memref<632x16xbf16, #tpu.memory_space<hbm>>) target(%dma_start3A_90 : memref<632x16xbf16, #tpu.memory_space<vmem_shared>>) target_semaphore(%run_scoped3A : memref<!tpu.dma_semaphore, #tpu.memory_space<semaphore_mem>>)
      %dma_wait3A_91 = arith.constant 0 : i32
      %dma_wait3A_92 = tpu.memref_slice %arg28[%mul3A_8, %dma_wait3A_91] : memref<10112x16xbf16, #tpu.memory_space<vmem_shared>> -> memref<632x16xbf16, #tpu.memory_space<vmem_shared>>
      tpu.wait_dma2 semaphore(%run_scoped3A : memref<!tpu.dma_semaphore, #tpu.memory_space<semaphore_mem>>) src(%arg6 : memref<632x16xbf16, #tpu.memory_space<hbm>>) dst(%dma_wait3A_92 : memref<632x16xbf16, #tpu.memory_space<vmem_shared>>)
      tpu.yield
    }) : () -> ()
    %mul3A_9 = arith.constant 632 : i32
    %mul3A_10 = arith.muli %arg1, %mul3A_9 : i32
    "tpu.region"() ({
      %run_scoped3A = tpu.sem_alloc : memref<!tpu.dma_semaphore, #tpu.memory_space<semaphore_mem>>
      %dma_start3A_89 = arith.constant 0 : i32
      %dma_start3A_90 = tpu.memref_slice %arg29[%mul3A_10, %dma_start3A_89] : memref<10112x16xbf16, #tpu.memory_space<vmem_shared>> -> memref<632x16xbf16, #tpu.memory_space<vmem_shared>>
      tpu.enqueue_dma source(%arg6 : memref<632x16xbf16, #tpu.memory_space<hbm>>) target(%dma_start3A_90 : memref<632x16xbf16, #tpu.memory_space<vmem_shared>>) target_semaphore(%run_scoped3A : memref<!tpu.dma_semaphore, #tpu.memory_space<semaphore_mem>>)
      %dma_wait3A_91 = arith.constant 0 : i32
      %dma_wait3A_92 = tpu.memref_slice %arg29[%mul3A_10, %dma_wait3A_91] : memref<10112x16xbf16, #tpu.memory_space<vmem_shared>> -> memref<632x16xbf16, #tpu.memory_space<vmem_shared>>
      tpu.wait_dma2 semaphore(%run_scoped3A : memref<!tpu.dma_semaphore, #tpu.memory_space<semaphore_mem>>) src(%arg6 : memref<632x16xbf16, #tpu.memory_space<hbm>>) dst(%dma_wait3A_92 : memref<632x16xbf16, #tpu.memory_space<vmem_shared>>)
      tpu.yield
    }) : () -> ()
    "tpu.region"() ({
      %run_scoped3A = tpu.sem_alloc : memref<!tpu.dma_semaphore, #tpu.memory_space<semaphore_mem>>
      tpu.enqueue_dma source(%arg7 : memref<128x16xbf16, #tpu.memory_space<hbm>>) target(%arg27 : memref<128x16xbf16, #tpu.memory_space<vmem>>) target_semaphore(%run_scoped3A : memref<!tpu.dma_semaphore, #tpu.memory_space<semaphore_mem>>)
      tpu.wait_dma2 semaphore(%run_scoped3A : memref<!tpu.dma_semaphore, #tpu.memory_space<semaphore_mem>>) src(%arg7 : memref<128x16xbf16, #tpu.memory_space<hbm>>) dst(%arg27 : memref<128x16xbf16, #tpu.memory_space<vmem>>)
      tpu.yield
    }) : () -> ()
    "tpu.region"() ({
      %run_scoped3A = tpu.sem_alloc : memref<!tpu.dma_semaphore, #tpu.memory_space<semaphore_mem>>
      %dma_start3A_89 = arith.constant 0 : i32
      %dma_start3A_90 = arith.constant 0 : i32
      %dma_start3A_91 = tpu.memref_slice %arg10[%dma_start3A_89, %dma_start3A_90] : memref<16x128xi32, #tpu.memory_space<vmem>> -> memref<8x128xi32, #tpu.memory_space<vmem>>
      %dma_start3A_92 = arith.constant 0 : i32
      %dma_start3A_93 = tpu.memref_slice %arg3[%mul3A_2, %dma_start3A_92] : memref<2560x128xi32, #tpu.memory_space<hbm>> -> memref<8x128xi32, #tpu.memory_space<hbm>>
      %dma_start3A_94 = arith.constant 0 : i32
      %dma_start3A_95 = arith.constant 0 : i32
      %dma_start3A_96 = tpu.memref_slice %arg10[%dma_start3A_94, %dma_start3A_95] : memref<16x128xi32, #tpu.memory_space<vmem>> -> memref<8x128xi32, #tpu.memory_space<vmem>>
      %dma_start3A_97 = arith.constant 0 : i32
      %dma_start3A_98 = tpu.memref_slice %arg3[%mul3A_2, %dma_start3A_97] : memref<2560x128xi32, #tpu.memory_space<hbm>> -> memref<8x128xi32, #tpu.memory_space<hbm>>
      tpu.enqueue_dma source(%dma_start3A_98 : memref<8x128xi32, #tpu.memory_space<hbm>>) target(%dma_start3A_96 : memref<8x128xi32, #tpu.memory_space<vmem>>) target_semaphore(%run_scoped3A : memref<!tpu.dma_semaphore, #tpu.memory_space<semaphore_mem>>)
      %dma_wait3A_99 = arith.constant 0 : i32
      %dma_wait3A_100 = arith.constant 0 : i32
      %dma_wait3A_101 = tpu.memref_slice %arg10[%dma_wait3A_99, %dma_wait3A_100] : memref<16x128xi32, #tpu.memory_space<vmem>> -> memref<8x128xi32, #tpu.memory_space<vmem>>
      %dma_wait3A_102 = arith.constant 0 : i32
      %dma_wait3A_103 = tpu.memref_slice %arg3[%mul3A_2, %dma_wait3A_102] : memref<2560x128xi32, #tpu.memory_space<hbm>> -> memref<8x128xi32, #tpu.memory_space<hbm>>
      %dma_wait3A_104 = arith.constant 0 : i32
      %dma_wait3A_105 = arith.constant 0 : i32
      %dma_wait3A_106 = tpu.memref_slice %arg10[%dma_wait3A_104, %dma_wait3A_105] : memref<16x128xi32, #tpu.memory_space<vmem>> -> memref<8x128xi32, #tpu.memory_space<vmem>>
      %dma_wait3A_107 = arith.constant 0 : i32
      %dma_wait3A_108 = tpu.memref_slice %arg3[%mul3A_2, %dma_wait3A_107] : memref<2560x128xi32, #tpu.memory_space<hbm>> -> memref<8x128xi32, #tpu.memory_space<hbm>>
      tpu.wait_dma2 semaphore(%run_scoped3A : memref<!tpu.dma_semaphore, #tpu.memory_space<semaphore_mem>>) src(%dma_wait3A_108 : memref<8x128xi32, #tpu.memory_space<hbm>>) dst(%dma_wait3A_106 : memref<8x128xi32, #tpu.memory_space<vmem>>)
      tpu.yield
    }) : () -> ()
    "tpu.region"() ({
      %run_scoped3A = tpu.sem_alloc : memref<!tpu.dma_semaphore, #tpu.memory_space<semaphore_mem>>
      %dma_start3A_89 = arith.constant 0 : i32
      %dma_start3A_90 = arith.constant 0 : i32
      %dma_start3A_91 = tpu.memref_slice %arg11[%dma_start3A_89, %dma_start3A_90] : memref<16x128xi32, #tpu.memory_space<vmem>> -> memref<8x128xi32, #tpu.memory_space<vmem>>
      %dma_start3A_92 = arith.constant 0 : i32
      %dma_start3A_93 = tpu.memref_slice %arg4[%mul3A_2, %dma_start3A_92] : memref<2560x128xi32, #tpu.memory_space<hbm>> -> memref<8x128xi32, #tpu.memory_space<hbm>>
      %dma_start3A_94 = arith.constant 0 : i32
      %dma_start3A_95 = arith.constant 0 : i32
      %dma_start3A_96 = tpu.memref_slice %arg11[%dma_start3A_94, %dma_start3A_95] : memref<16x128xi32, #tpu.memory_space<vmem>> -> memref<8x128xi32, #tpu.memory_space<vmem>>
      %dma_start3A_97 = arith.constant 0 : i32
      %dma_start3A_98 = tpu.memref_slice %arg4[%mul3A_2, %dma_start3A_97] : memref<2560x128xi32, #tpu.memory_space<hbm>> -> memref<8x128xi32, #tpu.memory_space<hbm>>
      tpu.enqueue_dma source(%dma_start3A_98 : memref<8x128xi32, #tpu.memory_space<hbm>>) target(%dma_start3A_96 : memref<8x128xi32, #tpu.memory_space<vmem>>) target_semaphore(%run_scoped3A : memref<!tpu.dma_semaphore, #tpu.memory_space<semaphore_mem>>)
      %dma_wait3A_99 = arith.constant 0 : i32
      %dma_wait3A_100 = arith.constant 0 : i32
      %dma_wait3A_101 = tpu.memref_slice %arg11[%dma_wait3A_99, %dma_wait3A_100] : memref<16x128xi32, #tpu.memory_space<vmem>> -> memref<8x128xi32, #tpu.memory_space<vmem>>
      %dma_wait3A_102 = arith.constant 0 : i32
      %dma_wait3A_103 = tpu.memref_slice %arg4[%mul3A_2, %dma_wait3A_102] : memref<2560x128xi32, #tpu.memory_space<hbm>> -> memref<8x128xi32, #tpu.memory_space<hbm>>
      %dma_wait3A_104 = arith.constant 0 : i32
      %dma_wait3A_105 = arith.constant 0 : i32
      %dma_wait3A_106 = tpu.memref_slice %arg11[%dma_wait3A_104, %dma_wait3A_105] : memref<16x128xi32, #tpu.memory_space<vmem>> -> memref<8x128xi32, #tpu.memory_space<vmem>>
      %dma_wait3A_107 = arith.constant 0 : i32
      %dma_wait3A_108 = tpu.memref_slice %arg4[%mul3A_2, %dma_wait3A_107] : memref<2560x128xi32, #tpu.memory_space<hbm>> -> memref<8x128xi32, #tpu.memory_space<hbm>>
      tpu.wait_dma2 semaphore(%run_scoped3A : memref<!tpu.dma_semaphore, #tpu.memory_space<semaphore_mem>>) src(%dma_wait3A_108 : memref<8x128xi32, #tpu.memory_space<hbm>>) dst(%dma_wait3A_106 : memref<8x128xi32, #tpu.memory_space<vmem>>)
      tpu.yield
    }) : () -> ()
    %barrier3A = arith.constant 0 : index
    tpu.barrier barrier_id(%barrier3A)
    %dma_start3A = arith.constant 0 : i32
    %dma_start3A_11 = arith.constant 0 : i32
    %dma_start3A_12 = tpu.memref_slice %arg10[%dma_start3A, %dma_start3A_11] : memref<16x128xi32, #tpu.memory_space<vmem>> -> memref<1x128xi32, #tpu.memory_space<vmem>>
    %dma_start3A_13 = tpu.memref_squeeze %dma_start3A_12 : memref<1x128xi32, #tpu.memory_space<vmem>> -> memref<128xi32, #tpu.memory_space<vmem>>
    %dma_start3A_14 = arith.constant 0 : i32
    %dma_start3A_15 = arith.constant 0 : i32
    %dma_start3A_16 = tpu.memref_slice %arg2[%dma_start3A_14, %dma_start3A_15] : memref<10000x128xbf16, #tpu.memory_space<hbm>> -> memref<10000x128xbf16, #tpu.memory_space<hbm>>
    tpu.enqueue_indirect_dma source(%dma_start3A_16 : memref<10000x128xbf16, #tpu.memory_space<hbm>>) target(%arg12 : memref<128x128xbf16, #tpu.memory_space<vmem>>) offsets(%dma_start3A_13 : memref<128xi32, #tpu.memory_space<vmem>>) semaphore(%arg18 : memref<!tpu.dma_semaphore, #tpu.memory_space<semaphore_mem>>)
    %dma_start3A_17 = arith.constant 1 : i32
    %dma_start3A_18 = arith.constant 0 : i32
    %dma_start3A_19 = tpu.memref_slice %arg10[%dma_start3A_17, %dma_start3A_18] : memref<16x128xi32, #tpu.memory_space<vmem>> -> memref<1x128xi32, #tpu.memory_space<vmem>>
    %dma_start3A_20 = tpu.memref_squeeze %dma_start3A_19 : memref<1x128xi32, #tpu.memory_space<vmem>> -> memref<128xi32, #tpu.memory_space<vmem>>
    %dma_start3A_21 = arith.constant 0 : i32
    %dma_start3A_22 = arith.constant 0 : i32
    %dma_start3A_23 = tpu.memref_slice %arg2[%dma_start3A_21, %dma_start3A_22] : memref<10000x128xbf16, #tpu.memory_space<hbm>> -> memref<10000x128xbf16, #tpu.memory_space<hbm>>
    tpu.enqueue_indirect_dma source(%dma_start3A_23 : memref<10000x128xbf16, #tpu.memory_space<hbm>>) target(%arg13 : memref<128x128xbf16, #tpu.memory_space<vmem>>) offsets(%dma_start3A_20 : memref<128xi32, #tpu.memory_space<vmem>>) semaphore(%arg19 : memref<!tpu.dma_semaphore, #tpu.memory_space<semaphore_mem>>)
    %scan3A = arith.constant 0 : i32
    %scan3A_24 = arith.constant 0 : i32
    %scan3A_25 = arith.constant 20 : i32
    %scan3A_26 = arith.addi %scan3A_24, %scan3A_25 : i32
    %scan3A_27 = arith.constant 1 : i32
    scf.for %scan3A_89 = %scan3A_24 to %scan3A_26 step %scan3A_27  : i32 {
      %mul3A_90 = arith.constant 4 : i32
      %mul3A_91 = arith.muli %mul3A_90, %scan3A_89 : i32
      %add3A_92 = arith.constant 0 : i32
      %add3A_93 = arith.addi %mul3A_91, %add3A_92 : i32
      %add3A_94 = arith.constant 2 : i32
      %add3A_95 = arith.addi %add3A_93, %add3A_94 : i32
      %jit3A = arith.constant 16 : i32
      %eq3A = arith.constant 0 : i32
      %eq3A_96 = arith.cmpi eq, %jit3A, %eq3A : i32
      %jit3A_97 = arith.constant 1 : i32
      %select_n3A = arith.select %eq3A_96, %jit3A_97, %jit3A : i32
      %rem3A = arith.remsi %add3A_93, %select_n3A : i32
      %ne3A = arith.constant 0 : i32
      %ne3A_98 = arith.cmpi ne, %rem3A, %ne3A : i32
      %lt3A = arith.constant 0 : i32
      %lt3A_99 = arith.cmpi slt, %rem3A, %lt3A : i32
      %lt3A_100 = arith.constant 0 : i32
      %lt3A_101 = arith.cmpi slt, %select_n3A, %lt3A_100 : i32
      %ne3A_102 = arith.xori %lt3A_99, %lt3A_101 : i1
      %and3A = arith.andi %ne3A_102, %ne3A_98 : i1
      %add3A_103 = arith.addi %rem3A, %select_n3A : i32
      %select_n3A_104 = arith.select %and3A, %add3A_103, %rem3A : i32
      %dma_wait3A_105 = arith.constant 0 : i32
      %dma_wait3A_106 = tpu.memref_slice %arg10[%select_n3A_104, %dma_wait3A_105] : memref<16x128xi32, #tpu.memory_space<vmem>> -> memref<1x128xi32, #tpu.memory_space<vmem>>
      %dma_wait3A_107 = tpu.memref_squeeze %dma_wait3A_106 : memref<1x128xi32, #tpu.memory_space<vmem>> -> memref<128xi32, #tpu.memory_space<vmem>>
      %dma_wait3A_108 = arith.constant 0 : i32
      %dma_wait3A_109 = arith.constant 0 : i32
      %dma_wait3A_110 = tpu.memref_slice %arg2[%dma_wait3A_108, %dma_wait3A_109] : memref<10000x128xbf16, #tpu.memory_space<hbm>> -> memref<10000x128xbf16, #tpu.memory_space<hbm>>
      tpu.wait_indirect_dma semaphore(%arg18 : memref<!tpu.dma_semaphore, #tpu.memory_space<semaphore_mem>>) src(%dma_wait3A_110 : memref<10000x128xbf16, #tpu.memory_space<hbm>>) dst(%arg12 : memref<128x128xbf16, #tpu.memory_space<vmem>>)
      %ge3A = arith.constant 2 : i32
      %ge3A_111 = arith.cmpi sge, %add3A_93, %ge3A : i32
      %convert_element_type3A = arith.extui %ge3A_111 : i1 to i32
      %cond3A = arith.constant 0 : i32
      %cond3A_112 = arith.cmpi ne, %convert_element_type3A, %cond3A : i32
      scf.if %cond3A_112 {
        %sub3A = arith.constant 2 : i32
        %sub3A_422 = arith.subi %add3A_93, %sub3A : i32
        %jit3A_423 = arith.constant 16 : i32
        %eq3A_424 = arith.constant 0 : i32
        %eq3A_425 = arith.cmpi eq, %jit3A_423, %eq3A_424 : i32
        %jit3A_426 = arith.constant 1 : i32
        %select_n3A_427 = arith.select %eq3A_425, %jit3A_426, %jit3A_423 : i32
        %rem3A_428 = arith.remsi %sub3A_422, %select_n3A_427 : i32
        %ne3A_429 = arith.constant 0 : i32
        %ne3A_430 = arith.cmpi ne, %rem3A_428, %ne3A_429 : i32
        %lt3A_431 = arith.constant 0 : i32
        %lt3A_432 = arith.cmpi slt, %rem3A_428, %lt3A_431 : i32
        %lt3A_433 = arith.constant 0 : i32
        %lt3A_434 = arith.cmpi slt, %select_n3A_427, %lt3A_433 : i32
        %ne3A_435 = arith.xori %lt3A_432, %lt3A_434 : i1
        %and3A_436 = arith.andi %ne3A_435, %ne3A_430 : i1
        %add3A_437 = arith.addi %rem3A_428, %select_n3A_427 : i32
        %select_n3A_438 = arith.select %and3A_436, %add3A_437, %rem3A_428 : i32
        %dma_wait3A_439 = arith.constant 0 : i32
        %dma_wait3A_440 = tpu.memref_slice %arg11[%select_n3A_438, %dma_wait3A_439] : memref<16x128xi32, #tpu.memory_space<vmem>> -> memref<1x128xi32, #tpu.memory_space<vmem>>
        %dma_wait3A_441 = tpu.memref_squeeze %dma_wait3A_440 : memref<1x128xi32, #tpu.memory_space<vmem>> -> memref<128xi32, #tpu.memory_space<vmem>>
        %dma_wait3A_442 = arith.constant 0 : i32
        %dma_wait3A_443 = arith.constant 0 : i32
        %dma_wait3A_444 = tpu.memref_slice %arg16[%dma_wait3A_442, %dma_wait3A_443] : memref<10112x128xbf16, #tpu.memory_space<vmem_shared>> -> memref<10112x128xbf16, #tpu.memory_space<vmem_shared>>
        tpu.wait_indirect_dma semaphore(%arg24 : memref<!tpu.dma_semaphore, #tpu.memory_space<semaphore_mem>>) src(%arg14 : memref<128x128xbf16, #tpu.memory_space<vmem>>) dst(%dma_wait3A_444 : memref<10112x128xbf16, #tpu.memory_space<vmem_shared>>)
        %dma_wait3A_445 = arith.constant 0 : i32
        %dma_wait3A_446 = tpu.memref_slice %arg11[%select_n3A_438, %dma_wait3A_445] : memref<16x128xi32, #tpu.memory_space<vmem>> -> memref<1x128xi32, #tpu.memory_space<vmem>>
        %dma_wait3A_447 = tpu.memref_squeeze %dma_wait3A_446 : memref<1x128xi32, #tpu.memory_space<vmem>> -> memref<128xi32, #tpu.memory_space<vmem>>
        %dma_wait3A_448 = arith.constant 0 : i32
        %dma_wait3A_449 = arith.constant 0 : i32
        %dma_wait3A_450 = tpu.memref_slice %arg28[%dma_wait3A_448, %dma_wait3A_449] : memref<10112x16xbf16, #tpu.memory_space<vmem_shared>> -> memref<10112x16xbf16, #tpu.memory_space<vmem_shared>>
        tpu.wait_indirect_dma semaphore(%arg24 : memref<!tpu.dma_semaphore, #tpu.memory_space<semaphore_mem>>) src(%arg27 : memref<128x16xbf16, #tpu.memory_space<vmem>>) dst(%dma_wait3A_450 : memref<10112x16xbf16, #tpu.memory_space<vmem_shared>>)
      } else {
      }
      %jit3A_113 = arith.constant 16 : i32
      %eq3A_114 = arith.constant 0 : i32
      %eq3A_115 = arith.cmpi eq, %jit3A_113, %eq3A_114 : i32
      %jit3A_116 = arith.constant 1 : i32
      %select_n3A_117 = arith.select %eq3A_115, %jit3A_116, %jit3A_113 : i32
      %rem3A_118 = arith.remsi %add3A_93, %select_n3A_117 : i32
      %ne3A_119 = arith.constant 0 : i32
      %ne3A_120 = arith.cmpi ne, %rem3A_118, %ne3A_119 : i32
      %lt3A_121 = arith.constant 0 : i32
      %lt3A_122 = arith.cmpi slt, %rem3A_118, %lt3A_121 : i32
      %lt3A_123 = arith.constant 0 : i32
      %lt3A_124 = arith.cmpi slt, %select_n3A_117, %lt3A_123 : i32
      %ne3A_125 = arith.xori %lt3A_122, %lt3A_124 : i1
      %and3A_126 = arith.andi %ne3A_125, %ne3A_120 : i1
      %add3A_127 = arith.addi %rem3A_118, %select_n3A_117 : i32
      %select_n3A_128 = arith.select %and3A_126, %add3A_127, %rem3A_118 : i32
      %dma_start3A_129 = arith.constant 0 : i32
      %dma_start3A_130 = tpu.memref_slice %arg11[%select_n3A_128, %dma_start3A_129] : memref<16x128xi32, #tpu.memory_space<vmem>> -> memref<1x128xi32, #tpu.memory_space<vmem>>
      %dma_start3A_131 = tpu.memref_squeeze %dma_start3A_130 : memref<1x128xi32, #tpu.memory_space<vmem>> -> memref<128xi32, #tpu.memory_space<vmem>>
      %dma_start3A_132 = arith.constant 0 : i32
      %dma_start3A_133 = arith.constant 0 : i32
      %dma_start3A_134 = tpu.memref_slice %arg16[%dma_start3A_132, %dma_start3A_133] : memref<10112x128xbf16, #tpu.memory_space<vmem_shared>> -> memref<10112x128xbf16, #tpu.memory_space<vmem_shared>>
      tpu.enqueue_indirect_dma source(%arg12 : memref<128x128xbf16, #tpu.memory_space<vmem>>) target(%dma_start3A_134 : memref<10112x128xbf16, #tpu.memory_space<vmem_shared>>) offsets(%dma_start3A_131 : memref<128xi32, #tpu.memory_space<vmem>>) semaphore(%arg22 : memref<!tpu.dma_semaphore, #tpu.memory_space<semaphore_mem>>) {add = true}
      %dma_start3A_135 = arith.constant 0 : i32
      %dma_start3A_136 = tpu.memref_slice %arg11[%select_n3A_128, %dma_start3A_135] : memref<16x128xi32, #tpu.memory_space<vmem>> -> memref<1x128xi32, #tpu.memory_space<vmem>>
      %dma_start3A_137 = tpu.memref_squeeze %dma_start3A_136 : memref<1x128xi32, #tpu.memory_space<vmem>> -> memref<128xi32, #tpu.memory_space<vmem>>
      %dma_start3A_138 = arith.constant 0 : i32
      %dma_start3A_139 = arith.constant 0 : i32
      %dma_start3A_140 = tpu.memref_slice %arg28[%dma_start3A_138, %dma_start3A_139] : memref<10112x16xbf16, #tpu.memory_space<vmem_shared>> -> memref<10112x16xbf16, #tpu.memory_space<vmem_shared>>
      tpu.enqueue_indirect_dma source(%arg27 : memref<128x16xbf16, #tpu.memory_space<vmem>>) target(%dma_start3A_140 : memref<10112x16xbf16, #tpu.memory_space<vmem_shared>>) offsets(%dma_start3A_137 : memref<128xi32, #tpu.memory_space<vmem>>) semaphore(%arg22 : memref<!tpu.dma_semaphore, #tpu.memory_space<semaphore_mem>>) {add = true}
      %lt3A_141 = arith.constant 80 : i32
      %lt3A_142 = arith.cmpi slt, %add3A_95, %lt3A_141 : i32
      %convert_element_type3A_143 = arith.extui %lt3A_142 : i1 to i32
      %cond3A_144 = arith.constant 0 : i32
      %cond3A_145 = arith.cmpi ne, %convert_element_type3A_143, %cond3A_144 : i32
      scf.if %cond3A_145 {
        %jit3A_422 = arith.constant 8 : i32
        %eq3A_423 = arith.constant 0 : i32
        %eq3A_424 = arith.cmpi eq, %jit3A_422, %eq3A_423 : i32
        %jit3A_425 = arith.constant 1 : i32
        %select_n3A_426 = arith.select %eq3A_424, %jit3A_425, %jit3A_422 : i32
        %rem3A_427 = arith.remsi %add3A_95, %select_n3A_426 : i32
        %ne3A_428 = arith.constant 0 : i32
        %ne3A_429 = arith.cmpi ne, %rem3A_427, %ne3A_428 : i32
        %lt3A_430 = arith.constant 0 : i32
        %lt3A_431 = arith.cmpi slt, %rem3A_427, %lt3A_430 : i32
        %lt3A_432 = arith.constant 0 : i32
        %lt3A_433 = arith.cmpi slt, %select_n3A_426, %lt3A_432 : i32
        %ne3A_434 = arith.xori %lt3A_431, %lt3A_433 : i1
        %and3A_435 = arith.andi %ne3A_434, %ne3A_429 : i1
        %add3A_436 = arith.addi %rem3A_427, %select_n3A_426 : i32
        %select_n3A_437 = arith.select %and3A_435, %add3A_436, %rem3A_427 : i32
        %eq3A_438 = arith.constant 0 : i32
        %eq3A_439 = arith.cmpi eq, %select_n3A_437, %eq3A_438 : i32
        %convert_element_type3A_440 = arith.extui %eq3A_439 : i1 to i32
        %cond3A_441 = arith.constant 0 : i32
        %cond3A_442 = arith.cmpi ne, %convert_element_type3A_440, %cond3A_441 : i32
        scf.if %cond3A_442 {
          %jit3A_465 = arith.constant 8 : i32
          %div3A = arith.divsi %add3A_95, %jit3A_465 : i32
          %sign3A = arith.constant 0 : i32
          %sign3A_466 = arith.cmpi sgt, %add3A_95, %sign3A : i32
          %sign3A_467 = arith.extui %sign3A_466 : i1 to i32
          %sign3A_468 = arith.constant 0 : i32
          %sign3A_469 = arith.cmpi slt, %add3A_95, %sign3A_468 : i32
          %sign3A_470 = arith.extui %sign3A_469 : i1 to i32
          %sign3A_471 = arith.subi %sign3A_467, %sign3A_470 : i32
          %sign3A_472 = arith.constant 0 : i32
          %sign3A_473 = arith.cmpi sgt, %jit3A_465, %sign3A_472 : i32
          %sign3A_474 = arith.extui %sign3A_473 : i1 to i32
          %sign3A_475 = arith.constant 0 : i32
          %sign3A_476 = arith.cmpi slt, %jit3A_465, %sign3A_475 : i32
          %sign3A_477 = arith.extui %sign3A_476 : i1 to i32
          %sign3A_478 = arith.subi %sign3A_474, %sign3A_477 : i32
          %ne3A_479 = arith.cmpi ne, %sign3A_471, %sign3A_478 : i32
          %rem3A_480 = arith.remsi %add3A_95, %jit3A_465 : i32
          %ne3A_481 = arith.constant 0 : i32
          %ne3A_482 = arith.cmpi ne, %rem3A_480, %ne3A_481 : i32
          %and3A_483 = arith.andi %ne3A_479, %ne3A_482 : i1
          %sub3A = arith.constant 1 : i32
          %sub3A_484 = arith.subi %div3A, %sub3A : i32
          %select_n3A_485 = arith.select %and3A_483, %sub3A_484, %div3A : i32
          %jit3A_486 = arith.constant 2 : i32
          %eq3A_487 = arith.constant 0 : i32
          %eq3A_488 = arith.cmpi eq, %jit3A_486, %eq3A_487 : i32
          %jit3A_489 = arith.constant 1 : i32
          %select_n3A_490 = arith.select %eq3A_488, %jit3A_489, %jit3A_486 : i32
          %rem3A_491 = arith.remsi %select_n3A_485, %select_n3A_490 : i32
          %ne3A_492 = arith.constant 0 : i32
          %ne3A_493 = arith.cmpi ne, %rem3A_491, %ne3A_492 : i32
          %lt3A_494 = arith.constant 0 : i32
          %lt3A_495 = arith.cmpi slt, %rem3A_491, %lt3A_494 : i32
          %lt3A_496 = arith.constant 0 : i32
          %lt3A_497 = arith.cmpi slt, %select_n3A_490, %lt3A_496 : i32
          %ne3A_498 = arith.xori %lt3A_495, %lt3A_497 : i1
          %and3A_499 = arith.andi %ne3A_498, %ne3A_493 : i1
          %add3A_500 = arith.addi %rem3A_491, %select_n3A_490 : i32
          %select_n3A_501 = arith.select %and3A_499, %add3A_500, %rem3A_491 : i32
          %mul3A_502 = arith.constant 8 : i32
          %mul3A_503 = arith.muli %select_n3A_485, %mul3A_502 : i32
          %add3A_504 = arith.addi %mul3A_2, %mul3A_503 : i32
          %mul3A_505 = arith.constant 8 : i32
          %mul3A_506 = arith.muli %select_n3A_501, %mul3A_505 : i32
          %mul3A_507 = arith.constant 8 : i32
          %mul3A_508 = arith.muli %select_n3A_501, %mul3A_507 : i32
          %dma_wait3A_509 = arith.constant 0 : i32
          %dma_wait3A_510 = tpu.memref_slice %arg10[%mul3A_506, %dma_wait3A_509] : memref<16x128xi32, #tpu.memory_space<vmem>> -> memref<8x128xi32, #tpu.memory_space<vmem>>
          %dma_wait3A_511 = arith.constant 0 : i32
          %dma_wait3A_512 = tpu.memref_slice %arg3[%add3A_504, %dma_wait3A_511] : memref<2560x128xi32, #tpu.memory_space<hbm>> -> memref<8x128xi32, #tpu.memory_space<hbm>>
          %dma_wait3A_513 = arith.constant 0 : i32
          %dma_wait3A_514 = tpu.memref_slice %arg10[%mul3A_506, %dma_wait3A_513] : memref<16x128xi32, #tpu.memory_space<vmem>> -> memref<8x128xi32, #tpu.memory_space<vmem>>
          %dma_wait3A_515 = arith.constant 0 : i32
          %dma_wait3A_516 = tpu.memref_slice %arg3[%add3A_504, %dma_wait3A_515] : memref<2560x128xi32, #tpu.memory_space<hbm>> -> memref<8x128xi32, #tpu.memory_space<hbm>>
          tpu.wait_dma2 semaphore(%arg26 : memref<!tpu.dma_semaphore, #tpu.memory_space<semaphore_mem>>) src(%dma_wait3A_516 : memref<8x128xi32, #tpu.memory_space<hbm>>) dst(%dma_wait3A_514 : memref<8x128xi32, #tpu.memory_space<vmem>>)
          %dma_wait3A_517 = arith.constant 0 : i32
          %dma_wait3A_518 = tpu.memref_slice %arg11[%mul3A_508, %dma_wait3A_517] : memref<16x128xi32, #tpu.memory_space<vmem>> -> memref<8x128xi32, #tpu.memory_space<vmem>>
          %dma_wait3A_519 = arith.constant 0 : i32
          %dma_wait3A_520 = tpu.memref_slice %arg4[%add3A_504, %dma_wait3A_519] : memref<2560x128xi32, #tpu.memory_space<hbm>> -> memref<8x128xi32, #tpu.memory_space<hbm>>
          %dma_wait3A_521 = arith.constant 0 : i32
          %dma_wait3A_522 = tpu.memref_slice %arg11[%mul3A_508, %dma_wait3A_521] : memref<16x128xi32, #tpu.memory_space<vmem>> -> memref<8x128xi32, #tpu.memory_space<vmem>>
          %dma_wait3A_523 = arith.constant 0 : i32
          %dma_wait3A_524 = tpu.memref_slice %arg4[%add3A_504, %dma_wait3A_523] : memref<2560x128xi32, #tpu.memory_space<hbm>> -> memref<8x128xi32, #tpu.memory_space<hbm>>
          tpu.wait_dma2 semaphore(%arg26 : memref<!tpu.dma_semaphore, #tpu.memory_space<semaphore_mem>>) src(%dma_wait3A_524 : memref<8x128xi32, #tpu.memory_space<hbm>>) dst(%dma_wait3A_522 : memref<8x128xi32, #tpu.memory_space<vmem>>)
        } else {
        }
        %jit3A_443 = arith.constant 16 : i32
        %eq3A_444 = arith.constant 0 : i32
        %eq3A_445 = arith.cmpi eq, %jit3A_443, %eq3A_444 : i32
        %jit3A_446 = arith.constant 1 : i32
        %select_n3A_447 = arith.select %eq3A_445, %jit3A_446, %jit3A_443 : i32
        %rem3A_448 = arith.remsi %add3A_95, %select_n3A_447 : i32
        %ne3A_449 = arith.constant 0 : i32
        %ne3A_450 = arith.cmpi ne, %rem3A_448, %ne3A_449 : i32
        %lt3A_451 = arith.constant 0 : i32
        %lt3A_452 = arith.cmpi slt, %rem3A_448, %lt3A_451 : i32
        %lt3A_453 = arith.constant 0 : i32
        %lt3A_454 = arith.cmpi slt, %select_n3A_447, %lt3A_453 : i32
        %ne3A_455 = arith.xori %lt3A_452, %lt3A_454 : i1
        %and3A_456 = arith.andi %ne3A_455, %ne3A_450 : i1
        %add3A_457 = arith.addi %rem3A_448, %select_n3A_447 : i32
        %select_n3A_458 = arith.select %and3A_456, %add3A_457, %rem3A_448 : i32
        %dma_start3A_459 = arith.constant 0 : i32
        %dma_start3A_460 = tpu.memref_slice %arg10[%select_n3A_458, %dma_start3A_459] : memref<16x128xi32, #tpu.memory_space<vmem>> -> memref<1x128xi32, #tpu.memory_space<vmem>>
        %dma_start3A_461 = tpu.memref_squeeze %dma_start3A_460 : memref<1x128xi32, #tpu.memory_space<vmem>> -> memref<128xi32, #tpu.memory_space<vmem>>
        %dma_start3A_462 = arith.constant 0 : i32
        %dma_start3A_463 = arith.constant 0 : i32
        %dma_start3A_464 = tpu.memref_slice %arg2[%dma_start3A_462, %dma_start3A_463] : memref<10000x128xbf16, #tpu.memory_space<hbm>> -> memref<10000x128xbf16, #tpu.memory_space<hbm>>
        tpu.enqueue_indirect_dma source(%dma_start3A_464 : memref<10000x128xbf16, #tpu.memory_space<hbm>>) target(%arg14 : memref<128x128xbf16, #tpu.memory_space<vmem>>) offsets(%dma_start3A_461 : memref<128xi32, #tpu.memory_space<vmem>>) semaphore(%arg20 : memref<!tpu.dma_semaphore, #tpu.memory_space<semaphore_mem>>)
      } else {
      }
      %jit3A_146 = arith.constant 8 : i32
      %eq3A_147 = arith.constant 0 : i32
      %eq3A_148 = arith.cmpi eq, %jit3A_146, %eq3A_147 : i32
      %jit3A_149 = arith.constant 1 : i32
      %select_n3A_150 = arith.select %eq3A_148, %jit3A_149, %jit3A_146 : i32
      %rem3A_151 = arith.remsi %add3A_93, %select_n3A_150 : i32
      %ne3A_152 = arith.constant 0 : i32
      %ne3A_153 = arith.cmpi ne, %rem3A_151, %ne3A_152 : i32
      %lt3A_154 = arith.constant 0 : i32
      %lt3A_155 = arith.cmpi slt, %rem3A_151, %lt3A_154 : i32
      %lt3A_156 = arith.constant 0 : i32
      %lt3A_157 = arith.cmpi slt, %select_n3A_150, %lt3A_156 : i32
      %ne3A_158 = arith.xori %lt3A_155, %lt3A_157 : i1
      %and3A_159 = arith.andi %ne3A_158, %ne3A_153 : i1
      %add3A_160 = arith.addi %rem3A_151, %select_n3A_150 : i32
      %select_n3A_161 = arith.select %and3A_159, %add3A_160, %rem3A_151 : i32
      %eq3A_162 = arith.constant 1 : i32
      %eq3A_163 = arith.cmpi eq, %select_n3A_161, %eq3A_162 : i32
      %convert_element_type3A_164 = arith.extui %eq3A_163 : i1 to i32
      %cond3A_165 = arith.constant 0 : i32
      %cond3A_166 = arith.cmpi ne, %convert_element_type3A_164, %cond3A_165 : i32
      scf.if %cond3A_166 {
        %jit3A_422 = arith.constant 8 : i32
        %div3A = arith.divsi %add3A_93, %jit3A_422 : i32
        %sign3A = arith.constant 0 : i32
        %sign3A_423 = arith.cmpi sgt, %add3A_93, %sign3A : i32
        %sign3A_424 = arith.extui %sign3A_423 : i1 to i32
        %sign3A_425 = arith.constant 0 : i32
        %sign3A_426 = arith.cmpi slt, %add3A_93, %sign3A_425 : i32
        %sign3A_427 = arith.extui %sign3A_426 : i1 to i32
        %sign3A_428 = arith.subi %sign3A_424, %sign3A_427 : i32
        %sign3A_429 = arith.constant 0 : i32
        %sign3A_430 = arith.cmpi sgt, %jit3A_422, %sign3A_429 : i32
        %sign3A_431 = arith.extui %sign3A_430 : i1 to i32
        %sign3A_432 = arith.constant 0 : i32
        %sign3A_433 = arith.cmpi slt, %jit3A_422, %sign3A_432 : i32
        %sign3A_434 = arith.extui %sign3A_433 : i1 to i32
        %sign3A_435 = arith.subi %sign3A_431, %sign3A_434 : i32
        %ne3A_436 = arith.cmpi ne, %sign3A_428, %sign3A_435 : i32
        %rem3A_437 = arith.remsi %add3A_93, %jit3A_422 : i32
        %ne3A_438 = arith.constant 0 : i32
        %ne3A_439 = arith.cmpi ne, %rem3A_437, %ne3A_438 : i32
        %and3A_440 = arith.andi %ne3A_436, %ne3A_439 : i1
        %sub3A = arith.constant 1 : i32
        %sub3A_441 = arith.subi %div3A, %sub3A : i32
        %select_n3A_442 = arith.select %and3A_440, %sub3A_441, %div3A : i32
        %add3A_443 = arith.constant 1 : i32
        %add3A_444 = arith.addi %select_n3A_442, %add3A_443 : i32
        %lt3A_445 = arith.constant 10 : i32
        %lt3A_446 = arith.cmpi slt, %add3A_444, %lt3A_445 : i32
        %convert_element_type3A_447 = arith.extui %lt3A_446 : i1 to i32
        %cond3A_448 = arith.constant 0 : i32
        %cond3A_449 = arith.cmpi ne, %convert_element_type3A_447, %cond3A_448 : i32
        scf.if %cond3A_449 {
          %jit3A_450 = arith.constant 2 : i32
          %eq3A_451 = arith.constant 0 : i32
          %eq3A_452 = arith.cmpi eq, %jit3A_450, %eq3A_451 : i32
          %jit3A_453 = arith.constant 1 : i32
          %select_n3A_454 = arith.select %eq3A_452, %jit3A_453, %jit3A_450 : i32
          %rem3A_455 = arith.remsi %add3A_444, %select_n3A_454 : i32
          %ne3A_456 = arith.constant 0 : i32
          %ne3A_457 = arith.cmpi ne, %rem3A_455, %ne3A_456 : i32
          %lt3A_458 = arith.constant 0 : i32
          %lt3A_459 = arith.cmpi slt, %rem3A_455, %lt3A_458 : i32
          %lt3A_460 = arith.constant 0 : i32
          %lt3A_461 = arith.cmpi slt, %select_n3A_454, %lt3A_460 : i32
          %ne3A_462 = arith.xori %lt3A_459, %lt3A_461 : i1
          %and3A_463 = arith.andi %ne3A_462, %ne3A_457 : i1
          %add3A_464 = arith.addi %rem3A_455, %select_n3A_454 : i32
          %select_n3A_465 = arith.select %and3A_463, %add3A_464, %rem3A_455 : i32
          %mul3A_466 = arith.constant 8 : i32
          %mul3A_467 = arith.muli %add3A_444, %mul3A_466 : i32
          %add3A_468 = arith.addi %mul3A_2, %mul3A_467 : i32
          %mul3A_469 = arith.constant 8 : i32
          %mul3A_470 = arith.muli %select_n3A_465, %mul3A_469 : i32
          %mul3A_471 = arith.constant 8 : i32
          %mul3A_472 = arith.muli %select_n3A_465, %mul3A_471 : i32
          %dma_start3A_473 = arith.constant 0 : i32
          %dma_start3A_474 = tpu.memref_slice %arg10[%mul3A_470, %dma_start3A_473] : memref<16x128xi32, #tpu.memory_space<vmem>> -> memref<8x128xi32, #tpu.memory_space<vmem>>
          %dma_start3A_475 = arith.constant 0 : i32
          %dma_start3A_476 = tpu.memref_slice %arg3[%add3A_468, %dma_start3A_475] : memref<2560x128xi32, #tpu.memory_space<hbm>> -> memref<8x128xi32, #tpu.memory_space<hbm>>
          %dma_start3A_477 = arith.constant 0 : i32
          %dma_start3A_478 = tpu.memref_slice %arg10[%mul3A_470, %dma_start3A_477] : memref<16x128xi32, #tpu.memory_space<vmem>> -> memref<8x128xi32, #tpu.memory_space<vmem>>
          %dma_start3A_479 = arith.constant 0 : i32
          %dma_start3A_480 = tpu.memref_slice %arg3[%add3A_468, %dma_start3A_479] : memref<2560x128xi32, #tpu.memory_space<hbm>> -> memref<8x128xi32, #tpu.memory_space<hbm>>
          tpu.enqueue_dma source(%dma_start3A_480 : memref<8x128xi32, #tpu.memory_space<hbm>>) target(%dma_start3A_478 : memref<8x128xi32, #tpu.memory_space<vmem>>) target_semaphore(%arg26 : memref<!tpu.dma_semaphore, #tpu.memory_space<semaphore_mem>>)
          %dma_start3A_481 = arith.constant 0 : i32
          %dma_start3A_482 = tpu.memref_slice %arg11[%mul3A_472, %dma_start3A_481] : memref<16x128xi32, #tpu.memory_space<vmem>> -> memref<8x128xi32, #tpu.memory_space<vmem>>
          %dma_start3A_483 = arith.constant 0 : i32
          %dma_start3A_484 = tpu.memref_slice %arg4[%add3A_468, %dma_start3A_483] : memref<2560x128xi32, #tpu.memory_space<hbm>> -> memref<8x128xi32, #tpu.memory_space<hbm>>
          %dma_start3A_485 = arith.constant 0 : i32
          %dma_start3A_486 = tpu.memref_slice %arg11[%mul3A_472, %dma_start3A_485] : memref<16x128xi32, #tpu.memory_space<vmem>> -> memref<8x128xi32, #tpu.memory_space<vmem>>
          %dma_start3A_487 = arith.constant 0 : i32
          %dma_start3A_488 = tpu.memref_slice %arg4[%add3A_468, %dma_start3A_487] : memref<2560x128xi32, #tpu.memory_space<hbm>> -> memref<8x128xi32, #tpu.memory_space<hbm>>
          tpu.enqueue_dma source(%dma_start3A_488 : memref<8x128xi32, #tpu.memory_space<hbm>>) target(%dma_start3A_486 : memref<8x128xi32, #tpu.memory_space<vmem>>) target_semaphore(%arg26 : memref<!tpu.dma_semaphore, #tpu.memory_space<semaphore_mem>>)
        } else {
        }
      } else {
      }
      %add3A_167 = arith.constant 1 : i32
      %add3A_168 = arith.addi %mul3A_91, %add3A_167 : i32
      %add3A_169 = arith.constant 2 : i32
      %add3A_170 = arith.addi %add3A_168, %add3A_169 : i32
      %jit3A_171 = arith.constant 16 : i32
      %eq3A_172 = arith.constant 0 : i32
      %eq3A_173 = arith.cmpi eq, %jit3A_171, %eq3A_172 : i32
      %jit3A_174 = arith.constant 1 : i32
      %select_n3A_175 = arith.select %eq3A_173, %jit3A_174, %jit3A_171 : i32
      %rem3A_176 = arith.remsi %add3A_168, %select_n3A_175 : i32
      %ne3A_177 = arith.constant 0 : i32
      %ne3A_178 = arith.cmpi ne, %rem3A_176, %ne3A_177 : i32
      %lt3A_179 = arith.constant 0 : i32
      %lt3A_180 = arith.cmpi slt, %rem3A_176, %lt3A_179 : i32
      %lt3A_181 = arith.constant 0 : i32
      %lt3A_182 = arith.cmpi slt, %select_n3A_175, %lt3A_181 : i32
      %ne3A_183 = arith.xori %lt3A_180, %lt3A_182 : i1
      %and3A_184 = arith.andi %ne3A_183, %ne3A_178 : i1
      %add3A_185 = arith.addi %rem3A_176, %select_n3A_175 : i32
      %select_n3A_186 = arith.select %and3A_184, %add3A_185, %rem3A_176 : i32
      %dma_wait3A_187 = arith.constant 0 : i32
      %dma_wait3A_188 = tpu.memref_slice %arg10[%select_n3A_186, %dma_wait3A_187] : memref<16x128xi32, #tpu.memory_space<vmem>> -> memref<1x128xi32, #tpu.memory_space<vmem>>
      %dma_wait3A_189 = tpu.memref_squeeze %dma_wait3A_188 : memref<1x128xi32, #tpu.memory_space<vmem>> -> memref<128xi32, #tpu.memory_space<vmem>>
      %dma_wait3A_190 = arith.constant 0 : i32
      %dma_wait3A_191 = arith.constant 0 : i32
      %dma_wait3A_192 = tpu.memref_slice %arg2[%dma_wait3A_190, %dma_wait3A_191] : memref<10000x128xbf16, #tpu.memory_space<hbm>> -> memref<10000x128xbf16, #tpu.memory_space<hbm>>
      tpu.wait_indirect_dma semaphore(%arg19 : memref<!tpu.dma_semaphore, #tpu.memory_space<semaphore_mem>>) src(%dma_wait3A_192 : memref<10000x128xbf16, #tpu.memory_space<hbm>>) dst(%arg13 : memref<128x128xbf16, #tpu.memory_space<vmem>>)
      %ge3A_193 = arith.constant 2 : i32
      %ge3A_194 = arith.cmpi sge, %add3A_168, %ge3A_193 : i32
      %convert_element_type3A_195 = arith.extui %ge3A_194 : i1 to i32
      %cond3A_196 = arith.constant 0 : i32
      %cond3A_197 = arith.cmpi ne, %convert_element_type3A_195, %cond3A_196 : i32
      scf.if %cond3A_197 {
        %sub3A = arith.constant 2 : i32
        %sub3A_422 = arith.subi %add3A_168, %sub3A : i32
        %jit3A_423 = arith.constant 16 : i32
        %eq3A_424 = arith.constant 0 : i32
        %eq3A_425 = arith.cmpi eq, %jit3A_423, %eq3A_424 : i32
        %jit3A_426 = arith.constant 1 : i32
        %select_n3A_427 = arith.select %eq3A_425, %jit3A_426, %jit3A_423 : i32
        %rem3A_428 = arith.remsi %sub3A_422, %select_n3A_427 : i32
        %ne3A_429 = arith.constant 0 : i32
        %ne3A_430 = arith.cmpi ne, %rem3A_428, %ne3A_429 : i32
        %lt3A_431 = arith.constant 0 : i32
        %lt3A_432 = arith.cmpi slt, %rem3A_428, %lt3A_431 : i32
        %lt3A_433 = arith.constant 0 : i32
        %lt3A_434 = arith.cmpi slt, %select_n3A_427, %lt3A_433 : i32
        %ne3A_435 = arith.xori %lt3A_432, %lt3A_434 : i1
        %and3A_436 = arith.andi %ne3A_435, %ne3A_430 : i1
        %add3A_437 = arith.addi %rem3A_428, %select_n3A_427 : i32
        %select_n3A_438 = arith.select %and3A_436, %add3A_437, %rem3A_428 : i32
        %dma_wait3A_439 = arith.constant 0 : i32
        %dma_wait3A_440 = tpu.memref_slice %arg11[%select_n3A_438, %dma_wait3A_439] : memref<16x128xi32, #tpu.memory_space<vmem>> -> memref<1x128xi32, #tpu.memory_space<vmem>>
        %dma_wait3A_441 = tpu.memref_squeeze %dma_wait3A_440 : memref<1x128xi32, #tpu.memory_space<vmem>> -> memref<128xi32, #tpu.memory_space<vmem>>
        %dma_wait3A_442 = arith.constant 0 : i32
        %dma_wait3A_443 = arith.constant 0 : i32
        %dma_wait3A_444 = tpu.memref_slice %arg17[%dma_wait3A_442, %dma_wait3A_443] : memref<10112x128xbf16, #tpu.memory_space<vmem_shared>> -> memref<10112x128xbf16, #tpu.memory_space<vmem_shared>>
        tpu.wait_indirect_dma semaphore(%arg25 : memref<!tpu.dma_semaphore, #tpu.memory_space<semaphore_mem>>) src(%arg15 : memref<128x128xbf16, #tpu.memory_space<vmem>>) dst(%dma_wait3A_444 : memref<10112x128xbf16, #tpu.memory_space<vmem_shared>>)
        %dma_wait3A_445 = arith.constant 0 : i32
        %dma_wait3A_446 = tpu.memref_slice %arg11[%select_n3A_438, %dma_wait3A_445] : memref<16x128xi32, #tpu.memory_space<vmem>> -> memref<1x128xi32, #tpu.memory_space<vmem>>
        %dma_wait3A_447 = tpu.memref_squeeze %dma_wait3A_446 : memref<1x128xi32, #tpu.memory_space<vmem>> -> memref<128xi32, #tpu.memory_space<vmem>>
        %dma_wait3A_448 = arith.constant 0 : i32
        %dma_wait3A_449 = arith.constant 0 : i32
        %dma_wait3A_450 = tpu.memref_slice %arg29[%dma_wait3A_448, %dma_wait3A_449] : memref<10112x16xbf16, #tpu.memory_space<vmem_shared>> -> memref<10112x16xbf16, #tpu.memory_space<vmem_shared>>
        tpu.wait_indirect_dma semaphore(%arg25 : memref<!tpu.dma_semaphore, #tpu.memory_space<semaphore_mem>>) src(%arg27 : memref<128x16xbf16, #tpu.memory_space<vmem>>) dst(%dma_wait3A_450 : memref<10112x16xbf16, #tpu.memory_space<vmem_shared>>)
      } else {
      }
      %jit3A_198 = arith.constant 16 : i32
      %eq3A_199 = arith.constant 0 : i32
      %eq3A_200 = arith.cmpi eq, %jit3A_198, %eq3A_199 : i32
      %jit3A_201 = arith.constant 1 : i32
      %select_n3A_202 = arith.select %eq3A_200, %jit3A_201, %jit3A_198 : i32
      %rem3A_203 = arith.remsi %add3A_168, %select_n3A_202 : i32
      %ne3A_204 = arith.constant 0 : i32
      %ne3A_205 = arith.cmpi ne, %rem3A_203, %ne3A_204 : i32
      %lt3A_206 = arith.constant 0 : i32
      %lt3A_207 = arith.cmpi slt, %rem3A_203, %lt3A_206 : i32
      %lt3A_208 = arith.constant 0 : i32
      %lt3A_209 = arith.cmpi slt, %select_n3A_202, %lt3A_208 : i32
      %ne3A_210 = arith.xori %lt3A_207, %lt3A_209 : i1
      %and3A_211 = arith.andi %ne3A_210, %ne3A_205 : i1
      %add3A_212 = arith.addi %rem3A_203, %select_n3A_202 : i32
      %select_n3A_213 = arith.select %and3A_211, %add3A_212, %rem3A_203 : i32
      %dma_start3A_214 = arith.constant 0 : i32
      %dma_start3A_215 = tpu.memref_slice %arg11[%select_n3A_213, %dma_start3A_214] : memref<16x128xi32, #tpu.memory_space<vmem>> -> memref<1x128xi32, #tpu.memory_space<vmem>>
      %dma_start3A_216 = tpu.memref_squeeze %dma_start3A_215 : memref<1x128xi32, #tpu.memory_space<vmem>> -> memref<128xi32, #tpu.memory_space<vmem>>
      %dma_start3A_217 = arith.constant 0 : i32
      %dma_start3A_218 = arith.constant 0 : i32
      %dma_start3A_219 = tpu.memref_slice %arg17[%dma_start3A_217, %dma_start3A_218] : memref<10112x128xbf16, #tpu.memory_space<vmem_shared>> -> memref<10112x128xbf16, #tpu.memory_space<vmem_shared>>
      tpu.enqueue_indirect_dma source(%arg13 : memref<128x128xbf16, #tpu.memory_space<vmem>>) target(%dma_start3A_219 : memref<10112x128xbf16, #tpu.memory_space<vmem_shared>>) offsets(%dma_start3A_216 : memref<128xi32, #tpu.memory_space<vmem>>) semaphore(%arg23 : memref<!tpu.dma_semaphore, #tpu.memory_space<semaphore_mem>>) {add = true}
      %dma_start3A_220 = arith.constant 0 : i32
      %dma_start3A_221 = tpu.memref_slice %arg11[%select_n3A_213, %dma_start3A_220] : memref<16x128xi32, #tpu.memory_space<vmem>> -> memref<1x128xi32, #tpu.memory_space<vmem>>
      %dma_start3A_222 = tpu.memref_squeeze %dma_start3A_221 : memref<1x128xi32, #tpu.memory_space<vmem>> -> memref<128xi32, #tpu.memory_space<vmem>>
      %dma_start3A_223 = arith.constant 0 : i32
      %dma_start3A_224 = arith.constant 0 : i32
      %dma_start3A_225 = tpu.memref_slice %arg29[%dma_start3A_223, %dma_start3A_224] : memref<10112x16xbf16, #tpu.memory_space<vmem_shared>> -> memref<10112x16xbf16, #tpu.memory_space<vmem_shared>>
      tpu.enqueue_indirect_dma source(%arg27 : memref<128x16xbf16, #tpu.memory_space<vmem>>) target(%dma_start3A_225 : memref<10112x16xbf16, #tpu.memory_space<vmem_shared>>) offsets(%dma_start3A_222 : memref<128xi32, #tpu.memory_space<vmem>>) semaphore(%arg23 : memref<!tpu.dma_semaphore, #tpu.memory_space<semaphore_mem>>) {add = true}
      %lt3A_226 = arith.constant 80 : i32
      %lt3A_227 = arith.cmpi slt, %add3A_170, %lt3A_226 : i32
      %convert_element_type3A_228 = arith.extui %lt3A_227 : i1 to i32
      %cond3A_229 = arith.constant 0 : i32
      %cond3A_230 = arith.cmpi ne, %convert_element_type3A_228, %cond3A_229 : i32
      scf.if %cond3A_230 {
        %jit3A_422 = arith.constant 8 : i32
        %eq3A_423 = arith.constant 0 : i32
        %eq3A_424 = arith.cmpi eq, %jit3A_422, %eq3A_423 : i32
        %jit3A_425 = arith.constant 1 : i32
        %select_n3A_426 = arith.select %eq3A_424, %jit3A_425, %jit3A_422 : i32
        %rem3A_427 = arith.remsi %add3A_170, %select_n3A_426 : i32
        %ne3A_428 = arith.constant 0 : i32
        %ne3A_429 = arith.cmpi ne, %rem3A_427, %ne3A_428 : i32
        %lt3A_430 = arith.constant 0 : i32
        %lt3A_431 = arith.cmpi slt, %rem3A_427, %lt3A_430 : i32
        %lt3A_432 = arith.constant 0 : i32
        %lt3A_433 = arith.cmpi slt, %select_n3A_426, %lt3A_432 : i32
        %ne3A_434 = arith.xori %lt3A_431, %lt3A_433 : i1
        %and3A_435 = arith.andi %ne3A_434, %ne3A_429 : i1
        %add3A_436 = arith.addi %rem3A_427, %select_n3A_426 : i32
        %select_n3A_437 = arith.select %and3A_435, %add3A_436, %rem3A_427 : i32
        %eq3A_438 = arith.constant 0 : i32
        %eq3A_439 = arith.cmpi eq, %select_n3A_437, %eq3A_438 : i32
        %convert_element_type3A_440 = arith.extui %eq3A_439 : i1 to i32
        %cond3A_441 = arith.constant 0 : i32
        %cond3A_442 = arith.cmpi ne, %convert_element_type3A_440, %cond3A_441 : i32
        scf.if %cond3A_442 {
          %jit3A_465 = arith.constant 8 : i32
          %div3A = arith.divsi %add3A_170, %jit3A_465 : i32
          %sign3A = arith.constant 0 : i32
          %sign3A_466 = arith.cmpi sgt, %add3A_170, %sign3A : i32
          %sign3A_467 = arith.extui %sign3A_466 : i1 to i32
          %sign3A_468 = arith.constant 0 : i32
          %sign3A_469 = arith.cmpi slt, %add3A_170, %sign3A_468 : i32
          %sign3A_470 = arith.extui %sign3A_469 : i1 to i32
          %sign3A_471 = arith.subi %sign3A_467, %sign3A_470 : i32
          %sign3A_472 = arith.constant 0 : i32
          %sign3A_473 = arith.cmpi sgt, %jit3A_465, %sign3A_472 : i32
          %sign3A_474 = arith.extui %sign3A_473 : i1 to i32
          %sign3A_475 = arith.constant 0 : i32
          %sign3A_476 = arith.cmpi slt, %jit3A_465, %sign3A_475 : i32
          %sign3A_477 = arith.extui %sign3A_476 : i1 to i32
          %sign3A_478 = arith.subi %sign3A_474, %sign3A_477 : i32
          %ne3A_479 = arith.cmpi ne, %sign3A_471, %sign3A_478 : i32
          %rem3A_480 = arith.remsi %add3A_170, %jit3A_465 : i32
          %ne3A_481 = arith.constant 0 : i32
          %ne3A_482 = arith.cmpi ne, %rem3A_480, %ne3A_481 : i32
          %and3A_483 = arith.andi %ne3A_479, %ne3A_482 : i1
          %sub3A = arith.constant 1 : i32
          %sub3A_484 = arith.subi %div3A, %sub3A : i32
          %select_n3A_485 = arith.select %and3A_483, %sub3A_484, %div3A : i32
          %jit3A_486 = arith.constant 2 : i32
          %eq3A_487 = arith.constant 0 : i32
          %eq3A_488 = arith.cmpi eq, %jit3A_486, %eq3A_487 : i32
          %jit3A_489 = arith.constant 1 : i32
          %select_n3A_490 = arith.select %eq3A_488, %jit3A_489, %jit3A_486 : i32
          %rem3A_491 = arith.remsi %select_n3A_485, %select_n3A_490 : i32
          %ne3A_492 = arith.constant 0 : i32
          %ne3A_493 = arith.cmpi ne, %rem3A_491, %ne3A_492 : i32
          %lt3A_494 = arith.constant 0 : i32
          %lt3A_495 = arith.cmpi slt, %rem3A_491, %lt3A_494 : i32
          %lt3A_496 = arith.constant 0 : i32
          %lt3A_497 = arith.cmpi slt, %select_n3A_490, %lt3A_496 : i32
          %ne3A_498 = arith.xori %lt3A_495, %lt3A_497 : i1
          %and3A_499 = arith.andi %ne3A_498, %ne3A_493 : i1
          %add3A_500 = arith.addi %rem3A_491, %select_n3A_490 : i32
          %select_n3A_501 = arith.select %and3A_499, %add3A_500, %rem3A_491 : i32
          %mul3A_502 = arith.constant 8 : i32
          %mul3A_503 = arith.muli %select_n3A_485, %mul3A_502 : i32
          %add3A_504 = arith.addi %mul3A_2, %mul3A_503 : i32
          %mul3A_505 = arith.constant 8 : i32
          %mul3A_506 = arith.muli %select_n3A_501, %mul3A_505 : i32
          %mul3A_507 = arith.constant 8 : i32
          %mul3A_508 = arith.muli %select_n3A_501, %mul3A_507 : i32
          %dma_wait3A_509 = arith.constant 0 : i32
          %dma_wait3A_510 = tpu.memref_slice %arg10[%mul3A_506, %dma_wait3A_509] : memref<16x128xi32, #tpu.memory_space<vmem>> -> memref<8x128xi32, #tpu.memory_space<vmem>>
          %dma_wait3A_511 = arith.constant 0 : i32
          %dma_wait3A_512 = tpu.memref_slice %arg3[%add3A_504, %dma_wait3A_511] : memref<2560x128xi32, #tpu.memory_space<hbm>> -> memref<8x128xi32, #tpu.memory_space<hbm>>
          %dma_wait3A_513 = arith.constant 0 : i32
          %dma_wait3A_514 = tpu.memref_slice %arg10[%mul3A_506, %dma_wait3A_513] : memref<16x128xi32, #tpu.memory_space<vmem>> -> memref<8x128xi32, #tpu.memory_space<vmem>>
          %dma_wait3A_515 = arith.constant 0 : i32
          %dma_wait3A_516 = tpu.memref_slice %arg3[%add3A_504, %dma_wait3A_515] : memref<2560x128xi32, #tpu.memory_space<hbm>> -> memref<8x128xi32, #tpu.memory_space<hbm>>
          tpu.wait_dma2 semaphore(%arg26 : memref<!tpu.dma_semaphore, #tpu.memory_space<semaphore_mem>>) src(%dma_wait3A_516 : memref<8x128xi32, #tpu.memory_space<hbm>>) dst(%dma_wait3A_514 : memref<8x128xi32, #tpu.memory_space<vmem>>)
          %dma_wait3A_517 = arith.constant 0 : i32
          %dma_wait3A_518 = tpu.memref_slice %arg11[%mul3A_508, %dma_wait3A_517] : memref<16x128xi32, #tpu.memory_space<vmem>> -> memref<8x128xi32, #tpu.memory_space<vmem>>
          %dma_wait3A_519 = arith.constant 0 : i32
          %dma_wait3A_520 = tpu.memref_slice %arg4[%add3A_504, %dma_wait3A_519] : memref<2560x128xi32, #tpu.memory_space<hbm>> -> memref<8x128xi32, #tpu.memory_space<hbm>>
          %dma_wait3A_521 = arith.constant 0 : i32
          %dma_wait3A_522 = tpu.memref_slice %arg11[%mul3A_508, %dma_wait3A_521] : memref<16x128xi32, #tpu.memory_space<vmem>> -> memref<8x128xi32, #tpu.memory_space<vmem>>
          %dma_wait3A_523 = arith.constant 0 : i32
          %dma_wait3A_524 = tpu.memref_slice %arg4[%add3A_504, %dma_wait3A_523] : memref<2560x128xi32, #tpu.memory_space<hbm>> -> memref<8x128xi32, #tpu.memory_space<hbm>>
          tpu.wait_dma2 semaphore(%arg26 : memref<!tpu.dma_semaphore, #tpu.memory_space<semaphore_mem>>) src(%dma_wait3A_524 : memref<8x128xi32, #tpu.memory_space<hbm>>) dst(%dma_wait3A_522 : memref<8x128xi32, #tpu.memory_space<vmem>>)
        } else {
        }
        %jit3A_443 = arith.constant 16 : i32
        %eq3A_444 = arith.constant 0 : i32
        %eq3A_445 = arith.cmpi eq, %jit3A_443, %eq3A_444 : i32
        %jit3A_446 = arith.constant 1 : i32
        %select_n3A_447 = arith.select %eq3A_445, %jit3A_446, %jit3A_443 : i32
        %rem3A_448 = arith.remsi %add3A_170, %select_n3A_447 : i32
        %ne3A_449 = arith.constant 0 : i32
        %ne3A_450 = arith.cmpi ne, %rem3A_448, %ne3A_449 : i32
        %lt3A_451 = arith.constant 0 : i32
        %lt3A_452 = arith.cmpi slt, %rem3A_448, %lt3A_451 : i32
        %lt3A_453 = arith.constant 0 : i32
        %lt3A_454 = arith.cmpi slt, %select_n3A_447, %lt3A_453 : i32
        %ne3A_455 = arith.xori %lt3A_452, %lt3A_454 : i1
        %and3A_456 = arith.andi %ne3A_455, %ne3A_450 : i1
        %add3A_457 = arith.addi %rem3A_448, %select_n3A_447 : i32
        %select_n3A_458 = arith.select %and3A_456, %add3A_457, %rem3A_448 : i32
        %dma_start3A_459 = arith.constant 0 : i32
        %dma_start3A_460 = tpu.memref_slice %arg10[%select_n3A_458, %dma_start3A_459] : memref<16x128xi32, #tpu.memory_space<vmem>> -> memref<1x128xi32, #tpu.memory_space<vmem>>
        %dma_start3A_461 = tpu.memref_squeeze %dma_start3A_460 : memref<1x128xi32, #tpu.memory_space<vmem>> -> memref<128xi32, #tpu.memory_space<vmem>>
        %dma_start3A_462 = arith.constant 0 : i32
        %dma_start3A_463 = arith.constant 0 : i32
        %dma_start3A_464 = tpu.memref_slice %arg2[%dma_start3A_462, %dma_start3A_463] : memref<10000x128xbf16, #tpu.memory_space<hbm>> -> memref<10000x128xbf16, #tpu.memory_space<hbm>>
        tpu.enqueue_indirect_dma source(%dma_start3A_464 : memref<10000x128xbf16, #tpu.memory_space<hbm>>) target(%arg15 : memref<128x128xbf16, #tpu.memory_space<vmem>>) offsets(%dma_start3A_461 : memref<128xi32, #tpu.memory_space<vmem>>) semaphore(%arg21 : memref<!tpu.dma_semaphore, #tpu.memory_space<semaphore_mem>>)
      } else {
      }
      %jit3A_231 = arith.constant 8 : i32
      %eq3A_232 = arith.constant 0 : i32
      %eq3A_233 = arith.cmpi eq, %jit3A_231, %eq3A_232 : i32
      %jit3A_234 = arith.constant 1 : i32
      %select_n3A_235 = arith.select %eq3A_233, %jit3A_234, %jit3A_231 : i32
      %rem3A_236 = arith.remsi %add3A_168, %select_n3A_235 : i32
      %ne3A_237 = arith.constant 0 : i32
      %ne3A_238 = arith.cmpi ne, %rem3A_236, %ne3A_237 : i32
      %lt3A_239 = arith.constant 0 : i32
      %lt3A_240 = arith.cmpi slt, %rem3A_236, %lt3A_239 : i32
      %lt3A_241 = arith.constant 0 : i32
      %lt3A_242 = arith.cmpi slt, %select_n3A_235, %lt3A_241 : i32
      %ne3A_243 = arith.xori %lt3A_240, %lt3A_242 : i1
      %and3A_244 = arith.andi %ne3A_243, %ne3A_238 : i1
      %add3A_245 = arith.addi %rem3A_236, %select_n3A_235 : i32
      %select_n3A_246 = arith.select %and3A_244, %add3A_245, %rem3A_236 : i32
      %eq3A_247 = arith.constant 1 : i32
      %eq3A_248 = arith.cmpi eq, %select_n3A_246, %eq3A_247 : i32
      %convert_element_type3A_249 = arith.extui %eq3A_248 : i1 to i32
      %cond3A_250 = arith.constant 0 : i32
      %cond3A_251 = arith.cmpi ne, %convert_element_type3A_249, %cond3A_250 : i32
      scf.if %cond3A_251 {
        %jit3A_422 = arith.constant 8 : i32
        %div3A = arith.divsi %add3A_168, %jit3A_422 : i32
        %sign3A = arith.constant 0 : i32
        %sign3A_423 = arith.cmpi sgt, %add3A_168, %sign3A : i32
        %sign3A_424 = arith.extui %sign3A_423 : i1 to i32
        %sign3A_425 = arith.constant 0 : i32
        %sign3A_426 = arith.cmpi slt, %add3A_168, %sign3A_425 : i32
        %sign3A_427 = arith.extui %sign3A_426 : i1 to i32
        %sign3A_428 = arith.subi %sign3A_424, %sign3A_427 : i32
        %sign3A_429 = arith.constant 0 : i32
        %sign3A_430 = arith.cmpi sgt, %jit3A_422, %sign3A_429 : i32
        %sign3A_431 = arith.extui %sign3A_430 : i1 to i32
        %sign3A_432 = arith.constant 0 : i32
        %sign3A_433 = arith.cmpi slt, %jit3A_422, %sign3A_432 : i32
        %sign3A_434 = arith.extui %sign3A_433 : i1 to i32
        %sign3A_435 = arith.subi %sign3A_431, %sign3A_434 : i32
        %ne3A_436 = arith.cmpi ne, %sign3A_428, %sign3A_435 : i32
        %rem3A_437 = arith.remsi %add3A_168, %jit3A_422 : i32
        %ne3A_438 = arith.constant 0 : i32
        %ne3A_439 = arith.cmpi ne, %rem3A_437, %ne3A_438 : i32
        %and3A_440 = arith.andi %ne3A_436, %ne3A_439 : i1
        %sub3A = arith.constant 1 : i32
        %sub3A_441 = arith.subi %div3A, %sub3A : i32
        %select_n3A_442 = arith.select %and3A_440, %sub3A_441, %div3A : i32
        %add3A_443 = arith.constant 1 : i32
        %add3A_444 = arith.addi %select_n3A_442, %add3A_443 : i32
        %lt3A_445 = arith.constant 10 : i32
        %lt3A_446 = arith.cmpi slt, %add3A_444, %lt3A_445 : i32
        %convert_element_type3A_447 = arith.extui %lt3A_446 : i1 to i32
        %cond3A_448 = arith.constant 0 : i32
        %cond3A_449 = arith.cmpi ne, %convert_element_type3A_447, %cond3A_448 : i32
        scf.if %cond3A_449 {
          %jit3A_450 = arith.constant 2 : i32
          %eq3A_451 = arith.constant 0 : i32
          %eq3A_452 = arith.cmpi eq, %jit3A_450, %eq3A_451 : i32
          %jit3A_453 = arith.constant 1 : i32
          %select_n3A_454 = arith.select %eq3A_452, %jit3A_453, %jit3A_450 : i32
          %rem3A_455 = arith.remsi %add3A_444, %select_n3A_454 : i32
          %ne3A_456 = arith.constant 0 : i32
          %ne3A_457 = arith.cmpi ne, %rem3A_455, %ne3A_456 : i32
          %lt3A_458 = arith.constant 0 : i32
          %lt3A_459 = arith.cmpi slt, %rem3A_455, %lt3A_458 : i32
          %lt3A_460 = arith.constant 0 : i32
          %lt3A_461 = arith.cmpi slt, %select_n3A_454, %lt3A_460 : i32
          %ne3A_462 = arith.xori %lt3A_459, %lt3A_461 : i1
          %and3A_463 = arith.andi %ne3A_462, %ne3A_457 : i1
          %add3A_464 = arith.addi %rem3A_455, %select_n3A_454 : i32
          %select_n3A_465 = arith.select %and3A_463, %add3A_464, %rem3A_455 : i32
          %mul3A_466 = arith.constant 8 : i32
          %mul3A_467 = arith.muli %add3A_444, %mul3A_466 : i32
          %add3A_468 = arith.addi %mul3A_2, %mul3A_467 : i32
          %mul3A_469 = arith.constant 8 : i32
          %mul3A_470 = arith.muli %select_n3A_465, %mul3A_469 : i32
          %mul3A_471 = arith.constant 8 : i32
          %mul3A_472 = arith.muli %select_n3A_465, %mul3A_471 : i32
          %dma_start3A_473 = arith.constant 0 : i32
          %dma_start3A_474 = tpu.memref_slice %arg10[%mul3A_470, %dma_start3A_473] : memref<16x128xi32, #tpu.memory_space<vmem>> -> memref<8x128xi32, #tpu.memory_space<vmem>>
          %dma_start3A_475 = arith.constant 0 : i32
          %dma_start3A_476 = tpu.memref_slice %arg3[%add3A_468, %dma_start3A_475] : memref<2560x128xi32, #tpu.memory_space<hbm>> -> memref<8x128xi32, #tpu.memory_space<hbm>>
          %dma_start3A_477 = arith.constant 0 : i32
          %dma_start3A_478 = tpu.memref_slice %arg10[%mul3A_470, %dma_start3A_477] : memref<16x128xi32, #tpu.memory_space<vmem>> -> memref<8x128xi32, #tpu.memory_space<vmem>>
          %dma_start3A_479 = arith.constant 0 : i32
          %dma_start3A_480 = tpu.memref_slice %arg3[%add3A_468, %dma_start3A_479] : memref<2560x128xi32, #tpu.memory_space<hbm>> -> memref<8x128xi32, #tpu.memory_space<hbm>>
          tpu.enqueue_dma source(%dma_start3A_480 : memref<8x128xi32, #tpu.memory_space<hbm>>) target(%dma_start3A_478 : memref<8x128xi32, #tpu.memory_space<vmem>>) target_semaphore(%arg26 : memref<!tpu.dma_semaphore, #tpu.memory_space<semaphore_mem>>)
          %dma_start3A_481 = arith.constant 0 : i32
          %dma_start3A_482 = tpu.memref_slice %arg11[%mul3A_472, %dma_start3A_481] : memref<16x128xi32, #tpu.memory_space<vmem>> -> memref<8x128xi32, #tpu.memory_space<vmem>>
          %dma_start3A_483 = arith.constant 0 : i32
          %dma_start3A_484 = tpu.memref_slice %arg4[%add3A_468, %dma_start3A_483] : memref<2560x128xi32, #tpu.memory_space<hbm>> -> memref<8x128xi32, #tpu.memory_space<hbm>>
          %dma_start3A_485 = arith.constant 0 : i32
          %dma_start3A_486 = tpu.memref_slice %arg11[%mul3A_472, %dma_start3A_485] : memref<16x128xi32, #tpu.memory_space<vmem>> -> memref<8x128xi32, #tpu.memory_space<vmem>>
          %dma_start3A_487 = arith.constant 0 : i32
          %dma_start3A_488 = tpu.memref_slice %arg4[%add3A_468, %dma_start3A_487] : memref<2560x128xi32, #tpu.memory_space<hbm>> -> memref<8x128xi32, #tpu.memory_space<hbm>>
          tpu.enqueue_dma source(%dma_start3A_488 : memref<8x128xi32, #tpu.memory_space<hbm>>) target(%dma_start3A_486 : memref<8x128xi32, #tpu.memory_space<vmem>>) target_semaphore(%arg26 : memref<!tpu.dma_semaphore, #tpu.memory_space<semaphore_mem>>)
        } else {
        }
      } else {
      }
      %add3A_252 = arith.constant 2 : i32
      %add3A_253 = arith.addi %mul3A_91, %add3A_252 : i32
      %add3A_254 = arith.constant 2 : i32
      %add3A_255 = arith.addi %add3A_253, %add3A_254 : i32
      %jit3A_256 = arith.constant 16 : i32
      %eq3A_257 = arith.constant 0 : i32
      %eq3A_258 = arith.cmpi eq, %jit3A_256, %eq3A_257 : i32
      %jit3A_259 = arith.constant 1 : i32
      %select_n3A_260 = arith.select %eq3A_258, %jit3A_259, %jit3A_256 : i32
      %rem3A_261 = arith.remsi %add3A_253, %select_n3A_260 : i32
      %ne3A_262 = arith.constant 0 : i32
      %ne3A_263 = arith.cmpi ne, %rem3A_261, %ne3A_262 : i32
      %lt3A_264 = arith.constant 0 : i32
      %lt3A_265 = arith.cmpi slt, %rem3A_261, %lt3A_264 : i32
      %lt3A_266 = arith.constant 0 : i32
      %lt3A_267 = arith.cmpi slt, %select_n3A_260, %lt3A_266 : i32
      %ne3A_268 = arith.xori %lt3A_265, %lt3A_267 : i1
      %and3A_269 = arith.andi %ne3A_268, %ne3A_263 : i1
      %add3A_270 = arith.addi %rem3A_261, %select_n3A_260 : i32
      %select_n3A_271 = arith.select %and3A_269, %add3A_270, %rem3A_261 : i32
      %dma_wait3A_272 = arith.constant 0 : i32
      %dma_wait3A_273 = tpu.memref_slice %arg10[%select_n3A_271, %dma_wait3A_272] : memref<16x128xi32, #tpu.memory_space<vmem>> -> memref<1x128xi32, #tpu.memory_space<vmem>>
      %dma_wait3A_274 = tpu.memref_squeeze %dma_wait3A_273 : memref<1x128xi32, #tpu.memory_space<vmem>> -> memref<128xi32, #tpu.memory_space<vmem>>
      %dma_wait3A_275 = arith.constant 0 : i32
      %dma_wait3A_276 = arith.constant 0 : i32
      %dma_wait3A_277 = tpu.memref_slice %arg2[%dma_wait3A_275, %dma_wait3A_276] : memref<10000x128xbf16, #tpu.memory_space<hbm>> -> memref<10000x128xbf16, #tpu.memory_space<hbm>>
      tpu.wait_indirect_dma semaphore(%arg20 : memref<!tpu.dma_semaphore, #tpu.memory_space<semaphore_mem>>) src(%dma_wait3A_277 : memref<10000x128xbf16, #tpu.memory_space<hbm>>) dst(%arg14 : memref<128x128xbf16, #tpu.memory_space<vmem>>)
      %ge3A_278 = arith.constant 2 : i32
      %ge3A_279 = arith.cmpi sge, %add3A_253, %ge3A_278 : i32
      %convert_element_type3A_280 = arith.extui %ge3A_279 : i1 to i32
      %cond3A_281 = arith.constant 0 : i32
      %cond3A_282 = arith.cmpi ne, %convert_element_type3A_280, %cond3A_281 : i32
      scf.if %cond3A_282 {
        %sub3A = arith.constant 2 : i32
        %sub3A_422 = arith.subi %add3A_253, %sub3A : i32
        %jit3A_423 = arith.constant 16 : i32
        %eq3A_424 = arith.constant 0 : i32
        %eq3A_425 = arith.cmpi eq, %jit3A_423, %eq3A_424 : i32
        %jit3A_426 = arith.constant 1 : i32
        %select_n3A_427 = arith.select %eq3A_425, %jit3A_426, %jit3A_423 : i32
        %rem3A_428 = arith.remsi %sub3A_422, %select_n3A_427 : i32
        %ne3A_429 = arith.constant 0 : i32
        %ne3A_430 = arith.cmpi ne, %rem3A_428, %ne3A_429 : i32
        %lt3A_431 = arith.constant 0 : i32
        %lt3A_432 = arith.cmpi slt, %rem3A_428, %lt3A_431 : i32
        %lt3A_433 = arith.constant 0 : i32
        %lt3A_434 = arith.cmpi slt, %select_n3A_427, %lt3A_433 : i32
        %ne3A_435 = arith.xori %lt3A_432, %lt3A_434 : i1
        %and3A_436 = arith.andi %ne3A_435, %ne3A_430 : i1
        %add3A_437 = arith.addi %rem3A_428, %select_n3A_427 : i32
        %select_n3A_438 = arith.select %and3A_436, %add3A_437, %rem3A_428 : i32
        %dma_wait3A_439 = arith.constant 0 : i32
        %dma_wait3A_440 = tpu.memref_slice %arg11[%select_n3A_438, %dma_wait3A_439] : memref<16x128xi32, #tpu.memory_space<vmem>> -> memref<1x128xi32, #tpu.memory_space<vmem>>
        %dma_wait3A_441 = tpu.memref_squeeze %dma_wait3A_440 : memref<1x128xi32, #tpu.memory_space<vmem>> -> memref<128xi32, #tpu.memory_space<vmem>>
        %dma_wait3A_442 = arith.constant 0 : i32
        %dma_wait3A_443 = arith.constant 0 : i32
        %dma_wait3A_444 = tpu.memref_slice %arg16[%dma_wait3A_442, %dma_wait3A_443] : memref<10112x128xbf16, #tpu.memory_space<vmem_shared>> -> memref<10112x128xbf16, #tpu.memory_space<vmem_shared>>
        tpu.wait_indirect_dma semaphore(%arg22 : memref<!tpu.dma_semaphore, #tpu.memory_space<semaphore_mem>>) src(%arg12 : memref<128x128xbf16, #tpu.memory_space<vmem>>) dst(%dma_wait3A_444 : memref<10112x128xbf16, #tpu.memory_space<vmem_shared>>)
        %dma_wait3A_445 = arith.constant 0 : i32
        %dma_wait3A_446 = tpu.memref_slice %arg11[%select_n3A_438, %dma_wait3A_445] : memref<16x128xi32, #tpu.memory_space<vmem>> -> memref<1x128xi32, #tpu.memory_space<vmem>>
        %dma_wait3A_447 = tpu.memref_squeeze %dma_wait3A_446 : memref<1x128xi32, #tpu.memory_space<vmem>> -> memref<128xi32, #tpu.memory_space<vmem>>
        %dma_wait3A_448 = arith.constant 0 : i32
        %dma_wait3A_449 = arith.constant 0 : i32
        %dma_wait3A_450 = tpu.memref_slice %arg28[%dma_wait3A_448, %dma_wait3A_449] : memref<10112x16xbf16, #tpu.memory_space<vmem_shared>> -> memref<10112x16xbf16, #tpu.memory_space<vmem_shared>>
        tpu.wait_indirect_dma semaphore(%arg22 : memref<!tpu.dma_semaphore, #tpu.memory_space<semaphore_mem>>) src(%arg27 : memref<128x16xbf16, #tpu.memory_space<vmem>>) dst(%dma_wait3A_450 : memref<10112x16xbf16, #tpu.memory_space<vmem_shared>>)
      } else {
      }
      %jit3A_283 = arith.constant 16 : i32
      %eq3A_284 = arith.constant 0 : i32
      %eq3A_285 = arith.cmpi eq, %jit3A_283, %eq3A_284 : i32
      %jit3A_286 = arith.constant 1 : i32
      %select_n3A_287 = arith.select %eq3A_285, %jit3A_286, %jit3A_283 : i32
      %rem3A_288 = arith.remsi %add3A_253, %select_n3A_287 : i32
      %ne3A_289 = arith.constant 0 : i32
      %ne3A_290 = arith.cmpi ne, %rem3A_288, %ne3A_289 : i32
      %lt3A_291 = arith.constant 0 : i32
      %lt3A_292 = arith.cmpi slt, %rem3A_288, %lt3A_291 : i32
      %lt3A_293 = arith.constant 0 : i32
      %lt3A_294 = arith.cmpi slt, %select_n3A_287, %lt3A_293 : i32
      %ne3A_295 = arith.xori %lt3A_292, %lt3A_294 : i1
      %and3A_296 = arith.andi %ne3A_295, %ne3A_290 : i1
      %add3A_297 = arith.addi %rem3A_288, %select_n3A_287 : i32
      %select_n3A_298 = arith.select %and3A_296, %add3A_297, %rem3A_288 : i32
      %dma_start3A_299 = arith.constant 0 : i32
      %dma_start3A_300 = tpu.memref_slice %arg11[%select_n3A_298, %dma_start3A_299] : memref<16x128xi32, #tpu.memory_space<vmem>> -> memref<1x128xi32, #tpu.memory_space<vmem>>
      %dma_start3A_301 = tpu.memref_squeeze %dma_start3A_300 : memref<1x128xi32, #tpu.memory_space<vmem>> -> memref<128xi32, #tpu.memory_space<vmem>>
      %dma_start3A_302 = arith.constant 0 : i32
      %dma_start3A_303 = arith.constant 0 : i32
      %dma_start3A_304 = tpu.memref_slice %arg16[%dma_start3A_302, %dma_start3A_303] : memref<10112x128xbf16, #tpu.memory_space<vmem_shared>> -> memref<10112x128xbf16, #tpu.memory_space<vmem_shared>>
      tpu.enqueue_indirect_dma source(%arg14 : memref<128x128xbf16, #tpu.memory_space<vmem>>) target(%dma_start3A_304 : memref<10112x128xbf16, #tpu.memory_space<vmem_shared>>) offsets(%dma_start3A_301 : memref<128xi32, #tpu.memory_space<vmem>>) semaphore(%arg24 : memref<!tpu.dma_semaphore, #tpu.memory_space<semaphore_mem>>) {add = true}
      %dma_start3A_305 = arith.constant 0 : i32
      %dma_start3A_306 = tpu.memref_slice %arg11[%select_n3A_298, %dma_start3A_305] : memref<16x128xi32, #tpu.memory_space<vmem>> -> memref<1x128xi32, #tpu.memory_space<vmem>>
      %dma_start3A_307 = tpu.memref_squeeze %dma_start3A_306 : memref<1x128xi32, #tpu.memory_space<vmem>> -> memref<128xi32, #tpu.memory_space<vmem>>
      %dma_start3A_308 = arith.constant 0 : i32
      %dma_start3A_309 = arith.constant 0 : i32
      %dma_start3A_310 = tpu.memref_slice %arg28[%dma_start3A_308, %dma_start3A_309] : memref<10112x16xbf16, #tpu.memory_space<vmem_shared>> -> memref<10112x16xbf16, #tpu.memory_space<vmem_shared>>
      tpu.enqueue_indirect_dma source(%arg27 : memref<128x16xbf16, #tpu.memory_space<vmem>>) target(%dma_start3A_310 : memref<10112x16xbf16, #tpu.memory_space<vmem_shared>>) offsets(%dma_start3A_307 : memref<128xi32, #tpu.memory_space<vmem>>) semaphore(%arg24 : memref<!tpu.dma_semaphore, #tpu.memory_space<semaphore_mem>>) {add = true}
      %lt3A_311 = arith.constant 80 : i32
      %lt3A_312 = arith.cmpi slt, %add3A_255, %lt3A_311 : i32
      %convert_element_type3A_313 = arith.extui %lt3A_312 : i1 to i32
      %cond3A_314 = arith.constant 0 : i32
      %cond3A_315 = arith.cmpi ne, %convert_element_type3A_313, %cond3A_314 : i32
      scf.if %cond3A_315 {
        %jit3A_422 = arith.constant 8 : i32
        %eq3A_423 = arith.constant 0 : i32
        %eq3A_424 = arith.cmpi eq, %jit3A_422, %eq3A_423 : i32
        %jit3A_425 = arith.constant 1 : i32
        %select_n3A_426 = arith.select %eq3A_424, %jit3A_425, %jit3A_422 : i32
        %rem3A_427 = arith.remsi %add3A_255, %select_n3A_426 : i32
        %ne3A_428 = arith.constant 0 : i32
        %ne3A_429 = arith.cmpi ne, %rem3A_427, %ne3A_428 : i32
        %lt3A_430 = arith.constant 0 : i32
        %lt3A_431 = arith.cmpi slt, %rem3A_427, %lt3A_430 : i32
        %lt3A_432 = arith.constant 0 : i32
        %lt3A_433 = arith.cmpi slt, %select_n3A_426, %lt3A_432 : i32
        %ne3A_434 = arith.xori %lt3A_431, %lt3A_433 : i1
        %and3A_435 = arith.andi %ne3A_434, %ne3A_429 : i1
        %add3A_436 = arith.addi %rem3A_427, %select_n3A_426 : i32
        %select_n3A_437 = arith.select %and3A_435, %add3A_436, %rem3A_427 : i32
        %eq3A_438 = arith.constant 0 : i32
        %eq3A_439 = arith.cmpi eq, %select_n3A_437, %eq3A_438 : i32
        %convert_element_type3A_440 = arith.extui %eq3A_439 : i1 to i32
        %cond3A_441 = arith.constant 0 : i32
        %cond3A_442 = arith.cmpi ne, %convert_element_type3A_440, %cond3A_441 : i32
        scf.if %cond3A_442 {
          %jit3A_465 = arith.constant 8 : i32
          %div3A = arith.divsi %add3A_255, %jit3A_465 : i32
          %sign3A = arith.constant 0 : i32
          %sign3A_466 = arith.cmpi sgt, %add3A_255, %sign3A : i32
          %sign3A_467 = arith.extui %sign3A_466 : i1 to i32
          %sign3A_468 = arith.constant 0 : i32
          %sign3A_469 = arith.cmpi slt, %add3A_255, %sign3A_468 : i32
          %sign3A_470 = arith.extui %sign3A_469 : i1 to i32
          %sign3A_471 = arith.subi %sign3A_467, %sign3A_470 : i32
          %sign3A_472 = arith.constant 0 : i32
          %sign3A_473 = arith.cmpi sgt, %jit3A_465, %sign3A_472 : i32
          %sign3A_474 = arith.extui %sign3A_473 : i1 to i32
          %sign3A_475 = arith.constant 0 : i32
          %sign3A_476 = arith.cmpi slt, %jit3A_465, %sign3A_475 : i32
          %sign3A_477 = arith.extui %sign3A_476 : i1 to i32
          %sign3A_478 = arith.subi %sign3A_474, %sign3A_477 : i32
          %ne3A_479 = arith.cmpi ne, %sign3A_471, %sign3A_478 : i32
          %rem3A_480 = arith.remsi %add3A_255, %jit3A_465 : i32
          %ne3A_481 = arith.constant 0 : i32
          %ne3A_482 = arith.cmpi ne, %rem3A_480, %ne3A_481 : i32
          %and3A_483 = arith.andi %ne3A_479, %ne3A_482 : i1
          %sub3A = arith.constant 1 : i32
          %sub3A_484 = arith.subi %div3A, %sub3A : i32
          %select_n3A_485 = arith.select %and3A_483, %sub3A_484, %div3A : i32
          %jit3A_486 = arith.constant 2 : i32
          %eq3A_487 = arith.constant 0 : i32
          %eq3A_488 = arith.cmpi eq, %jit3A_486, %eq3A_487 : i32
          %jit3A_489 = arith.constant 1 : i32
          %select_n3A_490 = arith.select %eq3A_488, %jit3A_489, %jit3A_486 : i32
          %rem3A_491 = arith.remsi %select_n3A_485, %select_n3A_490 : i32
          %ne3A_492 = arith.constant 0 : i32
          %ne3A_493 = arith.cmpi ne, %rem3A_491, %ne3A_492 : i32
          %lt3A_494 = arith.constant 0 : i32
          %lt3A_495 = arith.cmpi slt, %rem3A_491, %lt3A_494 : i32
          %lt3A_496 = arith.constant 0 : i32
          %lt3A_497 = arith.cmpi slt, %select_n3A_490, %lt3A_496 : i32
          %ne3A_498 = arith.xori %lt3A_495, %lt3A_497 : i1
          %and3A_499 = arith.andi %ne3A_498, %ne3A_493 : i1
          %add3A_500 = arith.addi %rem3A_491, %select_n3A_490 : i32
          %select_n3A_501 = arith.select %and3A_499, %add3A_500, %rem3A_491 : i32
          %mul3A_502 = arith.constant 8 : i32
          %mul3A_503 = arith.muli %select_n3A_485, %mul3A_502 : i32
          %add3A_504 = arith.addi %mul3A_2, %mul3A_503 : i32
          %mul3A_505 = arith.constant 8 : i32
          %mul3A_506 = arith.muli %select_n3A_501, %mul3A_505 : i32
          %mul3A_507 = arith.constant 8 : i32
          %mul3A_508 = arith.muli %select_n3A_501, %mul3A_507 : i32
          %dma_wait3A_509 = arith.constant 0 : i32
          %dma_wait3A_510 = tpu.memref_slice %arg10[%mul3A_506, %dma_wait3A_509] : memref<16x128xi32, #tpu.memory_space<vmem>> -> memref<8x128xi32, #tpu.memory_space<vmem>>
          %dma_wait3A_511 = arith.constant 0 : i32
          %dma_wait3A_512 = tpu.memref_slice %arg3[%add3A_504, %dma_wait3A_511] : memref<2560x128xi32, #tpu.memory_space<hbm>> -> memref<8x128xi32, #tpu.memory_space<hbm>>
          %dma_wait3A_513 = arith.constant 0 : i32
          %dma_wait3A_514 = tpu.memref_slice %arg10[%mul3A_506, %dma_wait3A_513] : memref<16x128xi32, #tpu.memory_space<vmem>> -> memref<8x128xi32, #tpu.memory_space<vmem>>
          %dma_wait3A_515 = arith.constant 0 : i32
          %dma_wait3A_516 = tpu.memref_slice %arg3[%add3A_504, %dma_wait3A_515] : memref<2560x128xi32, #tpu.memory_space<hbm>> -> memref<8x128xi32, #tpu.memory_space<hbm>>
          tpu.wait_dma2 semaphore(%arg26 : memref<!tpu.dma_semaphore, #tpu.memory_space<semaphore_mem>>) src(%dma_wait3A_516 : memref<8x128xi32, #tpu.memory_space<hbm>>) dst(%dma_wait3A_514 : memref<8x128xi32, #tpu.memory_space<vmem>>)
          %dma_wait3A_517 = arith.constant 0 : i32
          %dma_wait3A_518 = tpu.memref_slice %arg11[%mul3A_508, %dma_wait3A_517] : memref<16x128xi32, #tpu.memory_space<vmem>> -> memref<8x128xi32, #tpu.memory_space<vmem>>
          %dma_wait3A_519 = arith.constant 0 : i32
          %dma_wait3A_520 = tpu.memref_slice %arg4[%add3A_504, %dma_wait3A_519] : memref<2560x128xi32, #tpu.memory_space<hbm>> -> memref<8x128xi32, #tpu.memory_space<hbm>>
          %dma_wait3A_521 = arith.constant 0 : i32
          %dma_wait3A_522 = tpu.memref_slice %arg11[%mul3A_508, %dma_wait3A_521] : memref<16x128xi32, #tpu.memory_space<vmem>> -> memref<8x128xi32, #tpu.memory_space<vmem>>
          %dma_wait3A_523 = arith.constant 0 : i32
          %dma_wait3A_524 = tpu.memref_slice %arg4[%add3A_504, %dma_wait3A_523] : memref<2560x128xi32, #tpu.memory_space<hbm>> -> memref<8x128xi32, #tpu.memory_space<hbm>>
          tpu.wait_dma2 semaphore(%arg26 : memref<!tpu.dma_semaphore, #tpu.memory_space<semaphore_mem>>) src(%dma_wait3A_524 : memref<8x128xi32, #tpu.memory_space<hbm>>) dst(%dma_wait3A_522 : memref<8x128xi32, #tpu.memory_space<vmem>>)
        } else {
        }
        %jit3A_443 = arith.constant 16 : i32
        %eq3A_444 = arith.constant 0 : i32
        %eq3A_445 = arith.cmpi eq, %jit3A_443, %eq3A_444 : i32
        %jit3A_446 = arith.constant 1 : i32
        %select_n3A_447 = arith.select %eq3A_445, %jit3A_446, %jit3A_443 : i32
        %rem3A_448 = arith.remsi %add3A_255, %select_n3A_447 : i32
        %ne3A_449 = arith.constant 0 : i32
        %ne3A_450 = arith.cmpi ne, %rem3A_448, %ne3A_449 : i32
        %lt3A_451 = arith.constant 0 : i32
        %lt3A_452 = arith.cmpi slt, %rem3A_448, %lt3A_451 : i32
        %lt3A_453 = arith.constant 0 : i32
        %lt3A_454 = arith.cmpi slt, %select_n3A_447, %lt3A_453 : i32
        %ne3A_455 = arith.xori %lt3A_452, %lt3A_454 : i1
        %and3A_456 = arith.andi %ne3A_455, %ne3A_450 : i1
        %add3A_457 = arith.addi %rem3A_448, %select_n3A_447 : i32
        %select_n3A_458 = arith.select %and3A_456, %add3A_457, %rem3A_448 : i32
        %dma_start3A_459 = arith.constant 0 : i32
        %dma_start3A_460 = tpu.memref_slice %arg10[%select_n3A_458, %dma_start3A_459] : memref<16x128xi32, #tpu.memory_space<vmem>> -> memref<1x128xi32, #tpu.memory_space<vmem>>
        %dma_start3A_461 = tpu.memref_squeeze %dma_start3A_460 : memref<1x128xi32, #tpu.memory_space<vmem>> -> memref<128xi32, #tpu.memory_space<vmem>>
        %dma_start3A_462 = arith.constant 0 : i32
        %dma_start3A_463 = arith.constant 0 : i32
        %dma_start3A_464 = tpu.memref_slice %arg2[%dma_start3A_462, %dma_start3A_463] : memref<10000x128xbf16, #tpu.memory_space<hbm>> -> memref<10000x128xbf16, #tpu.memory_space<hbm>>
        tpu.enqueue_indirect_dma source(%dma_start3A_464 : memref<10000x128xbf16, #tpu.memory_space<hbm>>) target(%arg12 : memref<128x128xbf16, #tpu.memory_space<vmem>>) offsets(%dma_start3A_461 : memref<128xi32, #tpu.memory_space<vmem>>) semaphore(%arg18 : memref<!tpu.dma_semaphore, #tpu.memory_space<semaphore_mem>>)
      } else {
      }
      %jit3A_316 = arith.constant 8 : i32
      %eq3A_317 = arith.constant 0 : i32
      %eq3A_318 = arith.cmpi eq, %jit3A_316, %eq3A_317 : i32
      %jit3A_319 = arith.constant 1 : i32
      %select_n3A_320 = arith.select %eq3A_318, %jit3A_319, %jit3A_316 : i32
      %rem3A_321 = arith.remsi %add3A_253, %select_n3A_320 : i32
      %ne3A_322 = arith.constant 0 : i32
      %ne3A_323 = arith.cmpi ne, %rem3A_321, %ne3A_322 : i32
      %lt3A_324 = arith.constant 0 : i32
      %lt3A_325 = arith.cmpi slt, %rem3A_321, %lt3A_324 : i32
      %lt3A_326 = arith.constant 0 : i32
      %lt3A_327 = arith.cmpi slt, %select_n3A_320, %lt3A_326 : i32
      %ne3A_328 = arith.xori %lt3A_325, %lt3A_327 : i1
      %and3A_329 = arith.andi %ne3A_328, %ne3A_323 : i1
      %add3A_330 = arith.addi %rem3A_321, %select_n3A_320 : i32
      %select_n3A_331 = arith.select %and3A_329, %add3A_330, %rem3A_321 : i32
      %eq3A_332 = arith.constant 1 : i32
      %eq3A_333 = arith.cmpi eq, %select_n3A_331, %eq3A_332 : i32
      %convert_element_type3A_334 = arith.extui %eq3A_333 : i1 to i32
      %cond3A_335 = arith.constant 0 : i32
      %cond3A_336 = arith.cmpi ne, %convert_element_type3A_334, %cond3A_335 : i32
      scf.if %cond3A_336 {
        %jit3A_422 = arith.constant 8 : i32
        %div3A = arith.divsi %add3A_253, %jit3A_422 : i32
        %sign3A = arith.constant 0 : i32
        %sign3A_423 = arith.cmpi sgt, %add3A_253, %sign3A : i32
        %sign3A_424 = arith.extui %sign3A_423 : i1 to i32
        %sign3A_425 = arith.constant 0 : i32
        %sign3A_426 = arith.cmpi slt, %add3A_253, %sign3A_425 : i32
        %sign3A_427 = arith.extui %sign3A_426 : i1 to i32
        %sign3A_428 = arith.subi %sign3A_424, %sign3A_427 : i32
        %sign3A_429 = arith.constant 0 : i32
        %sign3A_430 = arith.cmpi sgt, %jit3A_422, %sign3A_429 : i32
        %sign3A_431 = arith.extui %sign3A_430 : i1 to i32
        %sign3A_432 = arith.constant 0 : i32
        %sign3A_433 = arith.cmpi slt, %jit3A_422, %sign3A_432 : i32
        %sign3A_434 = arith.extui %sign3A_433 : i1 to i32
        %sign3A_435 = arith.subi %sign3A_431, %sign3A_434 : i32
        %ne3A_436 = arith.cmpi ne, %sign3A_428, %sign3A_435 : i32
        %rem3A_437 = arith.remsi %add3A_253, %jit3A_422 : i32
        %ne3A_438 = arith.constant 0 : i32
        %ne3A_439 = arith.cmpi ne, %rem3A_437, %ne3A_438 : i32
        %and3A_440 = arith.andi %ne3A_436, %ne3A_439 : i1
        %sub3A = arith.constant 1 : i32
        %sub3A_441 = arith.subi %div3A, %sub3A : i32
        %select_n3A_442 = arith.select %and3A_440, %sub3A_441, %div3A : i32
        %add3A_443 = arith.constant 1 : i32
        %add3A_444 = arith.addi %select_n3A_442, %add3A_443 : i32
        %lt3A_445 = arith.constant 10 : i32
        %lt3A_446 = arith.cmpi slt, %add3A_444, %lt3A_445 : i32
        %convert_element_type3A_447 = arith.extui %lt3A_446 : i1 to i32
        %cond3A_448 = arith.constant 0 : i32
        %cond3A_449 = arith.cmpi ne, %convert_element_type3A_447, %cond3A_448 : i32
        scf.if %cond3A_449 {
          %jit3A_450 = arith.constant 2 : i32
          %eq3A_451 = arith.constant 0 : i32
          %eq3A_452 = arith.cmpi eq, %jit3A_450, %eq3A_451 : i32
          %jit3A_453 = arith.constant 1 : i32
          %select_n3A_454 = arith.select %eq3A_452, %jit3A_453, %jit3A_450 : i32
          %rem3A_455 = arith.remsi %add3A_444, %select_n3A_454 : i32
          %ne3A_456 = arith.constant 0 : i32
          %ne3A_457 = arith.cmpi ne, %rem3A_455, %ne3A_456 : i32
          %lt3A_458 = arith.constant 0 : i32
          %lt3A_459 = arith.cmpi slt, %rem3A_455, %lt3A_458 : i32
          %lt3A_460 = arith.constant 0 : i32
          %lt3A_461 = arith.cmpi slt, %select_n3A_454, %lt3A_460 : i32
          %ne3A_462 = arith.xori %lt3A_459, %lt3A_461 : i1
          %and3A_463 = arith.andi %ne3A_462, %ne3A_457 : i1
          %add3A_464 = arith.addi %rem3A_455, %select_n3A_454 : i32
          %select_n3A_465 = arith.select %and3A_463, %add3A_464, %rem3A_455 : i32
          %mul3A_466 = arith.constant 8 : i32
          %mul3A_467 = arith.muli %add3A_444, %mul3A_466 : i32
          %add3A_468 = arith.addi %mul3A_2, %mul3A_467 : i32
          %mul3A_469 = arith.constant 8 : i32
          %mul3A_470 = arith.muli %select_n3A_465, %mul3A_469 : i32
          %mul3A_471 = arith.constant 8 : i32
          %mul3A_472 = arith.muli %select_n3A_465, %mul3A_471 : i32
          %dma_start3A_473 = arith.constant 0 : i32
          %dma_start3A_474 = tpu.memref_slice %arg10[%mul3A_470, %dma_start3A_473] : memref<16x128xi32, #tpu.memory_space<vmem>> -> memref<8x128xi32, #tpu.memory_space<vmem>>
          %dma_start3A_475 = arith.constant 0 : i32
          %dma_start3A_476 = tpu.memref_slice %arg3[%add3A_468, %dma_start3A_475] : memref<2560x128xi32, #tpu.memory_space<hbm>> -> memref<8x128xi32, #tpu.memory_space<hbm>>
          %dma_start3A_477 = arith.constant 0 : i32
          %dma_start3A_478 = tpu.memref_slice %arg10[%mul3A_470, %dma_start3A_477] : memref<16x128xi32, #tpu.memory_space<vmem>> -> memref<8x128xi32, #tpu.memory_space<vmem>>
          %dma_start3A_479 = arith.constant 0 : i32
          %dma_start3A_480 = tpu.memref_slice %arg3[%add3A_468, %dma_start3A_479] : memref<2560x128xi32, #tpu.memory_space<hbm>> -> memref<8x128xi32, #tpu.memory_space<hbm>>
          tpu.enqueue_dma source(%dma_start3A_480 : memref<8x128xi32, #tpu.memory_space<hbm>>) target(%dma_start3A_478 : memref<8x128xi32, #tpu.memory_space<vmem>>) target_semaphore(%arg26 : memref<!tpu.dma_semaphore, #tpu.memory_space<semaphore_mem>>)
          %dma_start3A_481 = arith.constant 0 : i32
          %dma_start3A_482 = tpu.memref_slice %arg11[%mul3A_472, %dma_start3A_481] : memref<16x128xi32, #tpu.memory_space<vmem>> -> memref<8x128xi32, #tpu.memory_space<vmem>>
          %dma_start3A_483 = arith.constant 0 : i32
          %dma_start3A_484 = tpu.memref_slice %arg4[%add3A_468, %dma_start3A_483] : memref<2560x128xi32, #tpu.memory_space<hbm>> -> memref<8x128xi32, #tpu.memory_space<hbm>>
          %dma_start3A_485 = arith.constant 0 : i32
          %dma_start3A_486 = tpu.memref_slice %arg11[%mul3A_472, %dma_start3A_485] : memref<16x128xi32, #tpu.memory_space<vmem>> -> memref<8x128xi32, #tpu.memory_space<vmem>>
          %dma_start3A_487 = arith.constant 0 : i32
          %dma_start3A_488 = tpu.memref_slice %arg4[%add3A_468, %dma_start3A_487] : memref<2560x128xi32, #tpu.memory_space<hbm>> -> memref<8x128xi32, #tpu.memory_space<hbm>>
          tpu.enqueue_dma source(%dma_start3A_488 : memref<8x128xi32, #tpu.memory_space<hbm>>) target(%dma_start3A_486 : memref<8x128xi32, #tpu.memory_space<vmem>>) target_semaphore(%arg26 : memref<!tpu.dma_semaphore, #tpu.memory_space<semaphore_mem>>)
        } else {
        }
      } else {
      }
      %add3A_337 = arith.constant 3 : i32
      %add3A_338 = arith.addi %mul3A_91, %add3A_337 : i32
      %add3A_339 = arith.constant 2 : i32
      %add3A_340 = arith.addi %add3A_338, %add3A_339 : i32
      %jit3A_341 = arith.constant 16 : i32
      %eq3A_342 = arith.constant 0 : i32
      %eq3A_343 = arith.cmpi eq, %jit3A_341, %eq3A_342 : i32
      %jit3A_344 = arith.constant 1 : i32
      %select_n3A_345 = arith.select %eq3A_343, %jit3A_344, %jit3A_341 : i32
      %rem3A_346 = arith.remsi %add3A_338, %select_n3A_345 : i32
      %ne3A_347 = arith.constant 0 : i32
      %ne3A_348 = arith.cmpi ne, %rem3A_346, %ne3A_347 : i32
      %lt3A_349 = arith.constant 0 : i32
      %lt3A_350 = arith.cmpi slt, %rem3A_346, %lt3A_349 : i32
      %lt3A_351 = arith.constant 0 : i32
      %lt3A_352 = arith.cmpi slt, %select_n3A_345, %lt3A_351 : i32
      %ne3A_353 = arith.xori %lt3A_350, %lt3A_352 : i1
      %and3A_354 = arith.andi %ne3A_353, %ne3A_348 : i1
      %add3A_355 = arith.addi %rem3A_346, %select_n3A_345 : i32
      %select_n3A_356 = arith.select %and3A_354, %add3A_355, %rem3A_346 : i32
      %dma_wait3A_357 = arith.constant 0 : i32
      %dma_wait3A_358 = tpu.memref_slice %arg10[%select_n3A_356, %dma_wait3A_357] : memref<16x128xi32, #tpu.memory_space<vmem>> -> memref<1x128xi32, #tpu.memory_space<vmem>>
      %dma_wait3A_359 = tpu.memref_squeeze %dma_wait3A_358 : memref<1x128xi32, #tpu.memory_space<vmem>> -> memref<128xi32, #tpu.memory_space<vmem>>
      %dma_wait3A_360 = arith.constant 0 : i32
      %dma_wait3A_361 = arith.constant 0 : i32
      %dma_wait3A_362 = tpu.memref_slice %arg2[%dma_wait3A_360, %dma_wait3A_361] : memref<10000x128xbf16, #tpu.memory_space<hbm>> -> memref<10000x128xbf16, #tpu.memory_space<hbm>>
      tpu.wait_indirect_dma semaphore(%arg21 : memref<!tpu.dma_semaphore, #tpu.memory_space<semaphore_mem>>) src(%dma_wait3A_362 : memref<10000x128xbf16, #tpu.memory_space<hbm>>) dst(%arg15 : memref<128x128xbf16, #tpu.memory_space<vmem>>)
      %ge3A_363 = arith.constant 2 : i32
      %ge3A_364 = arith.cmpi sge, %add3A_338, %ge3A_363 : i32
      %convert_element_type3A_365 = arith.extui %ge3A_364 : i1 to i32
      %cond3A_366 = arith.constant 0 : i32
      %cond3A_367 = arith.cmpi ne, %convert_element_type3A_365, %cond3A_366 : i32
      scf.if %cond3A_367 {
        %sub3A = arith.constant 2 : i32
        %sub3A_422 = arith.subi %add3A_338, %sub3A : i32
        %jit3A_423 = arith.constant 16 : i32
        %eq3A_424 = arith.constant 0 : i32
        %eq3A_425 = arith.cmpi eq, %jit3A_423, %eq3A_424 : i32
        %jit3A_426 = arith.constant 1 : i32
        %select_n3A_427 = arith.select %eq3A_425, %jit3A_426, %jit3A_423 : i32
        %rem3A_428 = arith.remsi %sub3A_422, %select_n3A_427 : i32
        %ne3A_429 = arith.constant 0 : i32
        %ne3A_430 = arith.cmpi ne, %rem3A_428, %ne3A_429 : i32
        %lt3A_431 = arith.constant 0 : i32
        %lt3A_432 = arith.cmpi slt, %rem3A_428, %lt3A_431 : i32
        %lt3A_433 = arith.constant 0 : i32
        %lt3A_434 = arith.cmpi slt, %select_n3A_427, %lt3A_433 : i32
        %ne3A_435 = arith.xori %lt3A_432, %lt3A_434 : i1
        %and3A_436 = arith.andi %ne3A_435, %ne3A_430 : i1
        %add3A_437 = arith.addi %rem3A_428, %select_n3A_427 : i32
        %select_n3A_438 = arith.select %and3A_436, %add3A_437, %rem3A_428 : i32
        %dma_wait3A_439 = arith.constant 0 : i32
        %dma_wait3A_440 = tpu.memref_slice %arg11[%select_n3A_438, %dma_wait3A_439] : memref<16x128xi32, #tpu.memory_space<vmem>> -> memref<1x128xi32, #tpu.memory_space<vmem>>
        %dma_wait3A_441 = tpu.memref_squeeze %dma_wait3A_440 : memref<1x128xi32, #tpu.memory_space<vmem>> -> memref<128xi32, #tpu.memory_space<vmem>>
        %dma_wait3A_442 = arith.constant 0 : i32
        %dma_wait3A_443 = arith.constant 0 : i32
        %dma_wait3A_444 = tpu.memref_slice %arg17[%dma_wait3A_442, %dma_wait3A_443] : memref<10112x128xbf16, #tpu.memory_space<vmem_shared>> -> memref<10112x128xbf16, #tpu.memory_space<vmem_shared>>
        tpu.wait_indirect_dma semaphore(%arg23 : memref<!tpu.dma_semaphore, #tpu.memory_space<semaphore_mem>>) src(%arg13 : memref<128x128xbf16, #tpu.memory_space<vmem>>) dst(%dma_wait3A_444 : memref<10112x128xbf16, #tpu.memory_space<vmem_shared>>)
        %dma_wait3A_445 = arith.constant 0 : i32
        %dma_wait3A_446 = tpu.memref_slice %arg11[%select_n3A_438, %dma_wait3A_445] : memref<16x128xi32, #tpu.memory_space<vmem>> -> memref<1x128xi32, #tpu.memory_space<vmem>>
        %dma_wait3A_447 = tpu.memref_squeeze %dma_wait3A_446 : memref<1x128xi32, #tpu.memory_space<vmem>> -> memref<128xi32, #tpu.memory_space<vmem>>
        %dma_wait3A_448 = arith.constant 0 : i32
        %dma_wait3A_449 = arith.constant 0 : i32
        %dma_wait3A_450 = tpu.memref_slice %arg29[%dma_wait3A_448, %dma_wait3A_449] : memref<10112x16xbf16, #tpu.memory_space<vmem_shared>> -> memref<10112x16xbf16, #tpu.memory_space<vmem_shared>>
        tpu.wait_indirect_dma semaphore(%arg23 : memref<!tpu.dma_semaphore, #tpu.memory_space<semaphore_mem>>) src(%arg27 : memref<128x16xbf16, #tpu.memory_space<vmem>>) dst(%dma_wait3A_450 : memref<10112x16xbf16, #tpu.memory_space<vmem_shared>>)
      } else {
      }
      %jit3A_368 = arith.constant 16 : i32
      %eq3A_369 = arith.constant 0 : i32
      %eq3A_370 = arith.cmpi eq, %jit3A_368, %eq3A_369 : i32
      %jit3A_371 = arith.constant 1 : i32
      %select_n3A_372 = arith.select %eq3A_370, %jit3A_371, %jit3A_368 : i32
      %rem3A_373 = arith.remsi %add3A_338, %select_n3A_372 : i32
      %ne3A_374 = arith.constant 0 : i32
      %ne3A_375 = arith.cmpi ne, %rem3A_373, %ne3A_374 : i32
      %lt3A_376 = arith.constant 0 : i32
      %lt3A_377 = arith.cmpi slt, %rem3A_373, %lt3A_376 : i32
      %lt3A_378 = arith.constant 0 : i32
      %lt3A_379 = arith.cmpi slt, %select_n3A_372, %lt3A_378 : i32
      %ne3A_380 = arith.xori %lt3A_377, %lt3A_379 : i1
      %and3A_381 = arith.andi %ne3A_380, %ne3A_375 : i1
      %add3A_382 = arith.addi %rem3A_373, %select_n3A_372 : i32
      %select_n3A_383 = arith.select %and3A_381, %add3A_382, %rem3A_373 : i32
      %dma_start3A_384 = arith.constant 0 : i32
      %dma_start3A_385 = tpu.memref_slice %arg11[%select_n3A_383, %dma_start3A_384] : memref<16x128xi32, #tpu.memory_space<vmem>> -> memref<1x128xi32, #tpu.memory_space<vmem>>
      %dma_start3A_386 = tpu.memref_squeeze %dma_start3A_385 : memref<1x128xi32, #tpu.memory_space<vmem>> -> memref<128xi32, #tpu.memory_space<vmem>>
      %dma_start3A_387 = arith.constant 0 : i32
      %dma_start3A_388 = arith.constant 0 : i32
      %dma_start3A_389 = tpu.memref_slice %arg17[%dma_start3A_387, %dma_start3A_388] : memref<10112x128xbf16, #tpu.memory_space<vmem_shared>> -> memref<10112x128xbf16, #tpu.memory_space<vmem_shared>>
      tpu.enqueue_indirect_dma source(%arg15 : memref<128x128xbf16, #tpu.memory_space<vmem>>) target(%dma_start3A_389 : memref<10112x128xbf16, #tpu.memory_space<vmem_shared>>) offsets(%dma_start3A_386 : memref<128xi32, #tpu.memory_space<vmem>>) semaphore(%arg25 : memref<!tpu.dma_semaphore, #tpu.memory_space<semaphore_mem>>) {add = true}
      %dma_start3A_390 = arith.constant 0 : i32
      %dma_start3A_391 = tpu.memref_slice %arg11[%select_n3A_383, %dma_start3A_390] : memref<16x128xi32, #tpu.memory_space<vmem>> -> memref<1x128xi32, #tpu.memory_space<vmem>>
      %dma_start3A_392 = tpu.memref_squeeze %dma_start3A_391 : memref<1x128xi32, #tpu.memory_space<vmem>> -> memref<128xi32, #tpu.memory_space<vmem>>
      %dma_start3A_393 = arith.constant 0 : i32
      %dma_start3A_394 = arith.constant 0 : i32
      %dma_start3A_395 = tpu.memref_slice %arg29[%dma_start3A_393, %dma_start3A_394] : memref<10112x16xbf16, #tpu.memory_space<vmem_shared>> -> memref<10112x16xbf16, #tpu.memory_space<vmem_shared>>
      tpu.enqueue_indirect_dma source(%arg27 : memref<128x16xbf16, #tpu.memory_space<vmem>>) target(%dma_start3A_395 : memref<10112x16xbf16, #tpu.memory_space<vmem_shared>>) offsets(%dma_start3A_392 : memref<128xi32, #tpu.memory_space<vmem>>) semaphore(%arg25 : memref<!tpu.dma_semaphore, #tpu.memory_space<semaphore_mem>>) {add = true}
      %lt3A_396 = arith.constant 80 : i32
      %lt3A_397 = arith.cmpi slt, %add3A_340, %lt3A_396 : i32
      %convert_element_type3A_398 = arith.extui %lt3A_397 : i1 to i32
      %cond3A_399 = arith.constant 0 : i32
      %cond3A_400 = arith.cmpi ne, %convert_element_type3A_398, %cond3A_399 : i32
      scf.if %cond3A_400 {
        %jit3A_422 = arith.constant 8 : i32
        %eq3A_423 = arith.constant 0 : i32
        %eq3A_424 = arith.cmpi eq, %jit3A_422, %eq3A_423 : i32
        %jit3A_425 = arith.constant 1 : i32
        %select_n3A_426 = arith.select %eq3A_424, %jit3A_425, %jit3A_422 : i32
        %rem3A_427 = arith.remsi %add3A_340, %select_n3A_426 : i32
        %ne3A_428 = arith.constant 0 : i32
        %ne3A_429 = arith.cmpi ne, %rem3A_427, %ne3A_428 : i32
        %lt3A_430 = arith.constant 0 : i32
        %lt3A_431 = arith.cmpi slt, %rem3A_427, %lt3A_430 : i32
        %lt3A_432 = arith.constant 0 : i32
        %lt3A_433 = arith.cmpi slt, %select_n3A_426, %lt3A_432 : i32
        %ne3A_434 = arith.xori %lt3A_431, %lt3A_433 : i1
        %and3A_435 = arith.andi %ne3A_434, %ne3A_429 : i1
        %add3A_436 = arith.addi %rem3A_427, %select_n3A_426 : i32
        %select_n3A_437 = arith.select %and3A_435, %add3A_436, %rem3A_427 : i32
        %eq3A_438 = arith.constant 0 : i32
        %eq3A_439 = arith.cmpi eq, %select_n3A_437, %eq3A_438 : i32
        %convert_element_type3A_440 = arith.extui %eq3A_439 : i1 to i32
        %cond3A_441 = arith.constant 0 : i32
        %cond3A_442 = arith.cmpi ne, %convert_element_type3A_440, %cond3A_441 : i32
        scf.if %cond3A_442 {
          %jit3A_465 = arith.constant 8 : i32
          %div3A = arith.divsi %add3A_340, %jit3A_465 : i32
          %sign3A = arith.constant 0 : i32
          %sign3A_466 = arith.cmpi sgt, %add3A_340, %sign3A : i32
          %sign3A_467 = arith.extui %sign3A_466 : i1 to i32
          %sign3A_468 = arith.constant 0 : i32
          %sign3A_469 = arith.cmpi slt, %add3A_340, %sign3A_468 : i32
          %sign3A_470 = arith.extui %sign3A_469 : i1 to i32
          %sign3A_471 = arith.subi %sign3A_467, %sign3A_470 : i32
          %sign3A_472 = arith.constant 0 : i32
          %sign3A_473 = arith.cmpi sgt, %jit3A_465, %sign3A_472 : i32
          %sign3A_474 = arith.extui %sign3A_473 : i1 to i32
          %sign3A_475 = arith.constant 0 : i32
          %sign3A_476 = arith.cmpi slt, %jit3A_465, %sign3A_475 : i32
          %sign3A_477 = arith.extui %sign3A_476 : i1 to i32
          %sign3A_478 = arith.subi %sign3A_474, %sign3A_477 : i32
          %ne3A_479 = arith.cmpi ne, %sign3A_471, %sign3A_478 : i32
          %rem3A_480 = arith.remsi %add3A_340, %jit3A_465 : i32
          %ne3A_481 = arith.constant 0 : i32
          %ne3A_482 = arith.cmpi ne, %rem3A_480, %ne3A_481 : i32
          %and3A_483 = arith.andi %ne3A_479, %ne3A_482 : i1
          %sub3A = arith.constant 1 : i32
          %sub3A_484 = arith.subi %div3A, %sub3A : i32
          %select_n3A_485 = arith.select %and3A_483, %sub3A_484, %div3A : i32
          %jit3A_486 = arith.constant 2 : i32
          %eq3A_487 = arith.constant 0 : i32
          %eq3A_488 = arith.cmpi eq, %jit3A_486, %eq3A_487 : i32
          %jit3A_489 = arith.constant 1 : i32
          %select_n3A_490 = arith.select %eq3A_488, %jit3A_489, %jit3A_486 : i32
          %rem3A_491 = arith.remsi %select_n3A_485, %select_n3A_490 : i32
          %ne3A_492 = arith.constant 0 : i32
          %ne3A_493 = arith.cmpi ne, %rem3A_491, %ne3A_492 : i32
          %lt3A_494 = arith.constant 0 : i32
          %lt3A_495 = arith.cmpi slt, %rem3A_491, %lt3A_494 : i32
          %lt3A_496 = arith.constant 0 : i32
          %lt3A_497 = arith.cmpi slt, %select_n3A_490, %lt3A_496 : i32
          %ne3A_498 = arith.xori %lt3A_495, %lt3A_497 : i1
          %and3A_499 = arith.andi %ne3A_498, %ne3A_493 : i1
          %add3A_500 = arith.addi %rem3A_491, %select_n3A_490 : i32
          %select_n3A_501 = arith.select %and3A_499, %add3A_500, %rem3A_491 : i32
          %mul3A_502 = arith.constant 8 : i32
          %mul3A_503 = arith.muli %select_n3A_485, %mul3A_502 : i32
          %add3A_504 = arith.addi %mul3A_2, %mul3A_503 : i32
          %mul3A_505 = arith.constant 8 : i32
          %mul3A_506 = arith.muli %select_n3A_501, %mul3A_505 : i32
          %mul3A_507 = arith.constant 8 : i32
          %mul3A_508 = arith.muli %select_n3A_501, %mul3A_507 : i32
          %dma_wait3A_509 = arith.constant 0 : i32
          %dma_wait3A_510 = tpu.memref_slice %arg10[%mul3A_506, %dma_wait3A_509] : memref<16x128xi32, #tpu.memory_space<vmem>> -> memref<8x128xi32, #tpu.memory_space<vmem>>
          %dma_wait3A_511 = arith.constant 0 : i32
          %dma_wait3A_512 = tpu.memref_slice %arg3[%add3A_504, %dma_wait3A_511] : memref<2560x128xi32, #tpu.memory_space<hbm>> -> memref<8x128xi32, #tpu.memory_space<hbm>>
          %dma_wait3A_513 = arith.constant 0 : i32
          %dma_wait3A_514 = tpu.memref_slice %arg10[%mul3A_506, %dma_wait3A_513] : memref<16x128xi32, #tpu.memory_space<vmem>> -> memref<8x128xi32, #tpu.memory_space<vmem>>
          %dma_wait3A_515 = arith.constant 0 : i32
          %dma_wait3A_516 = tpu.memref_slice %arg3[%add3A_504, %dma_wait3A_515] : memref<2560x128xi32, #tpu.memory_space<hbm>> -> memref<8x128xi32, #tpu.memory_space<hbm>>
          tpu.wait_dma2 semaphore(%arg26 : memref<!tpu.dma_semaphore, #tpu.memory_space<semaphore_mem>>) src(%dma_wait3A_516 : memref<8x128xi32, #tpu.memory_space<hbm>>) dst(%dma_wait3A_514 : memref<8x128xi32, #tpu.memory_space<vmem>>)
          %dma_wait3A_517 = arith.constant 0 : i32
          %dma_wait3A_518 = tpu.memref_slice %arg11[%mul3A_508, %dma_wait3A_517] : memref<16x128xi32, #tpu.memory_space<vmem>> -> memref<8x128xi32, #tpu.memory_space<vmem>>
          %dma_wait3A_519 = arith.constant 0 : i32
          %dma_wait3A_520 = tpu.memref_slice %arg4[%add3A_504, %dma_wait3A_519] : memref<2560x128xi32, #tpu.memory_space<hbm>> -> memref<8x128xi32, #tpu.memory_space<hbm>>
          %dma_wait3A_521 = arith.constant 0 : i32
          %dma_wait3A_522 = tpu.memref_slice %arg11[%mul3A_508, %dma_wait3A_521] : memref<16x128xi32, #tpu.memory_space<vmem>> -> memref<8x128xi32, #tpu.memory_space<vmem>>
          %dma_wait3A_523 = arith.constant 0 : i32
          %dma_wait3A_524 = tpu.memref_slice %arg4[%add3A_504, %dma_wait3A_523] : memref<2560x128xi32, #tpu.memory_space<hbm>> -> memref<8x128xi32, #tpu.memory_space<hbm>>
          tpu.wait_dma2 semaphore(%arg26 : memref<!tpu.dma_semaphore, #tpu.memory_space<semaphore_mem>>) src(%dma_wait3A_524 : memref<8x128xi32, #tpu.memory_space<hbm>>) dst(%dma_wait3A_522 : memref<8x128xi32, #tpu.memory_space<vmem>>)
        } else {
        }
        %jit3A_443 = arith.constant 16 : i32
        %eq3A_444 = arith.constant 0 : i32
        %eq3A_445 = arith.cmpi eq, %jit3A_443, %eq3A_444 : i32
        %jit3A_446 = arith.constant 1 : i32
        %select_n3A_447 = arith.select %eq3A_445, %jit3A_446, %jit3A_443 : i32
        %rem3A_448 = arith.remsi %add3A_340, %select_n3A_447 : i32
        %ne3A_449 = arith.constant 0 : i32
        %ne3A_450 = arith.cmpi ne, %rem3A_448, %ne3A_449 : i32
        %lt3A_451 = arith.constant 0 : i32
        %lt3A_452 = arith.cmpi slt, %rem3A_448, %lt3A_451 : i32
        %lt3A_453 = arith.constant 0 : i32
        %lt3A_454 = arith.cmpi slt, %select_n3A_447, %lt3A_453 : i32
        %ne3A_455 = arith.xori %lt3A_452, %lt3A_454 : i1
        %and3A_456 = arith.andi %ne3A_455, %ne3A_450 : i1
        %add3A_457 = arith.addi %rem3A_448, %select_n3A_447 : i32
        %select_n3A_458 = arith.select %and3A_456, %add3A_457, %rem3A_448 : i32
        %dma_start3A_459 = arith.constant 0 : i32
        %dma_start3A_460 = tpu.memref_slice %arg10[%select_n3A_458, %dma_start3A_459] : memref<16x128xi32, #tpu.memory_space<vmem>> -> memref<1x128xi32, #tpu.memory_space<vmem>>
        %dma_start3A_461 = tpu.memref_squeeze %dma_start3A_460 : memref<1x128xi32, #tpu.memory_space<vmem>> -> memref<128xi32, #tpu.memory_space<vmem>>
        %dma_start3A_462 = arith.constant 0 : i32
        %dma_start3A_463 = arith.constant 0 : i32
        %dma_start3A_464 = tpu.memref_slice %arg2[%dma_start3A_462, %dma_start3A_463] : memref<10000x128xbf16, #tpu.memory_space<hbm>> -> memref<10000x128xbf16, #tpu.memory_space<hbm>>
        tpu.enqueue_indirect_dma source(%dma_start3A_464 : memref<10000x128xbf16, #tpu.memory_space<hbm>>) target(%arg13 : memref<128x128xbf16, #tpu.memory_space<vmem>>) offsets(%dma_start3A_461 : memref<128xi32, #tpu.memory_space<vmem>>) semaphore(%arg19 : memref<!tpu.dma_semaphore, #tpu.memory_space<semaphore_mem>>)
      } else {
      }
      %jit3A_401 = arith.constant 8 : i32
      %eq3A_402 = arith.constant 0 : i32
      %eq3A_403 = arith.cmpi eq, %jit3A_401, %eq3A_402 : i32
      %jit3A_404 = arith.constant 1 : i32
      %select_n3A_405 = arith.select %eq3A_403, %jit3A_404, %jit3A_401 : i32
      %rem3A_406 = arith.remsi %add3A_338, %select_n3A_405 : i32
      %ne3A_407 = arith.constant 0 : i32
      %ne3A_408 = arith.cmpi ne, %rem3A_406, %ne3A_407 : i32
      %lt3A_409 = arith.constant 0 : i32
      %lt3A_410 = arith.cmpi slt, %rem3A_406, %lt3A_409 : i32
      %lt3A_411 = arith.constant 0 : i32
      %lt3A_412 = arith.cmpi slt, %select_n3A_405, %lt3A_411 : i32
      %ne3A_413 = arith.xori %lt3A_410, %lt3A_412 : i1
      %and3A_414 = arith.andi %ne3A_413, %ne3A_408 : i1
      %add3A_415 = arith.addi %rem3A_406, %select_n3A_405 : i32
      %select_n3A_416 = arith.select %and3A_414, %add3A_415, %rem3A_406 : i32
      %eq3A_417 = arith.constant 1 : i32
      %eq3A_418 = arith.cmpi eq, %select_n3A_416, %eq3A_417 : i32
      %convert_element_type3A_419 = arith.extui %eq3A_418 : i1 to i32
      %cond3A_420 = arith.constant 0 : i32
      %cond3A_421 = arith.cmpi ne, %convert_element_type3A_419, %cond3A_420 : i32
      scf.if %cond3A_421 {
        %jit3A_422 = arith.constant 8 : i32
        %div3A = arith.divsi %add3A_338, %jit3A_422 : i32
        %sign3A = arith.constant 0 : i32
        %sign3A_423 = arith.cmpi sgt, %add3A_338, %sign3A : i32
        %sign3A_424 = arith.extui %sign3A_423 : i1 to i32
        %sign3A_425 = arith.constant 0 : i32
        %sign3A_426 = arith.cmpi slt, %add3A_338, %sign3A_425 : i32
        %sign3A_427 = arith.extui %sign3A_426 : i1 to i32
        %sign3A_428 = arith.subi %sign3A_424, %sign3A_427 : i32
        %sign3A_429 = arith.constant 0 : i32
        %sign3A_430 = arith.cmpi sgt, %jit3A_422, %sign3A_429 : i32
        %sign3A_431 = arith.extui %sign3A_430 : i1 to i32
        %sign3A_432 = arith.constant 0 : i32
        %sign3A_433 = arith.cmpi slt, %jit3A_422, %sign3A_432 : i32
        %sign3A_434 = arith.extui %sign3A_433 : i1 to i32
        %sign3A_435 = arith.subi %sign3A_431, %sign3A_434 : i32
        %ne3A_436 = arith.cmpi ne, %sign3A_428, %sign3A_435 : i32
        %rem3A_437 = arith.remsi %add3A_338, %jit3A_422 : i32
        %ne3A_438 = arith.constant 0 : i32
        %ne3A_439 = arith.cmpi ne, %rem3A_437, %ne3A_438 : i32
        %and3A_440 = arith.andi %ne3A_436, %ne3A_439 : i1
        %sub3A = arith.constant 1 : i32
        %sub3A_441 = arith.subi %div3A, %sub3A : i32
        %select_n3A_442 = arith.select %and3A_440, %sub3A_441, %div3A : i32
        %add3A_443 = arith.constant 1 : i32
        %add3A_444 = arith.addi %select_n3A_442, %add3A_443 : i32
        %lt3A_445 = arith.constant 10 : i32
        %lt3A_446 = arith.cmpi slt, %add3A_444, %lt3A_445 : i32
        %convert_element_type3A_447 = arith.extui %lt3A_446 : i1 to i32
        %cond3A_448 = arith.constant 0 : i32
        %cond3A_449 = arith.cmpi ne, %convert_element_type3A_447, %cond3A_448 : i32
        scf.if %cond3A_449 {
          %jit3A_450 = arith.constant 2 : i32
          %eq3A_451 = arith.constant 0 : i32
          %eq3A_452 = arith.cmpi eq, %jit3A_450, %eq3A_451 : i32
          %jit3A_453 = arith.constant 1 : i32
          %select_n3A_454 = arith.select %eq3A_452, %jit3A_453, %jit3A_450 : i32
          %rem3A_455 = arith.remsi %add3A_444, %select_n3A_454 : i32
          %ne3A_456 = arith.constant 0 : i32
          %ne3A_457 = arith.cmpi ne, %rem3A_455, %ne3A_456 : i32
          %lt3A_458 = arith.constant 0 : i32
          %lt3A_459 = arith.cmpi slt, %rem3A_455, %lt3A_458 : i32
          %lt3A_460 = arith.constant 0 : i32
          %lt3A_461 = arith.cmpi slt, %select_n3A_454, %lt3A_460 : i32
          %ne3A_462 = arith.xori %lt3A_459, %lt3A_461 : i1
          %and3A_463 = arith.andi %ne3A_462, %ne3A_457 : i1
          %add3A_464 = arith.addi %rem3A_455, %select_n3A_454 : i32
          %select_n3A_465 = arith.select %and3A_463, %add3A_464, %rem3A_455 : i32
          %mul3A_466 = arith.constant 8 : i32
          %mul3A_467 = arith.muli %add3A_444, %mul3A_466 : i32
          %add3A_468 = arith.addi %mul3A_2, %mul3A_467 : i32
          %mul3A_469 = arith.constant 8 : i32
          %mul3A_470 = arith.muli %select_n3A_465, %mul3A_469 : i32
          %mul3A_471 = arith.constant 8 : i32
          %mul3A_472 = arith.muli %select_n3A_465, %mul3A_471 : i32
          %dma_start3A_473 = arith.constant 0 : i32
          %dma_start3A_474 = tpu.memref_slice %arg10[%mul3A_470, %dma_start3A_473] : memref<16x128xi32, #tpu.memory_space<vmem>> -> memref<8x128xi32, #tpu.memory_space<vmem>>
          %dma_start3A_475 = arith.constant 0 : i32
          %dma_start3A_476 = tpu.memref_slice %arg3[%add3A_468, %dma_start3A_475] : memref<2560x128xi32, #tpu.memory_space<hbm>> -> memref<8x128xi32, #tpu.memory_space<hbm>>
          %dma_start3A_477 = arith.constant 0 : i32
          %dma_start3A_478 = tpu.memref_slice %arg10[%mul3A_470, %dma_start3A_477] : memref<16x128xi32, #tpu.memory_space<vmem>> -> memref<8x128xi32, #tpu.memory_space<vmem>>
          %dma_start3A_479 = arith.constant 0 : i32
          %dma_start3A_480 = tpu.memref_slice %arg3[%add3A_468, %dma_start3A_479] : memref<2560x128xi32, #tpu.memory_space<hbm>> -> memref<8x128xi32, #tpu.memory_space<hbm>>
          tpu.enqueue_dma source(%dma_start3A_480 : memref<8x128xi32, #tpu.memory_space<hbm>>) target(%dma_start3A_478 : memref<8x128xi32, #tpu.memory_space<vmem>>) target_semaphore(%arg26 : memref<!tpu.dma_semaphore, #tpu.memory_space<semaphore_mem>>)
          %dma_start3A_481 = arith.constant 0 : i32
          %dma_start3A_482 = tpu.memref_slice %arg11[%mul3A_472, %dma_start3A_481] : memref<16x128xi32, #tpu.memory_space<vmem>> -> memref<8x128xi32, #tpu.memory_space<vmem>>
          %dma_start3A_483 = arith.constant 0 : i32
          %dma_start3A_484 = tpu.memref_slice %arg4[%add3A_468, %dma_start3A_483] : memref<2560x128xi32, #tpu.memory_space<hbm>> -> memref<8x128xi32, #tpu.memory_space<hbm>>
          %dma_start3A_485 = arith.constant 0 : i32
          %dma_start3A_486 = tpu.memref_slice %arg11[%mul3A_472, %dma_start3A_485] : memref<16x128xi32, #tpu.memory_space<vmem>> -> memref<8x128xi32, #tpu.memory_space<vmem>>
          %dma_start3A_487 = arith.constant 0 : i32
          %dma_start3A_488 = tpu.memref_slice %arg4[%add3A_468, %dma_start3A_487] : memref<2560x128xi32, #tpu.memory_space<hbm>> -> memref<8x128xi32, #tpu.memory_space<hbm>>
          tpu.enqueue_dma source(%dma_start3A_488 : memref<8x128xi32, #tpu.memory_space<hbm>>) target(%dma_start3A_486 : memref<8x128xi32, #tpu.memory_space<vmem>>) target_semaphore(%arg26 : memref<!tpu.dma_semaphore, #tpu.memory_space<semaphore_mem>>)
        } else {
        }
      } else {
      }
    }
    %scan3A_28 = arith.constant 20 : i32
    %dma_wait3A = arith.constant 14 : i32
    %dma_wait3A_29 = arith.constant 0 : i32
    %dma_wait3A_30 = tpu.memref_slice %arg11[%dma_wait3A, %dma_wait3A_29] : memref<16x128xi32, #tpu.memory_space<vmem>> -> memref<1x128xi32, #tpu.memory_space<vmem>>
    %dma_wait3A_31 = tpu.memref_squeeze %dma_wait3A_30 : memref<1x128xi32, #tpu.memory_space<vmem>> -> memref<128xi32, #tpu.memory_space<vmem>>
    %dma_wait3A_32 = arith.constant 0 : i32
    %dma_wait3A_33 = arith.constant 0 : i32
    %dma_wait3A_34 = tpu.memref_slice %arg16[%dma_wait3A_32, %dma_wait3A_33] : memref<10112x128xbf16, #tpu.memory_space<vmem_shared>> -> memref<10112x128xbf16, #tpu.memory_space<vmem_shared>>
    tpu.wait_indirect_dma semaphore(%arg24 : memref<!tpu.dma_semaphore, #tpu.memory_space<semaphore_mem>>) src(%arg14 : memref<128x128xbf16, #tpu.memory_space<vmem>>) dst(%dma_wait3A_34 : memref<10112x128xbf16, #tpu.memory_space<vmem_shared>>)
    %dma_wait3A_35 = arith.constant 14 : i32
    %dma_wait3A_36 = arith.constant 0 : i32
    %dma_wait3A_37 = tpu.memref_slice %arg11[%dma_wait3A_35, %dma_wait3A_36] : memref<16x128xi32, #tpu.memory_space<vmem>> -> memref<1x128xi32, #tpu.memory_space<vmem>>
    %dma_wait3A_38 = tpu.memref_squeeze %dma_wait3A_37 : memref<1x128xi32, #tpu.memory_space<vmem>> -> memref<128xi32, #tpu.memory_space<vmem>>
    %dma_wait3A_39 = arith.constant 0 : i32
    %dma_wait3A_40 = arith.constant 0 : i32
    %dma_wait3A_41 = tpu.memref_slice %arg28[%dma_wait3A_39, %dma_wait3A_40] : memref<10112x16xbf16, #tpu.memory_space<vmem_shared>> -> memref<10112x16xbf16, #tpu.memory_space<vmem_shared>>
    tpu.wait_indirect_dma semaphore(%arg24 : memref<!tpu.dma_semaphore, #tpu.memory_space<semaphore_mem>>) src(%arg27 : memref<128x16xbf16, #tpu.memory_space<vmem>>) dst(%dma_wait3A_41 : memref<10112x16xbf16, #tpu.memory_space<vmem_shared>>)
    %dma_wait3A_42 = arith.constant 15 : i32
    %dma_wait3A_43 = arith.constant 0 : i32
    %dma_wait3A_44 = tpu.memref_slice %arg11[%dma_wait3A_42, %dma_wait3A_43] : memref<16x128xi32, #tpu.memory_space<vmem>> -> memref<1x128xi32, #tpu.memory_space<vmem>>
    %dma_wait3A_45 = tpu.memref_squeeze %dma_wait3A_44 : memref<1x128xi32, #tpu.memory_space<vmem>> -> memref<128xi32, #tpu.memory_space<vmem>>
    %dma_wait3A_46 = arith.constant 0 : i32
    %dma_wait3A_47 = arith.constant 0 : i32
    %dma_wait3A_48 = tpu.memref_slice %arg17[%dma_wait3A_46, %dma_wait3A_47] : memref<10112x128xbf16, #tpu.memory_space<vmem_shared>> -> memref<10112x128xbf16, #tpu.memory_space<vmem_shared>>
    tpu.wait_indirect_dma semaphore(%arg25 : memref<!tpu.dma_semaphore, #tpu.memory_space<semaphore_mem>>) src(%arg15 : memref<128x128xbf16, #tpu.memory_space<vmem>>) dst(%dma_wait3A_48 : memref<10112x128xbf16, #tpu.memory_space<vmem_shared>>)
    %dma_wait3A_49 = arith.constant 15 : i32
    %dma_wait3A_50 = arith.constant 0 : i32
    %dma_wait3A_51 = tpu.memref_slice %arg11[%dma_wait3A_49, %dma_wait3A_50] : memref<16x128xi32, #tpu.memory_space<vmem>> -> memref<1x128xi32, #tpu.memory_space<vmem>>
    %dma_wait3A_52 = tpu.memref_squeeze %dma_wait3A_51 : memref<1x128xi32, #tpu.memory_space<vmem>> -> memref<128xi32, #tpu.memory_space<vmem>>
    %dma_wait3A_53 = arith.constant 0 : i32
    %dma_wait3A_54 = arith.constant 0 : i32
    %dma_wait3A_55 = tpu.memref_slice %arg29[%dma_wait3A_53, %dma_wait3A_54] : memref<10112x16xbf16, #tpu.memory_space<vmem_shared>> -> memref<10112x16xbf16, #tpu.memory_space<vmem_shared>>
    tpu.wait_indirect_dma semaphore(%arg25 : memref<!tpu.dma_semaphore, #tpu.memory_space<semaphore_mem>>) src(%arg27 : memref<128x16xbf16, #tpu.memory_space<vmem>>) dst(%dma_wait3A_55 : memref<10112x16xbf16, #tpu.memory_space<vmem_shared>>)
    %barrier3A_56 = arith.constant 0 : index
    tpu.barrier barrier_id(%barrier3A_56)
    %mul3A_57 = arith.constant 632 : i32
    %mul3A_58 = arith.muli %arg1, %mul3A_57 : i32
    %mul3A_59 = arith.constant 2 : i32
    %mul3A_60 = arith.muli %mul3A_59, %arg0 : i32
    %add3A_61 = arith.constant 0 : i32
    %add3A_62 = arith.addi %mul3A_60, %add3A_61 : i32
    %mul3A_63 = arith.constant 632 : i32
    %mul3A_64 = arith.muli %arg1, %mul3A_63 : i32
    "tpu.region"() ({
      %run_scoped3A = tpu.sem_alloc : memref<!tpu.dma_semaphore, #tpu.memory_space<semaphore_mem>>
      %dma_start3A_89 = arith.constant 0 : i32
      %dma_start3A_90 = tpu.memref_slice %arg8[%add3A_62, %mul3A_64, %dma_start3A_89] : memref<4x10112x128xbf16, #tpu.memory_space<hbm>> -> memref<1x632x128xbf16, #tpu.memory_space<hbm>>
      %dma_start3A_91 = tpu.memref_squeeze %dma_start3A_90 : memref<1x632x128xbf16, #tpu.memory_space<hbm>> -> memref<632x128xbf16, #tpu.memory_space<hbm>>
      %dma_start3A_92 = arith.constant 0 : i32
      %dma_start3A_93 = tpu.memref_slice %arg16[%mul3A_58, %dma_start3A_92] : memref<10112x128xbf16, #tpu.memory_space<vmem_shared>> -> memref<632x128xbf16, #tpu.memory_space<vmem_shared>>
      tpu.enqueue_dma source(%dma_start3A_93 : memref<632x128xbf16, #tpu.memory_space<vmem_shared>>) target(%dma_start3A_91 : memref<632x128xbf16, #tpu.memory_space<hbm>>) target_semaphore(%run_scoped3A : memref<!tpu.dma_semaphore, #tpu.memory_space<semaphore_mem>>)
      %dma_wait3A_94 = arith.constant 0 : i32
      %dma_wait3A_95 = tpu.memref_slice %arg8[%add3A_62, %mul3A_64, %dma_wait3A_94] : memref<4x10112x128xbf16, #tpu.memory_space<hbm>> -> memref<1x632x128xbf16, #tpu.memory_space<hbm>>
      %dma_wait3A_96 = tpu.memref_squeeze %dma_wait3A_95 : memref<1x632x128xbf16, #tpu.memory_space<hbm>> -> memref<632x128xbf16, #tpu.memory_space<hbm>>
      %dma_wait3A_97 = arith.constant 0 : i32
      %dma_wait3A_98 = tpu.memref_slice %arg16[%mul3A_58, %dma_wait3A_97] : memref<10112x128xbf16, #tpu.memory_space<vmem_shared>> -> memref<632x128xbf16, #tpu.memory_space<vmem_shared>>
      tpu.wait_dma2 semaphore(%run_scoped3A : memref<!tpu.dma_semaphore, #tpu.memory_space<semaphore_mem>>) src(%dma_wait3A_98 : memref<632x128xbf16, #tpu.memory_space<vmem_shared>>) dst(%dma_wait3A_96 : memref<632x128xbf16, #tpu.memory_space<hbm>>)
      tpu.yield
    }) : () -> ()
    %mul3A_65 = arith.constant 632 : i32
    %mul3A_66 = arith.muli %arg1, %mul3A_65 : i32
    %mul3A_67 = arith.constant 2 : i32
    %mul3A_68 = arith.muli %mul3A_67, %arg0 : i32
    %add3A_69 = arith.constant 0 : i32
    %add3A_70 = arith.addi %mul3A_68, %add3A_69 : i32
    %mul3A_71 = arith.constant 632 : i32
    %mul3A_72 = arith.muli %arg1, %mul3A_71 : i32
    "tpu.region"() ({
      %run_scoped3A = tpu.sem_alloc : memref<!tpu.dma_semaphore, #tpu.memory_space<semaphore_mem>>
      %dma_start3A_89 = arith.constant 0 : i32
      %dma_start3A_90 = tpu.memref_slice %arg9[%add3A_70, %mul3A_72, %dma_start3A_89] : memref<4x10112x16xbf16, #tpu.memory_space<hbm>> -> memref<1x632x16xbf16, #tpu.memory_space<hbm>>
      %dma_start3A_91 = tpu.memref_squeeze %dma_start3A_90 : memref<1x632x16xbf16, #tpu.memory_space<hbm>> -> memref<632x16xbf16, #tpu.memory_space<hbm>>
      %dma_start3A_92 = arith.constant 0 : i32
      %dma_start3A_93 = tpu.memref_slice %arg28[%mul3A_66, %dma_start3A_92] : memref<10112x16xbf16, #tpu.memory_space<vmem_shared>> -> memref<632x16xbf16, #tpu.memory_space<vmem_shared>>
      tpu.enqueue_dma source(%dma_start3A_93 : memref<632x16xbf16, #tpu.memory_space<vmem_shared>>) target(%dma_start3A_91 : memref<632x16xbf16, #tpu.memory_space<hbm>>) target_semaphore(%run_scoped3A : memref<!tpu.dma_semaphore, #tpu.memory_space<semaphore_mem>>)
      %dma_wait3A_94 = arith.constant 0 : i32
      %dma_wait3A_95 = tpu.memref_slice %arg9[%add3A_70, %mul3A_72, %dma_wait3A_94] : memref<4x10112x16xbf16, #tpu.memory_space<hbm>> -> memref<1x632x16xbf16, #tpu.memory_space<hbm>>
      %dma_wait3A_96 = tpu.memref_squeeze %dma_wait3A_95 : memref<1x632x16xbf16, #tpu.memory_space<hbm>> -> memref<632x16xbf16, #tpu.memory_space<hbm>>
      %dma_wait3A_97 = arith.constant 0 : i32
      %dma_wait3A_98 = tpu.memref_slice %arg28[%mul3A_66, %dma_wait3A_97] : memref<10112x16xbf16, #tpu.memory_space<vmem_shared>> -> memref<632x16xbf16, #tpu.memory_space<vmem_shared>>
      tpu.wait_dma2 semaphore(%run_scoped3A : memref<!tpu.dma_semaphore, #tpu.memory_space<semaphore_mem>>) src(%dma_wait3A_98 : memref<632x16xbf16, #tpu.memory_space<vmem_shared>>) dst(%dma_wait3A_96 : memref<632x16xbf16, #tpu.memory_space<hbm>>)
      tpu.yield
    }) : () -> ()
    %mul3A_73 = arith.constant 632 : i32
    %mul3A_74 = arith.muli %arg1, %mul3A_73 : i32
    %mul3A_75 = arith.constant 2 : i32
    %mul3A_76 = arith.muli %mul3A_75, %arg0 : i32
    %add3A_77 = arith.constant 1 : i32
    %add3A_78 = arith.addi %mul3A_76, %add3A_77 : i32
    %mul3A_79 = arith.constant 632 : i32
    %mul3A_80 = arith.muli %arg1, %mul3A_79 : i32
    "tpu.region"() ({
      %run_scoped3A = tpu.sem_alloc : memref<!tpu.dma_semaphore, #tpu.memory_space<semaphore_mem>>
      %dma_start3A_89 = arith.constant 0 : i32
      %dma_start3A_90 = tpu.memref_slice %arg8[%add3A_78, %mul3A_80, %dma_start3A_89] : memref<4x10112x128xbf16, #tpu.memory_space<hbm>> -> memref<1x632x128xbf16, #tpu.memory_space<hbm>>
      %dma_start3A_91 = tpu.memref_squeeze %dma_start3A_90 : memref<1x632x128xbf16, #tpu.memory_space<hbm>> -> memref<632x128xbf16, #tpu.memory_space<hbm>>
      %dma_start3A_92 = arith.constant 0 : i32
      %dma_start3A_93 = tpu.memref_slice %arg17[%mul3A_74, %dma_start3A_92] : memref<10112x128xbf16, #tpu.memory_space<vmem_shared>> -> memref<632x128xbf16, #tpu.memory_space<vmem_shared>>
      tpu.enqueue_dma source(%dma_start3A_93 : memref<632x128xbf16, #tpu.memory_space<vmem_shared>>) target(%dma_start3A_91 : memref<632x128xbf16, #tpu.memory_space<hbm>>) target_semaphore(%run_scoped3A : memref<!tpu.dma_semaphore, #tpu.memory_space<semaphore_mem>>)
      %dma_wait3A_94 = arith.constant 0 : i32
      %dma_wait3A_95 = tpu.memref_slice %arg8[%add3A_78, %mul3A_80, %dma_wait3A_94] : memref<4x10112x128xbf16, #tpu.memory_space<hbm>> -> memref<1x632x128xbf16, #tpu.memory_space<hbm>>
      %dma_wait3A_96 = tpu.memref_squeeze %dma_wait3A_95 : memref<1x632x128xbf16, #tpu.memory_space<hbm>> -> memref<632x128xbf16, #tpu.memory_space<hbm>>
      %dma_wait3A_97 = arith.constant 0 : i32
      %dma_wait3A_98 = tpu.memref_slice %arg17[%mul3A_74, %dma_wait3A_97] : memref<10112x128xbf16, #tpu.memory_space<vmem_shared>> -> memref<632x128xbf16, #tpu.memory_space<vmem_shared>>
      tpu.wait_dma2 semaphore(%run_scoped3A : memref<!tpu.dma_semaphore, #tpu.memory_space<semaphore_mem>>) src(%dma_wait3A_98 : memref<632x128xbf16, #tpu.memory_space<vmem_shared>>) dst(%dma_wait3A_96 : memref<632x128xbf16, #tpu.memory_space<hbm>>)
      tpu.yield
    }) : () -> ()
    %mul3A_81 = arith.constant 632 : i32
    %mul3A_82 = arith.muli %arg1, %mul3A_81 : i32
    %mul3A_83 = arith.constant 2 : i32
    %mul3A_84 = arith.muli %mul3A_83, %arg0 : i32
    %add3A_85 = arith.constant 1 : i32
    %add3A_86 = arith.addi %mul3A_84, %add3A_85 : i32
    %mul3A_87 = arith.constant 632 : i32
    %mul3A_88 = arith.muli %arg1, %mul3A_87 : i32
    "tpu.region"() ({
      %run_scoped3A = tpu.sem_alloc : memref<!tpu.dma_semaphore, #tpu.memory_space<semaphore_mem>>
      %dma_start3A_89 = arith.constant 0 : i32
      %dma_start3A_90 = tpu.memref_slice %arg9[%add3A_86, %mul3A_88, %dma_start3A_89] : memref<4x10112x16xbf16, #tpu.memory_space<hbm>> -> memref<1x632x16xbf16, #tpu.memory_space<hbm>>
      %dma_start3A_91 = tpu.memref_squeeze %dma_start3A_90 : memref<1x632x16xbf16, #tpu.memory_space<hbm>> -> memref<632x16xbf16, #tpu.memory_space<hbm>>
      %dma_start3A_92 = arith.constant 0 : i32
      %dma_start3A_93 = tpu.memref_slice %arg29[%mul3A_82, %dma_start3A_92] : memref<10112x16xbf16, #tpu.memory_space<vmem_shared>> -> memref<632x16xbf16, #tpu.memory_space<vmem_shared>>
      tpu.enqueue_dma source(%dma_start3A_93 : memref<632x16xbf16, #tpu.memory_space<vmem_shared>>) target(%dma_start3A_91 : memref<632x16xbf16, #tpu.memory_space<hbm>>) target_semaphore(%run_scoped3A : memref<!tpu.dma_semaphore, #tpu.memory_space<semaphore_mem>>)
      %dma_wait3A_94 = arith.constant 0 : i32
      %dma_wait3A_95 = tpu.memref_slice %arg9[%add3A_86, %mul3A_88, %dma_wait3A_94] : memref<4x10112x16xbf16, #tpu.memory_space<hbm>> -> memref<1x632x16xbf16, #tpu.memory_space<hbm>>
      %dma_wait3A_96 = tpu.memref_squeeze %dma_wait3A_95 : memref<1x632x16xbf16, #tpu.memory_space<hbm>> -> memref<632x16xbf16, #tpu.memory_space<hbm>>
      %dma_wait3A_97 = arith.constant 0 : i32
      %dma_wait3A_98 = tpu.memref_slice %arg29[%mul3A_82, %dma_wait3A_97] : memref<10112x16xbf16, #tpu.memory_space<vmem_shared>> -> memref<632x16xbf16, #tpu.memory_space<vmem_shared>>
      tpu.wait_dma2 semaphore(%run_scoped3A : memref<!tpu.dma_semaphore, #tpu.memory_space<semaphore_mem>>) src(%dma_wait3A_98 : memref<632x16xbf16, #tpu.memory_space<vmem_shared>>) dst(%dma_wait3A_96 : memref<632x16xbf16, #tpu.memory_space<hbm>>)
      tpu.yield
    }) : () -> ()
    return
  }
}

#map = affine_map<(d0, d1) -> (0, 0)>
#map1 = affine_map<(d0, d1) -> (0, 0, 0)>
module attributes {stable_mosaic.version = 14 : i64} {
  func.func @body(%arg0: i32, %arg1: i32, %arg2: memref<10000x128xbf16, #tpu.memory_space<hbm>>, %arg3: memref<2560x128xi32, #tpu.memory_space<hbm>>, %arg4: memref<2560x128xi32, #tpu.memory_space<hbm>>, %arg5: memref<632x128xbf16, #tpu.memory_space<hbm>>, %arg6: memref<4x10112x128xbf16, #tpu.memory_space<hbm>>, %arg7: memref<16x128xi32, #tpu.memory_space<vmem>>, %arg8: memref<16x128xi32, #tpu.memory_space<vmem>>, %arg9: memref<128x128xbf16, #tpu.memory_space<vmem>>, %arg10: memref<128x128xbf16, #tpu.memory_space<vmem>>, %arg11: memref<128x128xbf16, #tpu.memory_space<vmem>>, %arg12: memref<128x128xbf16, #tpu.memory_space<vmem>>, %arg13: memref<10112x128xbf16, #tpu.memory_space<vmem_shared>>, %arg14: memref<10112x128xbf16, #tpu.memory_space<vmem_shared>>, %arg15: memref<!tpu.dma_semaphore, #tpu.memory_space<semaphore_mem>>, %arg16: memref<!tpu.dma_semaphore, #tpu.memory_space<semaphore_mem>>, %arg17: memref<!tpu.dma_semaphore, #tpu.memory_space<semaphore_mem>>, %arg18: memref<!tpu.dma_semaphore, #tpu.memory_space<semaphore_mem>>, %arg19: memref<!tpu.dma_semaphore, #tpu.memory_space<semaphore_mem>>, %arg20: memref<!tpu.dma_semaphore, #tpu.memory_space<semaphore_mem>>, %arg21: memref<!tpu.dma_semaphore, #tpu.memory_space<semaphore_mem>>, %arg22: memref<!tpu.dma_semaphore, #tpu.memory_space<semaphore_mem>>, %arg23: memref<!tpu.dma_semaphore, #tpu.memory_space<semaphore_mem>>) attributes {dimension_semantics = [#tpu.dimension_semantics<core_parallel>, #tpu.dimension_semantics<subcore_parallel>], iteration_bounds = array<i64: 2, 16>, scalar_prefetch = 0 : i64, scratch_operands = 17 : i64, tpu.core_type = #tpu.core_type<sc_vector_subcore>, window_params = [{transform_indices = #map}, {transform_indices = #map}, {transform_indices = #map}, {transform_indices = #map}, {transform_indices = #map1}]} {
    %mul3A = arith.constant 16 : i32
    %mul3A_0 = arith.muli %arg0, %mul3A : i32
    %add3A = arith.addi %mul3A_0, %arg1 : i32
    %mul3A_1 = arith.constant 80 : i32
    %mul3A_2 = arith.muli %add3A, %mul3A_1 : i32
    %mul3A_3 = arith.constant 632 : i32
    %mul3A_4 = arith.muli %arg1, %mul3A_3 : i32
    "tpu.region"() ({
      %run_scoped3A = tpu.sem_alloc : memref<!tpu.dma_semaphore, #tpu.memory_space<semaphore_mem>>
      %dma_start3A_55 = arith.constant 0 : i32
      %dma_start3A_56 = tpu.memref_slice %arg13[%mul3A_4, %dma_start3A_55] : memref<10112x128xbf16, #tpu.memory_space<vmem_shared>> -> memref<632x128xbf16, #tpu.memory_space<vmem_shared>>
      tpu.enqueue_dma source(%arg5 : memref<632x128xbf16, #tpu.memory_space<hbm>>) target(%dma_start3A_56 : memref<632x128xbf16, #tpu.memory_space<vmem_shared>>) target_semaphore(%run_scoped3A : memref<!tpu.dma_semaphore, #tpu.memory_space<semaphore_mem>>)
      %dma_wait3A_57 = arith.constant 0 : i32
      %dma_wait3A_58 = tpu.memref_slice %arg13[%mul3A_4, %dma_wait3A_57] : memref<10112x128xbf16, #tpu.memory_space<vmem_shared>> -> memref<632x128xbf16, #tpu.memory_space<vmem_shared>>
      tpu.wait_dma2 semaphore(%run_scoped3A : memref<!tpu.dma_semaphore, #tpu.memory_space<semaphore_mem>>) src(%arg5 : memref<632x128xbf16, #tpu.memory_space<hbm>>) dst(%dma_wait3A_58 : memref<632x128xbf16, #tpu.memory_space<vmem_shared>>)
      tpu.yield
    }) : () -> ()
    %mul3A_5 = arith.constant 632 : i32
    %mul3A_6 = arith.muli %arg1, %mul3A_5 : i32
    "tpu.region"() ({
      %run_scoped3A = tpu.sem_alloc : memref<!tpu.dma_semaphore, #tpu.memory_space<semaphore_mem>>
      %dma_start3A_55 = arith.constant 0 : i32
      %dma_start3A_56 = tpu.memref_slice %arg14[%mul3A_6, %dma_start3A_55] : memref<10112x128xbf16, #tpu.memory_space<vmem_shared>> -> memref<632x128xbf16, #tpu.memory_space<vmem_shared>>
      tpu.enqueue_dma source(%arg5 : memref<632x128xbf16, #tpu.memory_space<hbm>>) target(%dma_start3A_56 : memref<632x128xbf16, #tpu.memory_space<vmem_shared>>) target_semaphore(%run_scoped3A : memref<!tpu.dma_semaphore, #tpu.memory_space<semaphore_mem>>)
      %dma_wait3A_57 = arith.constant 0 : i32
      %dma_wait3A_58 = tpu.memref_slice %arg14[%mul3A_6, %dma_wait3A_57] : memref<10112x128xbf16, #tpu.memory_space<vmem_shared>> -> memref<632x128xbf16, #tpu.memory_space<vmem_shared>>
      tpu.wait_dma2 semaphore(%run_scoped3A : memref<!tpu.dma_semaphore, #tpu.memory_space<semaphore_mem>>) src(%arg5 : memref<632x128xbf16, #tpu.memory_space<hbm>>) dst(%dma_wait3A_58 : memref<632x128xbf16, #tpu.memory_space<vmem_shared>>)
      tpu.yield
    }) : () -> ()
    "tpu.region"() ({
      %run_scoped3A = tpu.sem_alloc : memref<!tpu.dma_semaphore, #tpu.memory_space<semaphore_mem>>
      %dma_start3A_55 = arith.constant 0 : i32
      %dma_start3A_56 = arith.constant 0 : i32
      %dma_start3A_57 = tpu.memref_slice %arg7[%dma_start3A_55, %dma_start3A_56] : memref<16x128xi32, #tpu.memory_space<vmem>> -> memref<8x128xi32, #tpu.memory_space<vmem>>
      %dma_start3A_58 = arith.constant 0 : i32
      %dma_start3A_59 = tpu.memref_slice %arg3[%mul3A_2, %dma_start3A_58] : memref<2560x128xi32, #tpu.memory_space<hbm>> -> memref<8x128xi32, #tpu.memory_space<hbm>>
      %dma_start3A_60 = arith.constant 0 : i32
      %dma_start3A_61 = arith.constant 0 : i32
      %dma_start3A_62 = tpu.memref_slice %arg7[%dma_start3A_60, %dma_start3A_61] : memref<16x128xi32, #tpu.memory_space<vmem>> -> memref<8x128xi32, #tpu.memory_space<vmem>>
      %dma_start3A_63 = arith.constant 0 : i32
      %dma_start3A_64 = tpu.memref_slice %arg3[%mul3A_2, %dma_start3A_63] : memref<2560x128xi32, #tpu.memory_space<hbm>> -> memref<8x128xi32, #tpu.memory_space<hbm>>
      tpu.enqueue_dma source(%dma_start3A_64 : memref<8x128xi32, #tpu.memory_space<hbm>>) target(%dma_start3A_62 : memref<8x128xi32, #tpu.memory_space<vmem>>) target_semaphore(%run_scoped3A : memref<!tpu.dma_semaphore, #tpu.memory_space<semaphore_mem>>)
      %dma_wait3A_65 = arith.constant 0 : i32
      %dma_wait3A_66 = arith.constant 0 : i32
      %dma_wait3A_67 = tpu.memref_slice %arg7[%dma_wait3A_65, %dma_wait3A_66] : memref<16x128xi32, #tpu.memory_space<vmem>> -> memref<8x128xi32, #tpu.memory_space<vmem>>
      %dma_wait3A_68 = arith.constant 0 : i32
      %dma_wait3A_69 = tpu.memref_slice %arg3[%mul3A_2, %dma_wait3A_68] : memref<2560x128xi32, #tpu.memory_space<hbm>> -> memref<8x128xi32, #tpu.memory_space<hbm>>
      %dma_wait3A_70 = arith.constant 0 : i32
      %dma_wait3A_71 = arith.constant 0 : i32
      %dma_wait3A_72 = tpu.memref_slice %arg7[%dma_wait3A_70, %dma_wait3A_71] : memref<16x128xi32, #tpu.memory_space<vmem>> -> memref<8x128xi32, #tpu.memory_space<vmem>>
      %dma_wait3A_73 = arith.constant 0 : i32
      %dma_wait3A_74 = tpu.memref_slice %arg3[%mul3A_2, %dma_wait3A_73] : memref<2560x128xi32, #tpu.memory_space<hbm>> -> memref<8x128xi32, #tpu.memory_space<hbm>>
      tpu.wait_dma2 semaphore(%run_scoped3A : memref<!tpu.dma_semaphore, #tpu.memory_space<semaphore_mem>>) src(%dma_wait3A_74 : memref<8x128xi32, #tpu.memory_space<hbm>>) dst(%dma_wait3A_72 : memref<8x128xi32, #tpu.memory_space<vmem>>)
      tpu.yield
    }) : () -> ()
    "tpu.region"() ({
      %run_scoped3A = tpu.sem_alloc : memref<!tpu.dma_semaphore, #tpu.memory_space<semaphore_mem>>
      %dma_start3A_55 = arith.constant 0 : i32
      %dma_start3A_56 = arith.constant 0 : i32
      %dma_start3A_57 = tpu.memref_slice %arg8[%dma_start3A_55, %dma_start3A_56] : memref<16x128xi32, #tpu.memory_space<vmem>> -> memref<8x128xi32, #tpu.memory_space<vmem>>
      %dma_start3A_58 = arith.constant 0 : i32
      %dma_start3A_59 = tpu.memref_slice %arg4[%mul3A_2, %dma_start3A_58] : memref<2560x128xi32, #tpu.memory_space<hbm>> -> memref<8x128xi32, #tpu.memory_space<hbm>>
      %dma_start3A_60 = arith.constant 0 : i32
      %dma_start3A_61 = arith.constant 0 : i32
      %dma_start3A_62 = tpu.memref_slice %arg8[%dma_start3A_60, %dma_start3A_61] : memref<16x128xi32, #tpu.memory_space<vmem>> -> memref<8x128xi32, #tpu.memory_space<vmem>>
      %dma_start3A_63 = arith.constant 0 : i32
      %dma_start3A_64 = tpu.memref_slice %arg4[%mul3A_2, %dma_start3A_63] : memref<2560x128xi32, #tpu.memory_space<hbm>> -> memref<8x128xi32, #tpu.memory_space<hbm>>
      tpu.enqueue_dma source(%dma_start3A_64 : memref<8x128xi32, #tpu.memory_space<hbm>>) target(%dma_start3A_62 : memref<8x128xi32, #tpu.memory_space<vmem>>) target_semaphore(%run_scoped3A : memref<!tpu.dma_semaphore, #tpu.memory_space<semaphore_mem>>)
      %dma_wait3A_65 = arith.constant 0 : i32
      %dma_wait3A_66 = arith.constant 0 : i32
      %dma_wait3A_67 = tpu.memref_slice %arg8[%dma_wait3A_65, %dma_wait3A_66] : memref<16x128xi32, #tpu.memory_space<vmem>> -> memref<8x128xi32, #tpu.memory_space<vmem>>
      %dma_wait3A_68 = arith.constant 0 : i32
      %dma_wait3A_69 = tpu.memref_slice %arg4[%mul3A_2, %dma_wait3A_68] : memref<2560x128xi32, #tpu.memory_space<hbm>> -> memref<8x128xi32, #tpu.memory_space<hbm>>
      %dma_wait3A_70 = arith.constant 0 : i32
      %dma_wait3A_71 = arith.constant 0 : i32
      %dma_wait3A_72 = tpu.memref_slice %arg8[%dma_wait3A_70, %dma_wait3A_71] : memref<16x128xi32, #tpu.memory_space<vmem>> -> memref<8x128xi32, #tpu.memory_space<vmem>>
      %dma_wait3A_73 = arith.constant 0 : i32
      %dma_wait3A_74 = tpu.memref_slice %arg4[%mul3A_2, %dma_wait3A_73] : memref<2560x128xi32, #tpu.memory_space<hbm>> -> memref<8x128xi32, #tpu.memory_space<hbm>>
      tpu.wait_dma2 semaphore(%run_scoped3A : memref<!tpu.dma_semaphore, #tpu.memory_space<semaphore_mem>>) src(%dma_wait3A_74 : memref<8x128xi32, #tpu.memory_space<hbm>>) dst(%dma_wait3A_72 : memref<8x128xi32, #tpu.memory_space<vmem>>)
      tpu.yield
    }) : () -> ()
    %barrier3A = arith.constant 0 : index
    tpu.barrier barrier_id(%barrier3A)
    %dma_start3A = arith.constant 0 : i32
    %dma_start3A_7 = arith.constant 0 : i32
    %dma_start3A_8 = tpu.memref_slice %arg7[%dma_start3A, %dma_start3A_7] : memref<16x128xi32, #tpu.memory_space<vmem>> -> memref<1x128xi32, #tpu.memory_space<vmem>>
    %dma_start3A_9 = tpu.memref_squeeze %dma_start3A_8 : memref<1x128xi32, #tpu.memory_space<vmem>> -> memref<128xi32, #tpu.memory_space<vmem>>
    %dma_start3A_10 = arith.constant 0 : i32
    %dma_start3A_11 = arith.constant 0 : i32
    %dma_start3A_12 = tpu.memref_slice %arg2[%dma_start3A_10, %dma_start3A_11] : memref<10000x128xbf16, #tpu.memory_space<hbm>> -> memref<10000x128xbf16, #tpu.memory_space<hbm>>
    tpu.enqueue_indirect_dma source(%dma_start3A_12 : memref<10000x128xbf16, #tpu.memory_space<hbm>>) target(%arg9 : memref<128x128xbf16, #tpu.memory_space<vmem>>) offsets(%dma_start3A_9 : memref<128xi32, #tpu.memory_space<vmem>>) semaphore(%arg15 : memref<!tpu.dma_semaphore, #tpu.memory_space<semaphore_mem>>)
    %dma_start3A_13 = arith.constant 1 : i32
    %dma_start3A_14 = arith.constant 0 : i32
    %dma_start3A_15 = tpu.memref_slice %arg7[%dma_start3A_13, %dma_start3A_14] : memref<16x128xi32, #tpu.memory_space<vmem>> -> memref<1x128xi32, #tpu.memory_space<vmem>>
    %dma_start3A_16 = tpu.memref_squeeze %dma_start3A_15 : memref<1x128xi32, #tpu.memory_space<vmem>> -> memref<128xi32, #tpu.memory_space<vmem>>
    %dma_start3A_17 = arith.constant 0 : i32
    %dma_start3A_18 = arith.constant 0 : i32
    %dma_start3A_19 = tpu.memref_slice %arg2[%dma_start3A_17, %dma_start3A_18] : memref<10000x128xbf16, #tpu.memory_space<hbm>> -> memref<10000x128xbf16, #tpu.memory_space<hbm>>
    tpu.enqueue_indirect_dma source(%dma_start3A_19 : memref<10000x128xbf16, #tpu.memory_space<hbm>>) target(%arg10 : memref<128x128xbf16, #tpu.memory_space<vmem>>) offsets(%dma_start3A_16 : memref<128xi32, #tpu.memory_space<vmem>>) semaphore(%arg16 : memref<!tpu.dma_semaphore, #tpu.memory_space<semaphore_mem>>)
    %scan3A = arith.constant 0 : i32
    %scan3A_20 = arith.constant 0 : i32
    %scan3A_21 = arith.constant 20 : i32
    %scan3A_22 = arith.addi %scan3A_20, %scan3A_21 : i32
    %scan3A_23 = arith.constant 1 : i32
    scf.for %scan3A_55 = %scan3A_20 to %scan3A_22 step %scan3A_23  : i32 {
      %mul3A_56 = arith.constant 4 : i32
      %mul3A_57 = arith.muli %mul3A_56, %scan3A_55 : i32
      %add3A_58 = arith.constant 0 : i32
      %add3A_59 = arith.addi %mul3A_57, %add3A_58 : i32
      %add3A_60 = arith.constant 2 : i32
      %add3A_61 = arith.addi %add3A_59, %add3A_60 : i32
      %jit3A = arith.constant 16 : i32
      %eq3A = arith.constant 0 : i32
      %eq3A_62 = arith.cmpi eq, %jit3A, %eq3A : i32
      %jit3A_63 = arith.constant 1 : i32
      %select_n3A = arith.select %eq3A_62, %jit3A_63, %jit3A : i32
      %rem3A = arith.remsi %add3A_59, %select_n3A : i32
      %ne3A = arith.constant 0 : i32
      %ne3A_64 = arith.cmpi ne, %rem3A, %ne3A : i32
      %lt3A = arith.constant 0 : i32
      %lt3A_65 = arith.cmpi slt, %rem3A, %lt3A : i32
      %lt3A_66 = arith.constant 0 : i32
      %lt3A_67 = arith.cmpi slt, %select_n3A, %lt3A_66 : i32
      %ne3A_68 = arith.xori %lt3A_65, %lt3A_67 : i1
      %and3A = arith.andi %ne3A_68, %ne3A_64 : i1
      %add3A_69 = arith.addi %rem3A, %select_n3A : i32
      %select_n3A_70 = arith.select %and3A, %add3A_69, %rem3A : i32
      %dma_wait3A_71 = arith.constant 0 : i32
      %dma_wait3A_72 = tpu.memref_slice %arg7[%select_n3A_70, %dma_wait3A_71] : memref<16x128xi32, #tpu.memory_space<vmem>> -> memref<1x128xi32, #tpu.memory_space<vmem>>
      %dma_wait3A_73 = tpu.memref_squeeze %dma_wait3A_72 : memref<1x128xi32, #tpu.memory_space<vmem>> -> memref<128xi32, #tpu.memory_space<vmem>>
      %dma_wait3A_74 = arith.constant 0 : i32
      %dma_wait3A_75 = arith.constant 0 : i32
      %dma_wait3A_76 = tpu.memref_slice %arg2[%dma_wait3A_74, %dma_wait3A_75] : memref<10000x128xbf16, #tpu.memory_space<hbm>> -> memref<10000x128xbf16, #tpu.memory_space<hbm>>
      tpu.wait_indirect_dma semaphore(%arg15 : memref<!tpu.dma_semaphore, #tpu.memory_space<semaphore_mem>>) src(%dma_wait3A_76 : memref<10000x128xbf16, #tpu.memory_space<hbm>>) dst(%arg9 : memref<128x128xbf16, #tpu.memory_space<vmem>>)
      %ge3A = arith.constant 2 : i32
      %ge3A_77 = arith.cmpi sge, %add3A_59, %ge3A : i32
      %convert_element_type3A = arith.extui %ge3A_77 : i1 to i32
      %cond3A = arith.constant 0 : i32
      %cond3A_78 = arith.cmpi ne, %convert_element_type3A, %cond3A : i32
      scf.if %cond3A_78 {
        %sub3A = arith.constant 2 : i32
        %sub3A_364 = arith.subi %add3A_59, %sub3A : i32
        %jit3A_365 = arith.constant 16 : i32
        %eq3A_366 = arith.constant 0 : i32
        %eq3A_367 = arith.cmpi eq, %jit3A_365, %eq3A_366 : i32
        %jit3A_368 = arith.constant 1 : i32
        %select_n3A_369 = arith.select %eq3A_367, %jit3A_368, %jit3A_365 : i32
        %rem3A_370 = arith.remsi %sub3A_364, %select_n3A_369 : i32
        %ne3A_371 = arith.constant 0 : i32
        %ne3A_372 = arith.cmpi ne, %rem3A_370, %ne3A_371 : i32
        %lt3A_373 = arith.constant 0 : i32
        %lt3A_374 = arith.cmpi slt, %rem3A_370, %lt3A_373 : i32
        %lt3A_375 = arith.constant 0 : i32
        %lt3A_376 = arith.cmpi slt, %select_n3A_369, %lt3A_375 : i32
        %ne3A_377 = arith.xori %lt3A_374, %lt3A_376 : i1
        %and3A_378 = arith.andi %ne3A_377, %ne3A_372 : i1
        %add3A_379 = arith.addi %rem3A_370, %select_n3A_369 : i32
        %select_n3A_380 = arith.select %and3A_378, %add3A_379, %rem3A_370 : i32
        %dma_wait3A_381 = arith.constant 0 : i32
        %dma_wait3A_382 = tpu.memref_slice %arg8[%select_n3A_380, %dma_wait3A_381] : memref<16x128xi32, #tpu.memory_space<vmem>> -> memref<1x128xi32, #tpu.memory_space<vmem>>
        %dma_wait3A_383 = tpu.memref_squeeze %dma_wait3A_382 : memref<1x128xi32, #tpu.memory_space<vmem>> -> memref<128xi32, #tpu.memory_space<vmem>>
        %dma_wait3A_384 = arith.constant 0 : i32
        %dma_wait3A_385 = arith.constant 0 : i32
        %dma_wait3A_386 = tpu.memref_slice %arg13[%dma_wait3A_384, %dma_wait3A_385] : memref<10112x128xbf16, #tpu.memory_space<vmem_shared>> -> memref<10112x128xbf16, #tpu.memory_space<vmem_shared>>
        tpu.wait_indirect_dma semaphore(%arg21 : memref<!tpu.dma_semaphore, #tpu.memory_space<semaphore_mem>>) src(%arg11 : memref<128x128xbf16, #tpu.memory_space<vmem>>) dst(%dma_wait3A_386 : memref<10112x128xbf16, #tpu.memory_space<vmem_shared>>)
      } else {
      }
      %jit3A_79 = arith.constant 16 : i32
      %eq3A_80 = arith.constant 0 : i32
      %eq3A_81 = arith.cmpi eq, %jit3A_79, %eq3A_80 : i32
      %jit3A_82 = arith.constant 1 : i32
      %select_n3A_83 = arith.select %eq3A_81, %jit3A_82, %jit3A_79 : i32
      %rem3A_84 = arith.remsi %add3A_59, %select_n3A_83 : i32
      %ne3A_85 = arith.constant 0 : i32
      %ne3A_86 = arith.cmpi ne, %rem3A_84, %ne3A_85 : i32
      %lt3A_87 = arith.constant 0 : i32
      %lt3A_88 = arith.cmpi slt, %rem3A_84, %lt3A_87 : i32
      %lt3A_89 = arith.constant 0 : i32
      %lt3A_90 = arith.cmpi slt, %select_n3A_83, %lt3A_89 : i32
      %ne3A_91 = arith.xori %lt3A_88, %lt3A_90 : i1
      %and3A_92 = arith.andi %ne3A_91, %ne3A_86 : i1
      %add3A_93 = arith.addi %rem3A_84, %select_n3A_83 : i32
      %select_n3A_94 = arith.select %and3A_92, %add3A_93, %rem3A_84 : i32
      %dma_start3A_95 = arith.constant 0 : i32
      %dma_start3A_96 = tpu.memref_slice %arg8[%select_n3A_94, %dma_start3A_95] : memref<16x128xi32, #tpu.memory_space<vmem>> -> memref<1x128xi32, #tpu.memory_space<vmem>>
      %dma_start3A_97 = tpu.memref_squeeze %dma_start3A_96 : memref<1x128xi32, #tpu.memory_space<vmem>> -> memref<128xi32, #tpu.memory_space<vmem>>
      %dma_start3A_98 = arith.constant 0 : i32
      %dma_start3A_99 = arith.constant 0 : i32
      %dma_start3A_100 = tpu.memref_slice %arg13[%dma_start3A_98, %dma_start3A_99] : memref<10112x128xbf16, #tpu.memory_space<vmem_shared>> -> memref<10112x128xbf16, #tpu.memory_space<vmem_shared>>
      tpu.enqueue_indirect_dma source(%arg9 : memref<128x128xbf16, #tpu.memory_space<vmem>>) target(%dma_start3A_100 : memref<10112x128xbf16, #tpu.memory_space<vmem_shared>>) offsets(%dma_start3A_97 : memref<128xi32, #tpu.memory_space<vmem>>) semaphore(%arg19 : memref<!tpu.dma_semaphore, #tpu.memory_space<semaphore_mem>>) {add = true}
      %lt3A_101 = arith.constant 80 : i32
      %lt3A_102 = arith.cmpi slt, %add3A_61, %lt3A_101 : i32
      %convert_element_type3A_103 = arith.extui %lt3A_102 : i1 to i32
      %cond3A_104 = arith.constant 0 : i32
      %cond3A_105 = arith.cmpi ne, %convert_element_type3A_103, %cond3A_104 : i32
      scf.if %cond3A_105 {
        %jit3A_364 = arith.constant 8 : i32
        %eq3A_365 = arith.constant 0 : i32
        %eq3A_366 = arith.cmpi eq, %jit3A_364, %eq3A_365 : i32
        %jit3A_367 = arith.constant 1 : i32
        %select_n3A_368 = arith.select %eq3A_366, %jit3A_367, %jit3A_364 : i32
        %rem3A_369 = arith.remsi %add3A_61, %select_n3A_368 : i32
        %ne3A_370 = arith.constant 0 : i32
        %ne3A_371 = arith.cmpi ne, %rem3A_369, %ne3A_370 : i32
        %lt3A_372 = arith.constant 0 : i32
        %lt3A_373 = arith.cmpi slt, %rem3A_369, %lt3A_372 : i32
        %lt3A_374 = arith.constant 0 : i32
        %lt3A_375 = arith.cmpi slt, %select_n3A_368, %lt3A_374 : i32
        %ne3A_376 = arith.xori %lt3A_373, %lt3A_375 : i1
        %and3A_377 = arith.andi %ne3A_376, %ne3A_371 : i1
        %add3A_378 = arith.addi %rem3A_369, %select_n3A_368 : i32
        %select_n3A_379 = arith.select %and3A_377, %add3A_378, %rem3A_369 : i32
        %eq3A_380 = arith.constant 0 : i32
        %eq3A_381 = arith.cmpi eq, %select_n3A_379, %eq3A_380 : i32
        %convert_element_type3A_382 = arith.extui %eq3A_381 : i1 to i32
        %cond3A_383 = arith.constant 0 : i32
        %cond3A_384 = arith.cmpi ne, %convert_element_type3A_382, %cond3A_383 : i32
        scf.if %cond3A_384 {
          %jit3A_407 = arith.constant 8 : i32
          %div3A = arith.divsi %add3A_61, %jit3A_407 : i32
          %sign3A = arith.constant 0 : i32
          %sign3A_408 = arith.cmpi sgt, %add3A_61, %sign3A : i32
          %sign3A_409 = arith.extui %sign3A_408 : i1 to i32
          %sign3A_410 = arith.constant 0 : i32
          %sign3A_411 = arith.cmpi slt, %add3A_61, %sign3A_410 : i32
          %sign3A_412 = arith.extui %sign3A_411 : i1 to i32
          %sign3A_413 = arith.subi %sign3A_409, %sign3A_412 : i32
          %sign3A_414 = arith.constant 0 : i32
          %sign3A_415 = arith.cmpi sgt, %jit3A_407, %sign3A_414 : i32
          %sign3A_416 = arith.extui %sign3A_415 : i1 to i32
          %sign3A_417 = arith.constant 0 : i32
          %sign3A_418 = arith.cmpi slt, %jit3A_407, %sign3A_417 : i32
          %sign3A_419 = arith.extui %sign3A_418 : i1 to i32
          %sign3A_420 = arith.subi %sign3A_416, %sign3A_419 : i32
          %ne3A_421 = arith.cmpi ne, %sign3A_413, %sign3A_420 : i32
          %rem3A_422 = arith.remsi %add3A_61, %jit3A_407 : i32
          %ne3A_423 = arith.constant 0 : i32
          %ne3A_424 = arith.cmpi ne, %rem3A_422, %ne3A_423 : i32
          %and3A_425 = arith.andi %ne3A_421, %ne3A_424 : i1
          %sub3A = arith.constant 1 : i32
          %sub3A_426 = arith.subi %div3A, %sub3A : i32
          %select_n3A_427 = arith.select %and3A_425, %sub3A_426, %div3A : i32
          %jit3A_428 = arith.constant 2 : i32
          %eq3A_429 = arith.constant 0 : i32
          %eq3A_430 = arith.cmpi eq, %jit3A_428, %eq3A_429 : i32
          %jit3A_431 = arith.constant 1 : i32
          %select_n3A_432 = arith.select %eq3A_430, %jit3A_431, %jit3A_428 : i32
          %rem3A_433 = arith.remsi %select_n3A_427, %select_n3A_432 : i32
          %ne3A_434 = arith.constant 0 : i32
          %ne3A_435 = arith.cmpi ne, %rem3A_433, %ne3A_434 : i32
          %lt3A_436 = arith.constant 0 : i32
          %lt3A_437 = arith.cmpi slt, %rem3A_433, %lt3A_436 : i32
          %lt3A_438 = arith.constant 0 : i32
          %lt3A_439 = arith.cmpi slt, %select_n3A_432, %lt3A_438 : i32
          %ne3A_440 = arith.xori %lt3A_437, %lt3A_439 : i1
          %and3A_441 = arith.andi %ne3A_440, %ne3A_435 : i1
          %add3A_442 = arith.addi %rem3A_433, %select_n3A_432 : i32
          %select_n3A_443 = arith.select %and3A_441, %add3A_442, %rem3A_433 : i32
          %mul3A_444 = arith.constant 8 : i32
          %mul3A_445 = arith.muli %select_n3A_427, %mul3A_444 : i32
          %add3A_446 = arith.addi %mul3A_2, %mul3A_445 : i32
          %mul3A_447 = arith.constant 8 : i32
          %mul3A_448 = arith.muli %select_n3A_443, %mul3A_447 : i32
          %mul3A_449 = arith.constant 8 : i32
          %mul3A_450 = arith.muli %select_n3A_443, %mul3A_449 : i32
          %dma_wait3A_451 = arith.constant 0 : i32
          %dma_wait3A_452 = tpu.memref_slice %arg7[%mul3A_448, %dma_wait3A_451] : memref<16x128xi32, #tpu.memory_space<vmem>> -> memref<8x128xi32, #tpu.memory_space<vmem>>
          %dma_wait3A_453 = arith.constant 0 : i32
          %dma_wait3A_454 = tpu.memref_slice %arg3[%add3A_446, %dma_wait3A_453] : memref<2560x128xi32, #tpu.memory_space<hbm>> -> memref<8x128xi32, #tpu.memory_space<hbm>>
          %dma_wait3A_455 = arith.constant 0 : i32
          %dma_wait3A_456 = tpu.memref_slice %arg7[%mul3A_448, %dma_wait3A_455] : memref<16x128xi32, #tpu.memory_space<vmem>> -> memref<8x128xi32, #tpu.memory_space<vmem>>
          %dma_wait3A_457 = arith.constant 0 : i32
          %dma_wait3A_458 = tpu.memref_slice %arg3[%add3A_446, %dma_wait3A_457] : memref<2560x128xi32, #tpu.memory_space<hbm>> -> memref<8x128xi32, #tpu.memory_space<hbm>>
          tpu.wait_dma2 semaphore(%arg23 : memref<!tpu.dma_semaphore, #tpu.memory_space<semaphore_mem>>) src(%dma_wait3A_458 : memref<8x128xi32, #tpu.memory_space<hbm>>) dst(%dma_wait3A_456 : memref<8x128xi32, #tpu.memory_space<vmem>>)
          %dma_wait3A_459 = arith.constant 0 : i32
          %dma_wait3A_460 = tpu.memref_slice %arg8[%mul3A_450, %dma_wait3A_459] : memref<16x128xi32, #tpu.memory_space<vmem>> -> memref<8x128xi32, #tpu.memory_space<vmem>>
          %dma_wait3A_461 = arith.constant 0 : i32
          %dma_wait3A_462 = tpu.memref_slice %arg4[%add3A_446, %dma_wait3A_461] : memref<2560x128xi32, #tpu.memory_space<hbm>> -> memref<8x128xi32, #tpu.memory_space<hbm>>
          %dma_wait3A_463 = arith.constant 0 : i32
          %dma_wait3A_464 = tpu.memref_slice %arg8[%mul3A_450, %dma_wait3A_463] : memref<16x128xi32, #tpu.memory_space<vmem>> -> memref<8x128xi32, #tpu.memory_space<vmem>>
          %dma_wait3A_465 = arith.constant 0 : i32
          %dma_wait3A_466 = tpu.memref_slice %arg4[%add3A_446, %dma_wait3A_465] : memref<2560x128xi32, #tpu.memory_space<hbm>> -> memref<8x128xi32, #tpu.memory_space<hbm>>
          tpu.wait_dma2 semaphore(%arg23 : memref<!tpu.dma_semaphore, #tpu.memory_space<semaphore_mem>>) src(%dma_wait3A_466 : memref<8x128xi32, #tpu.memory_space<hbm>>) dst(%dma_wait3A_464 : memref<8x128xi32, #tpu.memory_space<vmem>>)
        } else {
        }
        %jit3A_385 = arith.constant 16 : i32
        %eq3A_386 = arith.constant 0 : i32
        %eq3A_387 = arith.cmpi eq, %jit3A_385, %eq3A_386 : i32
        %jit3A_388 = arith.constant 1 : i32
        %select_n3A_389 = arith.select %eq3A_387, %jit3A_388, %jit3A_385 : i32
        %rem3A_390 = arith.remsi %add3A_61, %select_n3A_389 : i32
        %ne3A_391 = arith.constant 0 : i32
        %ne3A_392 = arith.cmpi ne, %rem3A_390, %ne3A_391 : i32
        %lt3A_393 = arith.constant 0 : i32
        %lt3A_394 = arith.cmpi slt, %rem3A_390, %lt3A_393 : i32
        %lt3A_395 = arith.constant 0 : i32
        %lt3A_396 = arith.cmpi slt, %select_n3A_389, %lt3A_395 : i32
        %ne3A_397 = arith.xori %lt3A_394, %lt3A_396 : i1
        %and3A_398 = arith.andi %ne3A_397, %ne3A_392 : i1
        %add3A_399 = arith.addi %rem3A_390, %select_n3A_389 : i32
        %select_n3A_400 = arith.select %and3A_398, %add3A_399, %rem3A_390 : i32
        %dma_start3A_401 = arith.constant 0 : i32
        %dma_start3A_402 = tpu.memref_slice %arg7[%select_n3A_400, %dma_start3A_401] : memref<16x128xi32, #tpu.memory_space<vmem>> -> memref<1x128xi32, #tpu.memory_space<vmem>>
        %dma_start3A_403 = tpu.memref_squeeze %dma_start3A_402 : memref<1x128xi32, #tpu.memory_space<vmem>> -> memref<128xi32, #tpu.memory_space<vmem>>
        %dma_start3A_404 = arith.constant 0 : i32
        %dma_start3A_405 = arith.constant 0 : i32
        %dma_start3A_406 = tpu.memref_slice %arg2[%dma_start3A_404, %dma_start3A_405] : memref<10000x128xbf16, #tpu.memory_space<hbm>> -> memref<10000x128xbf16, #tpu.memory_space<hbm>>
        tpu.enqueue_indirect_dma source(%dma_start3A_406 : memref<10000x128xbf16, #tpu.memory_space<hbm>>) target(%arg11 : memref<128x128xbf16, #tpu.memory_space<vmem>>) offsets(%dma_start3A_403 : memref<128xi32, #tpu.memory_space<vmem>>) semaphore(%arg17 : memref<!tpu.dma_semaphore, #tpu.memory_space<semaphore_mem>>)
      } else {
      }
      %jit3A_106 = arith.constant 8 : i32
      %eq3A_107 = arith.constant 0 : i32
      %eq3A_108 = arith.cmpi eq, %jit3A_106, %eq3A_107 : i32
      %jit3A_109 = arith.constant 1 : i32
      %select_n3A_110 = arith.select %eq3A_108, %jit3A_109, %jit3A_106 : i32
      %rem3A_111 = arith.remsi %add3A_59, %select_n3A_110 : i32
      %ne3A_112 = arith.constant 0 : i32
      %ne3A_113 = arith.cmpi ne, %rem3A_111, %ne3A_112 : i32
      %lt3A_114 = arith.constant 0 : i32
      %lt3A_115 = arith.cmpi slt, %rem3A_111, %lt3A_114 : i32
      %lt3A_116 = arith.constant 0 : i32
      %lt3A_117 = arith.cmpi slt, %select_n3A_110, %lt3A_116 : i32
      %ne3A_118 = arith.xori %lt3A_115, %lt3A_117 : i1
      %and3A_119 = arith.andi %ne3A_118, %ne3A_113 : i1
      %add3A_120 = arith.addi %rem3A_111, %select_n3A_110 : i32
      %select_n3A_121 = arith.select %and3A_119, %add3A_120, %rem3A_111 : i32
      %eq3A_122 = arith.constant 1 : i32
      %eq3A_123 = arith.cmpi eq, %select_n3A_121, %eq3A_122 : i32
      %convert_element_type3A_124 = arith.extui %eq3A_123 : i1 to i32
      %cond3A_125 = arith.constant 0 : i32
      %cond3A_126 = arith.cmpi ne, %convert_element_type3A_124, %cond3A_125 : i32
      scf.if %cond3A_126 {
        %jit3A_364 = arith.constant 8 : i32
        %div3A = arith.divsi %add3A_59, %jit3A_364 : i32
        %sign3A = arith.constant 0 : i32
        %sign3A_365 = arith.cmpi sgt, %add3A_59, %sign3A : i32
        %sign3A_366 = arith.extui %sign3A_365 : i1 to i32
        %sign3A_367 = arith.constant 0 : i32
        %sign3A_368 = arith.cmpi slt, %add3A_59, %sign3A_367 : i32
        %sign3A_369 = arith.extui %sign3A_368 : i1 to i32
        %sign3A_370 = arith.subi %sign3A_366, %sign3A_369 : i32
        %sign3A_371 = arith.constant 0 : i32
        %sign3A_372 = arith.cmpi sgt, %jit3A_364, %sign3A_371 : i32
        %sign3A_373 = arith.extui %sign3A_372 : i1 to i32
        %sign3A_374 = arith.constant 0 : i32
        %sign3A_375 = arith.cmpi slt, %jit3A_364, %sign3A_374 : i32
        %sign3A_376 = arith.extui %sign3A_375 : i1 to i32
        %sign3A_377 = arith.subi %sign3A_373, %sign3A_376 : i32
        %ne3A_378 = arith.cmpi ne, %sign3A_370, %sign3A_377 : i32
        %rem3A_379 = arith.remsi %add3A_59, %jit3A_364 : i32
        %ne3A_380 = arith.constant 0 : i32
        %ne3A_381 = arith.cmpi ne, %rem3A_379, %ne3A_380 : i32
        %and3A_382 = arith.andi %ne3A_378, %ne3A_381 : i1
        %sub3A = arith.constant 1 : i32
        %sub3A_383 = arith.subi %div3A, %sub3A : i32
        %select_n3A_384 = arith.select %and3A_382, %sub3A_383, %div3A : i32
        %add3A_385 = arith.constant 1 : i32
        %add3A_386 = arith.addi %select_n3A_384, %add3A_385 : i32
        %lt3A_387 = arith.constant 10 : i32
        %lt3A_388 = arith.cmpi slt, %add3A_386, %lt3A_387 : i32
        %convert_element_type3A_389 = arith.extui %lt3A_388 : i1 to i32
        %cond3A_390 = arith.constant 0 : i32
        %cond3A_391 = arith.cmpi ne, %convert_element_type3A_389, %cond3A_390 : i32
        scf.if %cond3A_391 {
          %jit3A_392 = arith.constant 2 : i32
          %eq3A_393 = arith.constant 0 : i32
          %eq3A_394 = arith.cmpi eq, %jit3A_392, %eq3A_393 : i32
          %jit3A_395 = arith.constant 1 : i32
          %select_n3A_396 = arith.select %eq3A_394, %jit3A_395, %jit3A_392 : i32
          %rem3A_397 = arith.remsi %add3A_386, %select_n3A_396 : i32
          %ne3A_398 = arith.constant 0 : i32
          %ne3A_399 = arith.cmpi ne, %rem3A_397, %ne3A_398 : i32
          %lt3A_400 = arith.constant 0 : i32
          %lt3A_401 = arith.cmpi slt, %rem3A_397, %lt3A_400 : i32
          %lt3A_402 = arith.constant 0 : i32
          %lt3A_403 = arith.cmpi slt, %select_n3A_396, %lt3A_402 : i32
          %ne3A_404 = arith.xori %lt3A_401, %lt3A_403 : i1
          %and3A_405 = arith.andi %ne3A_404, %ne3A_399 : i1
          %add3A_406 = arith.addi %rem3A_397, %select_n3A_396 : i32
          %select_n3A_407 = arith.select %and3A_405, %add3A_406, %rem3A_397 : i32
          %mul3A_408 = arith.constant 8 : i32
          %mul3A_409 = arith.muli %add3A_386, %mul3A_408 : i32
          %add3A_410 = arith.addi %mul3A_2, %mul3A_409 : i32
          %mul3A_411 = arith.constant 8 : i32
          %mul3A_412 = arith.muli %select_n3A_407, %mul3A_411 : i32
          %mul3A_413 = arith.constant 8 : i32
          %mul3A_414 = arith.muli %select_n3A_407, %mul3A_413 : i32
          %dma_start3A_415 = arith.constant 0 : i32
          %dma_start3A_416 = tpu.memref_slice %arg7[%mul3A_412, %dma_start3A_415] : memref<16x128xi32, #tpu.memory_space<vmem>> -> memref<8x128xi32, #tpu.memory_space<vmem>>
          %dma_start3A_417 = arith.constant 0 : i32
          %dma_start3A_418 = tpu.memref_slice %arg3[%add3A_410, %dma_start3A_417] : memref<2560x128xi32, #tpu.memory_space<hbm>> -> memref<8x128xi32, #tpu.memory_space<hbm>>
          %dma_start3A_419 = arith.constant 0 : i32
          %dma_start3A_420 = tpu.memref_slice %arg7[%mul3A_412, %dma_start3A_419] : memref<16x128xi32, #tpu.memory_space<vmem>> -> memref<8x128xi32, #tpu.memory_space<vmem>>
          %dma_start3A_421 = arith.constant 0 : i32
          %dma_start3A_422 = tpu.memref_slice %arg3[%add3A_410, %dma_start3A_421] : memref<2560x128xi32, #tpu.memory_space<hbm>> -> memref<8x128xi32, #tpu.memory_space<hbm>>
          tpu.enqueue_dma source(%dma_start3A_422 : memref<8x128xi32, #tpu.memory_space<hbm>>) target(%dma_start3A_420 : memref<8x128xi32, #tpu.memory_space<vmem>>) target_semaphore(%arg23 : memref<!tpu.dma_semaphore, #tpu.memory_space<semaphore_mem>>)
          %dma_start3A_423 = arith.constant 0 : i32
          %dma_start3A_424 = tpu.memref_slice %arg8[%mul3A_414, %dma_start3A_423] : memref<16x128xi32, #tpu.memory_space<vmem>> -> memref<8x128xi32, #tpu.memory_space<vmem>>
          %dma_start3A_425 = arith.constant 0 : i32
          %dma_start3A_426 = tpu.memref_slice %arg4[%add3A_410, %dma_start3A_425] : memref<2560x128xi32, #tpu.memory_space<hbm>> -> memref<8x128xi32, #tpu.memory_space<hbm>>
          %dma_start3A_427 = arith.constant 0 : i32
          %dma_start3A_428 = tpu.memref_slice %arg8[%mul3A_414, %dma_start3A_427] : memref<16x128xi32, #tpu.memory_space<vmem>> -> memref<8x128xi32, #tpu.memory_space<vmem>>
          %dma_start3A_429 = arith.constant 0 : i32
          %dma_start3A_430 = tpu.memref_slice %arg4[%add3A_410, %dma_start3A_429] : memref<2560x128xi32, #tpu.memory_space<hbm>> -> memref<8x128xi32, #tpu.memory_space<hbm>>
          tpu.enqueue_dma source(%dma_start3A_430 : memref<8x128xi32, #tpu.memory_space<hbm>>) target(%dma_start3A_428 : memref<8x128xi32, #tpu.memory_space<vmem>>) target_semaphore(%arg23 : memref<!tpu.dma_semaphore, #tpu.memory_space<semaphore_mem>>)
        } else {
        }
      } else {
      }
      %add3A_127 = arith.constant 1 : i32
      %add3A_128 = arith.addi %mul3A_57, %add3A_127 : i32
      %add3A_129 = arith.constant 2 : i32
      %add3A_130 = arith.addi %add3A_128, %add3A_129 : i32
      %jit3A_131 = arith.constant 16 : i32
      %eq3A_132 = arith.constant 0 : i32
      %eq3A_133 = arith.cmpi eq, %jit3A_131, %eq3A_132 : i32
      %jit3A_134 = arith.constant 1 : i32
      %select_n3A_135 = arith.select %eq3A_133, %jit3A_134, %jit3A_131 : i32
      %rem3A_136 = arith.remsi %add3A_128, %select_n3A_135 : i32
      %ne3A_137 = arith.constant 0 : i32
      %ne3A_138 = arith.cmpi ne, %rem3A_136, %ne3A_137 : i32
      %lt3A_139 = arith.constant 0 : i32
      %lt3A_140 = arith.cmpi slt, %rem3A_136, %lt3A_139 : i32
      %lt3A_141 = arith.constant 0 : i32
      %lt3A_142 = arith.cmpi slt, %select_n3A_135, %lt3A_141 : i32
      %ne3A_143 = arith.xori %lt3A_140, %lt3A_142 : i1
      %and3A_144 = arith.andi %ne3A_143, %ne3A_138 : i1
      %add3A_145 = arith.addi %rem3A_136, %select_n3A_135 : i32
      %select_n3A_146 = arith.select %and3A_144, %add3A_145, %rem3A_136 : i32
      %dma_wait3A_147 = arith.constant 0 : i32
      %dma_wait3A_148 = tpu.memref_slice %arg7[%select_n3A_146, %dma_wait3A_147] : memref<16x128xi32, #tpu.memory_space<vmem>> -> memref<1x128xi32, #tpu.memory_space<vmem>>
      %dma_wait3A_149 = tpu.memref_squeeze %dma_wait3A_148 : memref<1x128xi32, #tpu.memory_space<vmem>> -> memref<128xi32, #tpu.memory_space<vmem>>
      %dma_wait3A_150 = arith.constant 0 : i32
      %dma_wait3A_151 = arith.constant 0 : i32
      %dma_wait3A_152 = tpu.memref_slice %arg2[%dma_wait3A_150, %dma_wait3A_151] : memref<10000x128xbf16, #tpu.memory_space<hbm>> -> memref<10000x128xbf16, #tpu.memory_space<hbm>>
      tpu.wait_indirect_dma semaphore(%arg16 : memref<!tpu.dma_semaphore, #tpu.memory_space<semaphore_mem>>) src(%dma_wait3A_152 : memref<10000x128xbf16, #tpu.memory_space<hbm>>) dst(%arg10 : memref<128x128xbf16, #tpu.memory_space<vmem>>)
      %ge3A_153 = arith.constant 2 : i32
      %ge3A_154 = arith.cmpi sge, %add3A_128, %ge3A_153 : i32
      %convert_element_type3A_155 = arith.extui %ge3A_154 : i1 to i32
      %cond3A_156 = arith.constant 0 : i32
      %cond3A_157 = arith.cmpi ne, %convert_element_type3A_155, %cond3A_156 : i32
      scf.if %cond3A_157 {
        %sub3A = arith.constant 2 : i32
        %sub3A_364 = arith.subi %add3A_128, %sub3A : i32
        %jit3A_365 = arith.constant 16 : i32
        %eq3A_366 = arith.constant 0 : i32
        %eq3A_367 = arith.cmpi eq, %jit3A_365, %eq3A_366 : i32
        %jit3A_368 = arith.constant 1 : i32
        %select_n3A_369 = arith.select %eq3A_367, %jit3A_368, %jit3A_365 : i32
        %rem3A_370 = arith.remsi %sub3A_364, %select_n3A_369 : i32
        %ne3A_371 = arith.constant 0 : i32
        %ne3A_372 = arith.cmpi ne, %rem3A_370, %ne3A_371 : i32
        %lt3A_373 = arith.constant 0 : i32
        %lt3A_374 = arith.cmpi slt, %rem3A_370, %lt3A_373 : i32
        %lt3A_375 = arith.constant 0 : i32
        %lt3A_376 = arith.cmpi slt, %select_n3A_369, %lt3A_375 : i32
        %ne3A_377 = arith.xori %lt3A_374, %lt3A_376 : i1
        %and3A_378 = arith.andi %ne3A_377, %ne3A_372 : i1
        %add3A_379 = arith.addi %rem3A_370, %select_n3A_369 : i32
        %select_n3A_380 = arith.select %and3A_378, %add3A_379, %rem3A_370 : i32
        %dma_wait3A_381 = arith.constant 0 : i32
        %dma_wait3A_382 = tpu.memref_slice %arg8[%select_n3A_380, %dma_wait3A_381] : memref<16x128xi32, #tpu.memory_space<vmem>> -> memref<1x128xi32, #tpu.memory_space<vmem>>
        %dma_wait3A_383 = tpu.memref_squeeze %dma_wait3A_382 : memref<1x128xi32, #tpu.memory_space<vmem>> -> memref<128xi32, #tpu.memory_space<vmem>>
        %dma_wait3A_384 = arith.constant 0 : i32
        %dma_wait3A_385 = arith.constant 0 : i32
        %dma_wait3A_386 = tpu.memref_slice %arg14[%dma_wait3A_384, %dma_wait3A_385] : memref<10112x128xbf16, #tpu.memory_space<vmem_shared>> -> memref<10112x128xbf16, #tpu.memory_space<vmem_shared>>
        tpu.wait_indirect_dma semaphore(%arg22 : memref<!tpu.dma_semaphore, #tpu.memory_space<semaphore_mem>>) src(%arg12 : memref<128x128xbf16, #tpu.memory_space<vmem>>) dst(%dma_wait3A_386 : memref<10112x128xbf16, #tpu.memory_space<vmem_shared>>)
      } else {
      }
      %jit3A_158 = arith.constant 16 : i32
      %eq3A_159 = arith.constant 0 : i32
      %eq3A_160 = arith.cmpi eq, %jit3A_158, %eq3A_159 : i32
      %jit3A_161 = arith.constant 1 : i32
      %select_n3A_162 = arith.select %eq3A_160, %jit3A_161, %jit3A_158 : i32
      %rem3A_163 = arith.remsi %add3A_128, %select_n3A_162 : i32
      %ne3A_164 = arith.constant 0 : i32
      %ne3A_165 = arith.cmpi ne, %rem3A_163, %ne3A_164 : i32
      %lt3A_166 = arith.constant 0 : i32
      %lt3A_167 = arith.cmpi slt, %rem3A_163, %lt3A_166 : i32
      %lt3A_168 = arith.constant 0 : i32
      %lt3A_169 = arith.cmpi slt, %select_n3A_162, %lt3A_168 : i32
      %ne3A_170 = arith.xori %lt3A_167, %lt3A_169 : i1
      %and3A_171 = arith.andi %ne3A_170, %ne3A_165 : i1
      %add3A_172 = arith.addi %rem3A_163, %select_n3A_162 : i32
      %select_n3A_173 = arith.select %and3A_171, %add3A_172, %rem3A_163 : i32
      %dma_start3A_174 = arith.constant 0 : i32
      %dma_start3A_175 = tpu.memref_slice %arg8[%select_n3A_173, %dma_start3A_174] : memref<16x128xi32, #tpu.memory_space<vmem>> -> memref<1x128xi32, #tpu.memory_space<vmem>>
      %dma_start3A_176 = tpu.memref_squeeze %dma_start3A_175 : memref<1x128xi32, #tpu.memory_space<vmem>> -> memref<128xi32, #tpu.memory_space<vmem>>
      %dma_start3A_177 = arith.constant 0 : i32
      %dma_start3A_178 = arith.constant 0 : i32
      %dma_start3A_179 = tpu.memref_slice %arg14[%dma_start3A_177, %dma_start3A_178] : memref<10112x128xbf16, #tpu.memory_space<vmem_shared>> -> memref<10112x128xbf16, #tpu.memory_space<vmem_shared>>
      tpu.enqueue_indirect_dma source(%arg10 : memref<128x128xbf16, #tpu.memory_space<vmem>>) target(%dma_start3A_179 : memref<10112x128xbf16, #tpu.memory_space<vmem_shared>>) offsets(%dma_start3A_176 : memref<128xi32, #tpu.memory_space<vmem>>) semaphore(%arg20 : memref<!tpu.dma_semaphore, #tpu.memory_space<semaphore_mem>>) {add = true}
      %lt3A_180 = arith.constant 80 : i32
      %lt3A_181 = arith.cmpi slt, %add3A_130, %lt3A_180 : i32
      %convert_element_type3A_182 = arith.extui %lt3A_181 : i1 to i32
      %cond3A_183 = arith.constant 0 : i32
      %cond3A_184 = arith.cmpi ne, %convert_element_type3A_182, %cond3A_183 : i32
      scf.if %cond3A_184 {
        %jit3A_364 = arith.constant 8 : i32
        %eq3A_365 = arith.constant 0 : i32
        %eq3A_366 = arith.cmpi eq, %jit3A_364, %eq3A_365 : i32
        %jit3A_367 = arith.constant 1 : i32
        %select_n3A_368 = arith.select %eq3A_366, %jit3A_367, %jit3A_364 : i32
        %rem3A_369 = arith.remsi %add3A_130, %select_n3A_368 : i32
        %ne3A_370 = arith.constant 0 : i32
        %ne3A_371 = arith.cmpi ne, %rem3A_369, %ne3A_370 : i32
        %lt3A_372 = arith.constant 0 : i32
        %lt3A_373 = arith.cmpi slt, %rem3A_369, %lt3A_372 : i32
        %lt3A_374 = arith.constant 0 : i32
        %lt3A_375 = arith.cmpi slt, %select_n3A_368, %lt3A_374 : i32
        %ne3A_376 = arith.xori %lt3A_373, %lt3A_375 : i1
        %and3A_377 = arith.andi %ne3A_376, %ne3A_371 : i1
        %add3A_378 = arith.addi %rem3A_369, %select_n3A_368 : i32
        %select_n3A_379 = arith.select %and3A_377, %add3A_378, %rem3A_369 : i32
        %eq3A_380 = arith.constant 0 : i32
        %eq3A_381 = arith.cmpi eq, %select_n3A_379, %eq3A_380 : i32
        %convert_element_type3A_382 = arith.extui %eq3A_381 : i1 to i32
        %cond3A_383 = arith.constant 0 : i32
        %cond3A_384 = arith.cmpi ne, %convert_element_type3A_382, %cond3A_383 : i32
        scf.if %cond3A_384 {
          %jit3A_407 = arith.constant 8 : i32
          %div3A = arith.divsi %add3A_130, %jit3A_407 : i32
          %sign3A = arith.constant 0 : i32
          %sign3A_408 = arith.cmpi sgt, %add3A_130, %sign3A : i32
          %sign3A_409 = arith.extui %sign3A_408 : i1 to i32
          %sign3A_410 = arith.constant 0 : i32
          %sign3A_411 = arith.cmpi slt, %add3A_130, %sign3A_410 : i32
          %sign3A_412 = arith.extui %sign3A_411 : i1 to i32
          %sign3A_413 = arith.subi %sign3A_409, %sign3A_412 : i32
          %sign3A_414 = arith.constant 0 : i32
          %sign3A_415 = arith.cmpi sgt, %jit3A_407, %sign3A_414 : i32
          %sign3A_416 = arith.extui %sign3A_415 : i1 to i32
          %sign3A_417 = arith.constant 0 : i32
          %sign3A_418 = arith.cmpi slt, %jit3A_407, %sign3A_417 : i32
          %sign3A_419 = arith.extui %sign3A_418 : i1 to i32
          %sign3A_420 = arith.subi %sign3A_416, %sign3A_419 : i32
          %ne3A_421 = arith.cmpi ne, %sign3A_413, %sign3A_420 : i32
          %rem3A_422 = arith.remsi %add3A_130, %jit3A_407 : i32
          %ne3A_423 = arith.constant 0 : i32
          %ne3A_424 = arith.cmpi ne, %rem3A_422, %ne3A_423 : i32
          %and3A_425 = arith.andi %ne3A_421, %ne3A_424 : i1
          %sub3A = arith.constant 1 : i32
          %sub3A_426 = arith.subi %div3A, %sub3A : i32
          %select_n3A_427 = arith.select %and3A_425, %sub3A_426, %div3A : i32
          %jit3A_428 = arith.constant 2 : i32
          %eq3A_429 = arith.constant 0 : i32
          %eq3A_430 = arith.cmpi eq, %jit3A_428, %eq3A_429 : i32
          %jit3A_431 = arith.constant 1 : i32
          %select_n3A_432 = arith.select %eq3A_430, %jit3A_431, %jit3A_428 : i32
          %rem3A_433 = arith.remsi %select_n3A_427, %select_n3A_432 : i32
          %ne3A_434 = arith.constant 0 : i32
          %ne3A_435 = arith.cmpi ne, %rem3A_433, %ne3A_434 : i32
          %lt3A_436 = arith.constant 0 : i32
          %lt3A_437 = arith.cmpi slt, %rem3A_433, %lt3A_436 : i32
          %lt3A_438 = arith.constant 0 : i32
          %lt3A_439 = arith.cmpi slt, %select_n3A_432, %lt3A_438 : i32
          %ne3A_440 = arith.xori %lt3A_437, %lt3A_439 : i1
          %and3A_441 = arith.andi %ne3A_440, %ne3A_435 : i1
          %add3A_442 = arith.addi %rem3A_433, %select_n3A_432 : i32
          %select_n3A_443 = arith.select %and3A_441, %add3A_442, %rem3A_433 : i32
          %mul3A_444 = arith.constant 8 : i32
          %mul3A_445 = arith.muli %select_n3A_427, %mul3A_444 : i32
          %add3A_446 = arith.addi %mul3A_2, %mul3A_445 : i32
          %mul3A_447 = arith.constant 8 : i32
          %mul3A_448 = arith.muli %select_n3A_443, %mul3A_447 : i32
          %mul3A_449 = arith.constant 8 : i32
          %mul3A_450 = arith.muli %select_n3A_443, %mul3A_449 : i32
          %dma_wait3A_451 = arith.constant 0 : i32
          %dma_wait3A_452 = tpu.memref_slice %arg7[%mul3A_448, %dma_wait3A_451] : memref<16x128xi32, #tpu.memory_space<vmem>> -> memref<8x128xi32, #tpu.memory_space<vmem>>
          %dma_wait3A_453 = arith.constant 0 : i32
          %dma_wait3A_454 = tpu.memref_slice %arg3[%add3A_446, %dma_wait3A_453] : memref<2560x128xi32, #tpu.memory_space<hbm>> -> memref<8x128xi32, #tpu.memory_space<hbm>>
          %dma_wait3A_455 = arith.constant 0 : i32
          %dma_wait3A_456 = tpu.memref_slice %arg7[%mul3A_448, %dma_wait3A_455] : memref<16x128xi32, #tpu.memory_space<vmem>> -> memref<8x128xi32, #tpu.memory_space<vmem>>
          %dma_wait3A_457 = arith.constant 0 : i32
          %dma_wait3A_458 = tpu.memref_slice %arg3[%add3A_446, %dma_wait3A_457] : memref<2560x128xi32, #tpu.memory_space<hbm>> -> memref<8x128xi32, #tpu.memory_space<hbm>>
          tpu.wait_dma2 semaphore(%arg23 : memref<!tpu.dma_semaphore, #tpu.memory_space<semaphore_mem>>) src(%dma_wait3A_458 : memref<8x128xi32, #tpu.memory_space<hbm>>) dst(%dma_wait3A_456 : memref<8x128xi32, #tpu.memory_space<vmem>>)
          %dma_wait3A_459 = arith.constant 0 : i32
          %dma_wait3A_460 = tpu.memref_slice %arg8[%mul3A_450, %dma_wait3A_459] : memref<16x128xi32, #tpu.memory_space<vmem>> -> memref<8x128xi32, #tpu.memory_space<vmem>>
          %dma_wait3A_461 = arith.constant 0 : i32
          %dma_wait3A_462 = tpu.memref_slice %arg4[%add3A_446, %dma_wait3A_461] : memref<2560x128xi32, #tpu.memory_space<hbm>> -> memref<8x128xi32, #tpu.memory_space<hbm>>
          %dma_wait3A_463 = arith.constant 0 : i32
          %dma_wait3A_464 = tpu.memref_slice %arg8[%mul3A_450, %dma_wait3A_463] : memref<16x128xi32, #tpu.memory_space<vmem>> -> memref<8x128xi32, #tpu.memory_space<vmem>>
          %dma_wait3A_465 = arith.constant 0 : i32
          %dma_wait3A_466 = tpu.memref_slice %arg4[%add3A_446, %dma_wait3A_465] : memref<2560x128xi32, #tpu.memory_space<hbm>> -> memref<8x128xi32, #tpu.memory_space<hbm>>
          tpu.wait_dma2 semaphore(%arg23 : memref<!tpu.dma_semaphore, #tpu.memory_space<semaphore_mem>>) src(%dma_wait3A_466 : memref<8x128xi32, #tpu.memory_space<hbm>>) dst(%dma_wait3A_464 : memref<8x128xi32, #tpu.memory_space<vmem>>)
        } else {
        }
        %jit3A_385 = arith.constant 16 : i32
        %eq3A_386 = arith.constant 0 : i32
        %eq3A_387 = arith.cmpi eq, %jit3A_385, %eq3A_386 : i32
        %jit3A_388 = arith.constant 1 : i32
        %select_n3A_389 = arith.select %eq3A_387, %jit3A_388, %jit3A_385 : i32
        %rem3A_390 = arith.remsi %add3A_130, %select_n3A_389 : i32
        %ne3A_391 = arith.constant 0 : i32
        %ne3A_392 = arith.cmpi ne, %rem3A_390, %ne3A_391 : i32
        %lt3A_393 = arith.constant 0 : i32
        %lt3A_394 = arith.cmpi slt, %rem3A_390, %lt3A_393 : i32
        %lt3A_395 = arith.constant 0 : i32
        %lt3A_396 = arith.cmpi slt, %select_n3A_389, %lt3A_395 : i32
        %ne3A_397 = arith.xori %lt3A_394, %lt3A_396 : i1
        %and3A_398 = arith.andi %ne3A_397, %ne3A_392 : i1
        %add3A_399 = arith.addi %rem3A_390, %select_n3A_389 : i32
        %select_n3A_400 = arith.select %and3A_398, %add3A_399, %rem3A_390 : i32
        %dma_start3A_401 = arith.constant 0 : i32
        %dma_start3A_402 = tpu.memref_slice %arg7[%select_n3A_400, %dma_start3A_401] : memref<16x128xi32, #tpu.memory_space<vmem>> -> memref<1x128xi32, #tpu.memory_space<vmem>>
        %dma_start3A_403 = tpu.memref_squeeze %dma_start3A_402 : memref<1x128xi32, #tpu.memory_space<vmem>> -> memref<128xi32, #tpu.memory_space<vmem>>
        %dma_start3A_404 = arith.constant 0 : i32
        %dma_start3A_405 = arith.constant 0 : i32
        %dma_start3A_406 = tpu.memref_slice %arg2[%dma_start3A_404, %dma_start3A_405] : memref<10000x128xbf16, #tpu.memory_space<hbm>> -> memref<10000x128xbf16, #tpu.memory_space<hbm>>
        tpu.enqueue_indirect_dma source(%dma_start3A_406 : memref<10000x128xbf16, #tpu.memory_space<hbm>>) target(%arg12 : memref<128x128xbf16, #tpu.memory_space<vmem>>) offsets(%dma_start3A_403 : memref<128xi32, #tpu.memory_space<vmem>>) semaphore(%arg18 : memref<!tpu.dma_semaphore, #tpu.memory_space<semaphore_mem>>)
      } else {
      }
      %jit3A_185 = arith.constant 8 : i32
      %eq3A_186 = arith.constant 0 : i32
      %eq3A_187 = arith.cmpi eq, %jit3A_185, %eq3A_186 : i32
      %jit3A_188 = arith.constant 1 : i32
      %select_n3A_189 = arith.select %eq3A_187, %jit3A_188, %jit3A_185 : i32
      %rem3A_190 = arith.remsi %add3A_128, %select_n3A_189 : i32
      %ne3A_191 = arith.constant 0 : i32
      %ne3A_192 = arith.cmpi ne, %rem3A_190, %ne3A_191 : i32
      %lt3A_193 = arith.constant 0 : i32
      %lt3A_194 = arith.cmpi slt, %rem3A_190, %lt3A_193 : i32
      %lt3A_195 = arith.constant 0 : i32
      %lt3A_196 = arith.cmpi slt, %select_n3A_189, %lt3A_195 : i32
      %ne3A_197 = arith.xori %lt3A_194, %lt3A_196 : i1
      %and3A_198 = arith.andi %ne3A_197, %ne3A_192 : i1
      %add3A_199 = arith.addi %rem3A_190, %select_n3A_189 : i32
      %select_n3A_200 = arith.select %and3A_198, %add3A_199, %rem3A_190 : i32
      %eq3A_201 = arith.constant 1 : i32
      %eq3A_202 = arith.cmpi eq, %select_n3A_200, %eq3A_201 : i32
      %convert_element_type3A_203 = arith.extui %eq3A_202 : i1 to i32
      %cond3A_204 = arith.constant 0 : i32
      %cond3A_205 = arith.cmpi ne, %convert_element_type3A_203, %cond3A_204 : i32
      scf.if %cond3A_205 {
        %jit3A_364 = arith.constant 8 : i32
        %div3A = arith.divsi %add3A_128, %jit3A_364 : i32
        %sign3A = arith.constant 0 : i32
        %sign3A_365 = arith.cmpi sgt, %add3A_128, %sign3A : i32
        %sign3A_366 = arith.extui %sign3A_365 : i1 to i32
        %sign3A_367 = arith.constant 0 : i32
        %sign3A_368 = arith.cmpi slt, %add3A_128, %sign3A_367 : i32
        %sign3A_369 = arith.extui %sign3A_368 : i1 to i32
        %sign3A_370 = arith.subi %sign3A_366, %sign3A_369 : i32
        %sign3A_371 = arith.constant 0 : i32
        %sign3A_372 = arith.cmpi sgt, %jit3A_364, %sign3A_371 : i32
        %sign3A_373 = arith.extui %sign3A_372 : i1 to i32
        %sign3A_374 = arith.constant 0 : i32
        %sign3A_375 = arith.cmpi slt, %jit3A_364, %sign3A_374 : i32
        %sign3A_376 = arith.extui %sign3A_375 : i1 to i32
        %sign3A_377 = arith.subi %sign3A_373, %sign3A_376 : i32
        %ne3A_378 = arith.cmpi ne, %sign3A_370, %sign3A_377 : i32
        %rem3A_379 = arith.remsi %add3A_128, %jit3A_364 : i32
        %ne3A_380 = arith.constant 0 : i32
        %ne3A_381 = arith.cmpi ne, %rem3A_379, %ne3A_380 : i32
        %and3A_382 = arith.andi %ne3A_378, %ne3A_381 : i1
        %sub3A = arith.constant 1 : i32
        %sub3A_383 = arith.subi %div3A, %sub3A : i32
        %select_n3A_384 = arith.select %and3A_382, %sub3A_383, %div3A : i32
        %add3A_385 = arith.constant 1 : i32
        %add3A_386 = arith.addi %select_n3A_384, %add3A_385 : i32
        %lt3A_387 = arith.constant 10 : i32
        %lt3A_388 = arith.cmpi slt, %add3A_386, %lt3A_387 : i32
        %convert_element_type3A_389 = arith.extui %lt3A_388 : i1 to i32
        %cond3A_390 = arith.constant 0 : i32
        %cond3A_391 = arith.cmpi ne, %convert_element_type3A_389, %cond3A_390 : i32
        scf.if %cond3A_391 {
          %jit3A_392 = arith.constant 2 : i32
          %eq3A_393 = arith.constant 0 : i32
          %eq3A_394 = arith.cmpi eq, %jit3A_392, %eq3A_393 : i32
          %jit3A_395 = arith.constant 1 : i32
          %select_n3A_396 = arith.select %eq3A_394, %jit3A_395, %jit3A_392 : i32
          %rem3A_397 = arith.remsi %add3A_386, %select_n3A_396 : i32
          %ne3A_398 = arith.constant 0 : i32
          %ne3A_399 = arith.cmpi ne, %rem3A_397, %ne3A_398 : i32
          %lt3A_400 = arith.constant 0 : i32
          %lt3A_401 = arith.cmpi slt, %rem3A_397, %lt3A_400 : i32
          %lt3A_402 = arith.constant 0 : i32
          %lt3A_403 = arith.cmpi slt, %select_n3A_396, %lt3A_402 : i32
          %ne3A_404 = arith.xori %lt3A_401, %lt3A_403 : i1
          %and3A_405 = arith.andi %ne3A_404, %ne3A_399 : i1
          %add3A_406 = arith.addi %rem3A_397, %select_n3A_396 : i32
          %select_n3A_407 = arith.select %and3A_405, %add3A_406, %rem3A_397 : i32
          %mul3A_408 = arith.constant 8 : i32
          %mul3A_409 = arith.muli %add3A_386, %mul3A_408 : i32
          %add3A_410 = arith.addi %mul3A_2, %mul3A_409 : i32
          %mul3A_411 = arith.constant 8 : i32
          %mul3A_412 = arith.muli %select_n3A_407, %mul3A_411 : i32
          %mul3A_413 = arith.constant 8 : i32
          %mul3A_414 = arith.muli %select_n3A_407, %mul3A_413 : i32
          %dma_start3A_415 = arith.constant 0 : i32
          %dma_start3A_416 = tpu.memref_slice %arg7[%mul3A_412, %dma_start3A_415] : memref<16x128xi32, #tpu.memory_space<vmem>> -> memref<8x128xi32, #tpu.memory_space<vmem>>
          %dma_start3A_417 = arith.constant 0 : i32
          %dma_start3A_418 = tpu.memref_slice %arg3[%add3A_410, %dma_start3A_417] : memref<2560x128xi32, #tpu.memory_space<hbm>> -> memref<8x128xi32, #tpu.memory_space<hbm>>
          %dma_start3A_419 = arith.constant 0 : i32
          %dma_start3A_420 = tpu.memref_slice %arg7[%mul3A_412, %dma_start3A_419] : memref<16x128xi32, #tpu.memory_space<vmem>> -> memref<8x128xi32, #tpu.memory_space<vmem>>
          %dma_start3A_421 = arith.constant 0 : i32
          %dma_start3A_422 = tpu.memref_slice %arg3[%add3A_410, %dma_start3A_421] : memref<2560x128xi32, #tpu.memory_space<hbm>> -> memref<8x128xi32, #tpu.memory_space<hbm>>
          tpu.enqueue_dma source(%dma_start3A_422 : memref<8x128xi32, #tpu.memory_space<hbm>>) target(%dma_start3A_420 : memref<8x128xi32, #tpu.memory_space<vmem>>) target_semaphore(%arg23 : memref<!tpu.dma_semaphore, #tpu.memory_space<semaphore_mem>>)
          %dma_start3A_423 = arith.constant 0 : i32
          %dma_start3A_424 = tpu.memref_slice %arg8[%mul3A_414, %dma_start3A_423] : memref<16x128xi32, #tpu.memory_space<vmem>> -> memref<8x128xi32, #tpu.memory_space<vmem>>
          %dma_start3A_425 = arith.constant 0 : i32
          %dma_start3A_426 = tpu.memref_slice %arg4[%add3A_410, %dma_start3A_425] : memref<2560x128xi32, #tpu.memory_space<hbm>> -> memref<8x128xi32, #tpu.memory_space<hbm>>
          %dma_start3A_427 = arith.constant 0 : i32
          %dma_start3A_428 = tpu.memref_slice %arg8[%mul3A_414, %dma_start3A_427] : memref<16x128xi32, #tpu.memory_space<vmem>> -> memref<8x128xi32, #tpu.memory_space<vmem>>
          %dma_start3A_429 = arith.constant 0 : i32
          %dma_start3A_430 = tpu.memref_slice %arg4[%add3A_410, %dma_start3A_429] : memref<2560x128xi32, #tpu.memory_space<hbm>> -> memref<8x128xi32, #tpu.memory_space<hbm>>
          tpu.enqueue_dma source(%dma_start3A_430 : memref<8x128xi32, #tpu.memory_space<hbm>>) target(%dma_start3A_428 : memref<8x128xi32, #tpu.memory_space<vmem>>) target_semaphore(%arg23 : memref<!tpu.dma_semaphore, #tpu.memory_space<semaphore_mem>>)
        } else {
        }
      } else {
      }
      %add3A_206 = arith.constant 2 : i32
      %add3A_207 = arith.addi %mul3A_57, %add3A_206 : i32
      %add3A_208 = arith.constant 2 : i32
      %add3A_209 = arith.addi %add3A_207, %add3A_208 : i32
      %jit3A_210 = arith.constant 16 : i32
      %eq3A_211 = arith.constant 0 : i32
      %eq3A_212 = arith.cmpi eq, %jit3A_210, %eq3A_211 : i32
      %jit3A_213 = arith.constant 1 : i32
      %select_n3A_214 = arith.select %eq3A_212, %jit3A_213, %jit3A_210 : i32
      %rem3A_215 = arith.remsi %add3A_207, %select_n3A_214 : i32
      %ne3A_216 = arith.constant 0 : i32
      %ne3A_217 = arith.cmpi ne, %rem3A_215, %ne3A_216 : i32
      %lt3A_218 = arith.constant 0 : i32
      %lt3A_219 = arith.cmpi slt, %rem3A_215, %lt3A_218 : i32
      %lt3A_220 = arith.constant 0 : i32
      %lt3A_221 = arith.cmpi slt, %select_n3A_214, %lt3A_220 : i32
      %ne3A_222 = arith.xori %lt3A_219, %lt3A_221 : i1
      %and3A_223 = arith.andi %ne3A_222, %ne3A_217 : i1
      %add3A_224 = arith.addi %rem3A_215, %select_n3A_214 : i32
      %select_n3A_225 = arith.select %and3A_223, %add3A_224, %rem3A_215 : i32
      %dma_wait3A_226 = arith.constant 0 : i32
      %dma_wait3A_227 = tpu.memref_slice %arg7[%select_n3A_225, %dma_wait3A_226] : memref<16x128xi32, #tpu.memory_space<vmem>> -> memref<1x128xi32, #tpu.memory_space<vmem>>
      %dma_wait3A_228 = tpu.memref_squeeze %dma_wait3A_227 : memref<1x128xi32, #tpu.memory_space<vmem>> -> memref<128xi32, #tpu.memory_space<vmem>>
      %dma_wait3A_229 = arith.constant 0 : i32
      %dma_wait3A_230 = arith.constant 0 : i32
      %dma_wait3A_231 = tpu.memref_slice %arg2[%dma_wait3A_229, %dma_wait3A_230] : memref<10000x128xbf16, #tpu.memory_space<hbm>> -> memref<10000x128xbf16, #tpu.memory_space<hbm>>
      tpu.wait_indirect_dma semaphore(%arg17 : memref<!tpu.dma_semaphore, #tpu.memory_space<semaphore_mem>>) src(%dma_wait3A_231 : memref<10000x128xbf16, #tpu.memory_space<hbm>>) dst(%arg11 : memref<128x128xbf16, #tpu.memory_space<vmem>>)
      %ge3A_232 = arith.constant 2 : i32
      %ge3A_233 = arith.cmpi sge, %add3A_207, %ge3A_232 : i32
      %convert_element_type3A_234 = arith.extui %ge3A_233 : i1 to i32
      %cond3A_235 = arith.constant 0 : i32
      %cond3A_236 = arith.cmpi ne, %convert_element_type3A_234, %cond3A_235 : i32
      scf.if %cond3A_236 {
        %sub3A = arith.constant 2 : i32
        %sub3A_364 = arith.subi %add3A_207, %sub3A : i32
        %jit3A_365 = arith.constant 16 : i32
        %eq3A_366 = arith.constant 0 : i32
        %eq3A_367 = arith.cmpi eq, %jit3A_365, %eq3A_366 : i32
        %jit3A_368 = arith.constant 1 : i32
        %select_n3A_369 = arith.select %eq3A_367, %jit3A_368, %jit3A_365 : i32
        %rem3A_370 = arith.remsi %sub3A_364, %select_n3A_369 : i32
        %ne3A_371 = arith.constant 0 : i32
        %ne3A_372 = arith.cmpi ne, %rem3A_370, %ne3A_371 : i32
        %lt3A_373 = arith.constant 0 : i32
        %lt3A_374 = arith.cmpi slt, %rem3A_370, %lt3A_373 : i32
        %lt3A_375 = arith.constant 0 : i32
        %lt3A_376 = arith.cmpi slt, %select_n3A_369, %lt3A_375 : i32
        %ne3A_377 = arith.xori %lt3A_374, %lt3A_376 : i1
        %and3A_378 = arith.andi %ne3A_377, %ne3A_372 : i1
        %add3A_379 = arith.addi %rem3A_370, %select_n3A_369 : i32
        %select_n3A_380 = arith.select %and3A_378, %add3A_379, %rem3A_370 : i32
        %dma_wait3A_381 = arith.constant 0 : i32
        %dma_wait3A_382 = tpu.memref_slice %arg8[%select_n3A_380, %dma_wait3A_381] : memref<16x128xi32, #tpu.memory_space<vmem>> -> memref<1x128xi32, #tpu.memory_space<vmem>>
        %dma_wait3A_383 = tpu.memref_squeeze %dma_wait3A_382 : memref<1x128xi32, #tpu.memory_space<vmem>> -> memref<128xi32, #tpu.memory_space<vmem>>
        %dma_wait3A_384 = arith.constant 0 : i32
        %dma_wait3A_385 = arith.constant 0 : i32
        %dma_wait3A_386 = tpu.memref_slice %arg13[%dma_wait3A_384, %dma_wait3A_385] : memref<10112x128xbf16, #tpu.memory_space<vmem_shared>> -> memref<10112x128xbf16, #tpu.memory_space<vmem_shared>>
        tpu.wait_indirect_dma semaphore(%arg19 : memref<!tpu.dma_semaphore, #tpu.memory_space<semaphore_mem>>) src(%arg9 : memref<128x128xbf16, #tpu.memory_space<vmem>>) dst(%dma_wait3A_386 : memref<10112x128xbf16, #tpu.memory_space<vmem_shared>>)
      } else {
      }
      %jit3A_237 = arith.constant 16 : i32
      %eq3A_238 = arith.constant 0 : i32
      %eq3A_239 = arith.cmpi eq, %jit3A_237, %eq3A_238 : i32
      %jit3A_240 = arith.constant 1 : i32
      %select_n3A_241 = arith.select %eq3A_239, %jit3A_240, %jit3A_237 : i32
      %rem3A_242 = arith.remsi %add3A_207, %select_n3A_241 : i32
      %ne3A_243 = arith.constant 0 : i32
      %ne3A_244 = arith.cmpi ne, %rem3A_242, %ne3A_243 : i32
      %lt3A_245 = arith.constant 0 : i32
      %lt3A_246 = arith.cmpi slt, %rem3A_242, %lt3A_245 : i32
      %lt3A_247 = arith.constant 0 : i32
      %lt3A_248 = arith.cmpi slt, %select_n3A_241, %lt3A_247 : i32
      %ne3A_249 = arith.xori %lt3A_246, %lt3A_248 : i1
      %and3A_250 = arith.andi %ne3A_249, %ne3A_244 : i1
      %add3A_251 = arith.addi %rem3A_242, %select_n3A_241 : i32
      %select_n3A_252 = arith.select %and3A_250, %add3A_251, %rem3A_242 : i32
      %dma_start3A_253 = arith.constant 0 : i32
      %dma_start3A_254 = tpu.memref_slice %arg8[%select_n3A_252, %dma_start3A_253] : memref<16x128xi32, #tpu.memory_space<vmem>> -> memref<1x128xi32, #tpu.memory_space<vmem>>
      %dma_start3A_255 = tpu.memref_squeeze %dma_start3A_254 : memref<1x128xi32, #tpu.memory_space<vmem>> -> memref<128xi32, #tpu.memory_space<vmem>>
      %dma_start3A_256 = arith.constant 0 : i32
      %dma_start3A_257 = arith.constant 0 : i32
      %dma_start3A_258 = tpu.memref_slice %arg13[%dma_start3A_256, %dma_start3A_257] : memref<10112x128xbf16, #tpu.memory_space<vmem_shared>> -> memref<10112x128xbf16, #tpu.memory_space<vmem_shared>>
      tpu.enqueue_indirect_dma source(%arg11 : memref<128x128xbf16, #tpu.memory_space<vmem>>) target(%dma_start3A_258 : memref<10112x128xbf16, #tpu.memory_space<vmem_shared>>) offsets(%dma_start3A_255 : memref<128xi32, #tpu.memory_space<vmem>>) semaphore(%arg21 : memref<!tpu.dma_semaphore, #tpu.memory_space<semaphore_mem>>) {add = true}
      %lt3A_259 = arith.constant 80 : i32
      %lt3A_260 = arith.cmpi slt, %add3A_209, %lt3A_259 : i32
      %convert_element_type3A_261 = arith.extui %lt3A_260 : i1 to i32
      %cond3A_262 = arith.constant 0 : i32
      %cond3A_263 = arith.cmpi ne, %convert_element_type3A_261, %cond3A_262 : i32
      scf.if %cond3A_263 {
        %jit3A_364 = arith.constant 8 : i32
        %eq3A_365 = arith.constant 0 : i32
        %eq3A_366 = arith.cmpi eq, %jit3A_364, %eq3A_365 : i32
        %jit3A_367 = arith.constant 1 : i32
        %select_n3A_368 = arith.select %eq3A_366, %jit3A_367, %jit3A_364 : i32
        %rem3A_369 = arith.remsi %add3A_209, %select_n3A_368 : i32
        %ne3A_370 = arith.constant 0 : i32
        %ne3A_371 = arith.cmpi ne, %rem3A_369, %ne3A_370 : i32
        %lt3A_372 = arith.constant 0 : i32
        %lt3A_373 = arith.cmpi slt, %rem3A_369, %lt3A_372 : i32
        %lt3A_374 = arith.constant 0 : i32
        %lt3A_375 = arith.cmpi slt, %select_n3A_368, %lt3A_374 : i32
        %ne3A_376 = arith.xori %lt3A_373, %lt3A_375 : i1
        %and3A_377 = arith.andi %ne3A_376, %ne3A_371 : i1
        %add3A_378 = arith.addi %rem3A_369, %select_n3A_368 : i32
        %select_n3A_379 = arith.select %and3A_377, %add3A_378, %rem3A_369 : i32
        %eq3A_380 = arith.constant 0 : i32
        %eq3A_381 = arith.cmpi eq, %select_n3A_379, %eq3A_380 : i32
        %convert_element_type3A_382 = arith.extui %eq3A_381 : i1 to i32
        %cond3A_383 = arith.constant 0 : i32
        %cond3A_384 = arith.cmpi ne, %convert_element_type3A_382, %cond3A_383 : i32
        scf.if %cond3A_384 {
          %jit3A_407 = arith.constant 8 : i32
          %div3A = arith.divsi %add3A_209, %jit3A_407 : i32
          %sign3A = arith.constant 0 : i32
          %sign3A_408 = arith.cmpi sgt, %add3A_209, %sign3A : i32
          %sign3A_409 = arith.extui %sign3A_408 : i1 to i32
          %sign3A_410 = arith.constant 0 : i32
          %sign3A_411 = arith.cmpi slt, %add3A_209, %sign3A_410 : i32
          %sign3A_412 = arith.extui %sign3A_411 : i1 to i32
          %sign3A_413 = arith.subi %sign3A_409, %sign3A_412 : i32
          %sign3A_414 = arith.constant 0 : i32
          %sign3A_415 = arith.cmpi sgt, %jit3A_407, %sign3A_414 : i32
          %sign3A_416 = arith.extui %sign3A_415 : i1 to i32
          %sign3A_417 = arith.constant 0 : i32
          %sign3A_418 = arith.cmpi slt, %jit3A_407, %sign3A_417 : i32
          %sign3A_419 = arith.extui %sign3A_418 : i1 to i32
          %sign3A_420 = arith.subi %sign3A_416, %sign3A_419 : i32
          %ne3A_421 = arith.cmpi ne, %sign3A_413, %sign3A_420 : i32
          %rem3A_422 = arith.remsi %add3A_209, %jit3A_407 : i32
          %ne3A_423 = arith.constant 0 : i32
          %ne3A_424 = arith.cmpi ne, %rem3A_422, %ne3A_423 : i32
          %and3A_425 = arith.andi %ne3A_421, %ne3A_424 : i1
          %sub3A = arith.constant 1 : i32
          %sub3A_426 = arith.subi %div3A, %sub3A : i32
          %select_n3A_427 = arith.select %and3A_425, %sub3A_426, %div3A : i32
          %jit3A_428 = arith.constant 2 : i32
          %eq3A_429 = arith.constant 0 : i32
          %eq3A_430 = arith.cmpi eq, %jit3A_428, %eq3A_429 : i32
          %jit3A_431 = arith.constant 1 : i32
          %select_n3A_432 = arith.select %eq3A_430, %jit3A_431, %jit3A_428 : i32
          %rem3A_433 = arith.remsi %select_n3A_427, %select_n3A_432 : i32
          %ne3A_434 = arith.constant 0 : i32
          %ne3A_435 = arith.cmpi ne, %rem3A_433, %ne3A_434 : i32
          %lt3A_436 = arith.constant 0 : i32
          %lt3A_437 = arith.cmpi slt, %rem3A_433, %lt3A_436 : i32
          %lt3A_438 = arith.constant 0 : i32
          %lt3A_439 = arith.cmpi slt, %select_n3A_432, %lt3A_438 : i32
          %ne3A_440 = arith.xori %lt3A_437, %lt3A_439 : i1
          %and3A_441 = arith.andi %ne3A_440, %ne3A_435 : i1
          %add3A_442 = arith.addi %rem3A_433, %select_n3A_432 : i32
          %select_n3A_443 = arith.select %and3A_441, %add3A_442, %rem3A_433 : i32
          %mul3A_444 = arith.constant 8 : i32
          %mul3A_445 = arith.muli %select_n3A_427, %mul3A_444 : i32
          %add3A_446 = arith.addi %mul3A_2, %mul3A_445 : i32
          %mul3A_447 = arith.constant 8 : i32
          %mul3A_448 = arith.muli %select_n3A_443, %mul3A_447 : i32
          %mul3A_449 = arith.constant 8 : i32
          %mul3A_450 = arith.muli %select_n3A_443, %mul3A_449 : i32
          %dma_wait3A_451 = arith.constant 0 : i32
          %dma_wait3A_452 = tpu.memref_slice %arg7[%mul3A_448, %dma_wait3A_451] : memref<16x128xi32, #tpu.memory_space<vmem>> -> memref<8x128xi32, #tpu.memory_space<vmem>>
          %dma_wait3A_453 = arith.constant 0 : i32
          %dma_wait3A_454 = tpu.memref_slice %arg3[%add3A_446, %dma_wait3A_453] : memref<2560x128xi32, #tpu.memory_space<hbm>> -> memref<8x128xi32, #tpu.memory_space<hbm>>
          %dma_wait3A_455 = arith.constant 0 : i32
          %dma_wait3A_456 = tpu.memref_slice %arg7[%mul3A_448, %dma_wait3A_455] : memref<16x128xi32, #tpu.memory_space<vmem>> -> memref<8x128xi32, #tpu.memory_space<vmem>>
          %dma_wait3A_457 = arith.constant 0 : i32
          %dma_wait3A_458 = tpu.memref_slice %arg3[%add3A_446, %dma_wait3A_457] : memref<2560x128xi32, #tpu.memory_space<hbm>> -> memref<8x128xi32, #tpu.memory_space<hbm>>
          tpu.wait_dma2 semaphore(%arg23 : memref<!tpu.dma_semaphore, #tpu.memory_space<semaphore_mem>>) src(%dma_wait3A_458 : memref<8x128xi32, #tpu.memory_space<hbm>>) dst(%dma_wait3A_456 : memref<8x128xi32, #tpu.memory_space<vmem>>)
          %dma_wait3A_459 = arith.constant 0 : i32
          %dma_wait3A_460 = tpu.memref_slice %arg8[%mul3A_450, %dma_wait3A_459] : memref<16x128xi32, #tpu.memory_space<vmem>> -> memref<8x128xi32, #tpu.memory_space<vmem>>
          %dma_wait3A_461 = arith.constant 0 : i32
          %dma_wait3A_462 = tpu.memref_slice %arg4[%add3A_446, %dma_wait3A_461] : memref<2560x128xi32, #tpu.memory_space<hbm>> -> memref<8x128xi32, #tpu.memory_space<hbm>>
          %dma_wait3A_463 = arith.constant 0 : i32
          %dma_wait3A_464 = tpu.memref_slice %arg8[%mul3A_450, %dma_wait3A_463] : memref<16x128xi32, #tpu.memory_space<vmem>> -> memref<8x128xi32, #tpu.memory_space<vmem>>
          %dma_wait3A_465 = arith.constant 0 : i32
          %dma_wait3A_466 = tpu.memref_slice %arg4[%add3A_446, %dma_wait3A_465] : memref<2560x128xi32, #tpu.memory_space<hbm>> -> memref<8x128xi32, #tpu.memory_space<hbm>>
          tpu.wait_dma2 semaphore(%arg23 : memref<!tpu.dma_semaphore, #tpu.memory_space<semaphore_mem>>) src(%dma_wait3A_466 : memref<8x128xi32, #tpu.memory_space<hbm>>) dst(%dma_wait3A_464 : memref<8x128xi32, #tpu.memory_space<vmem>>)
        } else {
        }
        %jit3A_385 = arith.constant 16 : i32
        %eq3A_386 = arith.constant 0 : i32
        %eq3A_387 = arith.cmpi eq, %jit3A_385, %eq3A_386 : i32
        %jit3A_388 = arith.constant 1 : i32
        %select_n3A_389 = arith.select %eq3A_387, %jit3A_388, %jit3A_385 : i32
        %rem3A_390 = arith.remsi %add3A_209, %select_n3A_389 : i32
        %ne3A_391 = arith.constant 0 : i32
        %ne3A_392 = arith.cmpi ne, %rem3A_390, %ne3A_391 : i32
        %lt3A_393 = arith.constant 0 : i32
        %lt3A_394 = arith.cmpi slt, %rem3A_390, %lt3A_393 : i32
        %lt3A_395 = arith.constant 0 : i32
        %lt3A_396 = arith.cmpi slt, %select_n3A_389, %lt3A_395 : i32
        %ne3A_397 = arith.xori %lt3A_394, %lt3A_396 : i1
        %and3A_398 = arith.andi %ne3A_397, %ne3A_392 : i1
        %add3A_399 = arith.addi %rem3A_390, %select_n3A_389 : i32
        %select_n3A_400 = arith.select %and3A_398, %add3A_399, %rem3A_390 : i32
        %dma_start3A_401 = arith.constant 0 : i32
        %dma_start3A_402 = tpu.memref_slice %arg7[%select_n3A_400, %dma_start3A_401] : memref<16x128xi32, #tpu.memory_space<vmem>> -> memref<1x128xi32, #tpu.memory_space<vmem>>
        %dma_start3A_403 = tpu.memref_squeeze %dma_start3A_402 : memref<1x128xi32, #tpu.memory_space<vmem>> -> memref<128xi32, #tpu.memory_space<vmem>>
        %dma_start3A_404 = arith.constant 0 : i32
        %dma_start3A_405 = arith.constant 0 : i32
        %dma_start3A_406 = tpu.memref_slice %arg2[%dma_start3A_404, %dma_start3A_405] : memref<10000x128xbf16, #tpu.memory_space<hbm>> -> memref<10000x128xbf16, #tpu.memory_space<hbm>>
        tpu.enqueue_indirect_dma source(%dma_start3A_406 : memref<10000x128xbf16, #tpu.memory_space<hbm>>) target(%arg9 : memref<128x128xbf16, #tpu.memory_space<vmem>>) offsets(%dma_start3A_403 : memref<128xi32, #tpu.memory_space<vmem>>) semaphore(%arg15 : memref<!tpu.dma_semaphore, #tpu.memory_space<semaphore_mem>>)
      } else {
      }
      %jit3A_264 = arith.constant 8 : i32
      %eq3A_265 = arith.constant 0 : i32
      %eq3A_266 = arith.cmpi eq, %jit3A_264, %eq3A_265 : i32
      %jit3A_267 = arith.constant 1 : i32
      %select_n3A_268 = arith.select %eq3A_266, %jit3A_267, %jit3A_264 : i32
      %rem3A_269 = arith.remsi %add3A_207, %select_n3A_268 : i32
      %ne3A_270 = arith.constant 0 : i32
      %ne3A_271 = arith.cmpi ne, %rem3A_269, %ne3A_270 : i32
      %lt3A_272 = arith.constant 0 : i32
      %lt3A_273 = arith.cmpi slt, %rem3A_269, %lt3A_272 : i32
      %lt3A_274 = arith.constant 0 : i32
      %lt3A_275 = arith.cmpi slt, %select_n3A_268, %lt3A_274 : i32
      %ne3A_276 = arith.xori %lt3A_273, %lt3A_275 : i1
      %and3A_277 = arith.andi %ne3A_276, %ne3A_271 : i1
      %add3A_278 = arith.addi %rem3A_269, %select_n3A_268 : i32
      %select_n3A_279 = arith.select %and3A_277, %add3A_278, %rem3A_269 : i32
      %eq3A_280 = arith.constant 1 : i32
      %eq3A_281 = arith.cmpi eq, %select_n3A_279, %eq3A_280 : i32
      %convert_element_type3A_282 = arith.extui %eq3A_281 : i1 to i32
      %cond3A_283 = arith.constant 0 : i32
      %cond3A_284 = arith.cmpi ne, %convert_element_type3A_282, %cond3A_283 : i32
      scf.if %cond3A_284 {
        %jit3A_364 = arith.constant 8 : i32
        %div3A = arith.divsi %add3A_207, %jit3A_364 : i32
        %sign3A = arith.constant 0 : i32
        %sign3A_365 = arith.cmpi sgt, %add3A_207, %sign3A : i32
        %sign3A_366 = arith.extui %sign3A_365 : i1 to i32
        %sign3A_367 = arith.constant 0 : i32
        %sign3A_368 = arith.cmpi slt, %add3A_207, %sign3A_367 : i32
        %sign3A_369 = arith.extui %sign3A_368 : i1 to i32
        %sign3A_370 = arith.subi %sign3A_366, %sign3A_369 : i32
        %sign3A_371 = arith.constant 0 : i32
        %sign3A_372 = arith.cmpi sgt, %jit3A_364, %sign3A_371 : i32
        %sign3A_373 = arith.extui %sign3A_372 : i1 to i32
        %sign3A_374 = arith.constant 0 : i32
        %sign3A_375 = arith.cmpi slt, %jit3A_364, %sign3A_374 : i32
        %sign3A_376 = arith.extui %sign3A_375 : i1 to i32
        %sign3A_377 = arith.subi %sign3A_373, %sign3A_376 : i32
        %ne3A_378 = arith.cmpi ne, %sign3A_370, %sign3A_377 : i32
        %rem3A_379 = arith.remsi %add3A_207, %jit3A_364 : i32
        %ne3A_380 = arith.constant 0 : i32
        %ne3A_381 = arith.cmpi ne, %rem3A_379, %ne3A_380 : i32
        %and3A_382 = arith.andi %ne3A_378, %ne3A_381 : i1
        %sub3A = arith.constant 1 : i32
        %sub3A_383 = arith.subi %div3A, %sub3A : i32
        %select_n3A_384 = arith.select %and3A_382, %sub3A_383, %div3A : i32
        %add3A_385 = arith.constant 1 : i32
        %add3A_386 = arith.addi %select_n3A_384, %add3A_385 : i32
        %lt3A_387 = arith.constant 10 : i32
        %lt3A_388 = arith.cmpi slt, %add3A_386, %lt3A_387 : i32
        %convert_element_type3A_389 = arith.extui %lt3A_388 : i1 to i32
        %cond3A_390 = arith.constant 0 : i32
        %cond3A_391 = arith.cmpi ne, %convert_element_type3A_389, %cond3A_390 : i32
        scf.if %cond3A_391 {
          %jit3A_392 = arith.constant 2 : i32
          %eq3A_393 = arith.constant 0 : i32
          %eq3A_394 = arith.cmpi eq, %jit3A_392, %eq3A_393 : i32
          %jit3A_395 = arith.constant 1 : i32
          %select_n3A_396 = arith.select %eq3A_394, %jit3A_395, %jit3A_392 : i32
          %rem3A_397 = arith.remsi %add3A_386, %select_n3A_396 : i32
          %ne3A_398 = arith.constant 0 : i32
          %ne3A_399 = arith.cmpi ne, %rem3A_397, %ne3A_398 : i32
          %lt3A_400 = arith.constant 0 : i32
          %lt3A_401 = arith.cmpi slt, %rem3A_397, %lt3A_400 : i32
          %lt3A_402 = arith.constant 0 : i32
          %lt3A_403 = arith.cmpi slt, %select_n3A_396, %lt3A_402 : i32
          %ne3A_404 = arith.xori %lt3A_401, %lt3A_403 : i1
          %and3A_405 = arith.andi %ne3A_404, %ne3A_399 : i1
          %add3A_406 = arith.addi %rem3A_397, %select_n3A_396 : i32
          %select_n3A_407 = arith.select %and3A_405, %add3A_406, %rem3A_397 : i32
          %mul3A_408 = arith.constant 8 : i32
          %mul3A_409 = arith.muli %add3A_386, %mul3A_408 : i32
          %add3A_410 = arith.addi %mul3A_2, %mul3A_409 : i32
          %mul3A_411 = arith.constant 8 : i32
          %mul3A_412 = arith.muli %select_n3A_407, %mul3A_411 : i32
          %mul3A_413 = arith.constant 8 : i32
          %mul3A_414 = arith.muli %select_n3A_407, %mul3A_413 : i32
          %dma_start3A_415 = arith.constant 0 : i32
          %dma_start3A_416 = tpu.memref_slice %arg7[%mul3A_412, %dma_start3A_415] : memref<16x128xi32, #tpu.memory_space<vmem>> -> memref<8x128xi32, #tpu.memory_space<vmem>>
          %dma_start3A_417 = arith.constant 0 : i32
          %dma_start3A_418 = tpu.memref_slice %arg3[%add3A_410, %dma_start3A_417] : memref<2560x128xi32, #tpu.memory_space<hbm>> -> memref<8x128xi32, #tpu.memory_space<hbm>>
          %dma_start3A_419 = arith.constant 0 : i32
          %dma_start3A_420 = tpu.memref_slice %arg7[%mul3A_412, %dma_start3A_419] : memref<16x128xi32, #tpu.memory_space<vmem>> -> memref<8x128xi32, #tpu.memory_space<vmem>>
          %dma_start3A_421 = arith.constant 0 : i32
          %dma_start3A_422 = tpu.memref_slice %arg3[%add3A_410, %dma_start3A_421] : memref<2560x128xi32, #tpu.memory_space<hbm>> -> memref<8x128xi32, #tpu.memory_space<hbm>>
          tpu.enqueue_dma source(%dma_start3A_422 : memref<8x128xi32, #tpu.memory_space<hbm>>) target(%dma_start3A_420 : memref<8x128xi32, #tpu.memory_space<vmem>>) target_semaphore(%arg23 : memref<!tpu.dma_semaphore, #tpu.memory_space<semaphore_mem>>)
          %dma_start3A_423 = arith.constant 0 : i32
          %dma_start3A_424 = tpu.memref_slice %arg8[%mul3A_414, %dma_start3A_423] : memref<16x128xi32, #tpu.memory_space<vmem>> -> memref<8x128xi32, #tpu.memory_space<vmem>>
          %dma_start3A_425 = arith.constant 0 : i32
          %dma_start3A_426 = tpu.memref_slice %arg4[%add3A_410, %dma_start3A_425] : memref<2560x128xi32, #tpu.memory_space<hbm>> -> memref<8x128xi32, #tpu.memory_space<hbm>>
          %dma_start3A_427 = arith.constant 0 : i32
          %dma_start3A_428 = tpu.memref_slice %arg8[%mul3A_414, %dma_start3A_427] : memref<16x128xi32, #tpu.memory_space<vmem>> -> memref<8x128xi32, #tpu.memory_space<vmem>>
          %dma_start3A_429 = arith.constant 0 : i32
          %dma_start3A_430 = tpu.memref_slice %arg4[%add3A_410, %dma_start3A_429] : memref<2560x128xi32, #tpu.memory_space<hbm>> -> memref<8x128xi32, #tpu.memory_space<hbm>>
          tpu.enqueue_dma source(%dma_start3A_430 : memref<8x128xi32, #tpu.memory_space<hbm>>) target(%dma_start3A_428 : memref<8x128xi32, #tpu.memory_space<vmem>>) target_semaphore(%arg23 : memref<!tpu.dma_semaphore, #tpu.memory_space<semaphore_mem>>)
        } else {
        }
      } else {
      }
      %add3A_285 = arith.constant 3 : i32
      %add3A_286 = arith.addi %mul3A_57, %add3A_285 : i32
      %add3A_287 = arith.constant 2 : i32
      %add3A_288 = arith.addi %add3A_286, %add3A_287 : i32
      %jit3A_289 = arith.constant 16 : i32
      %eq3A_290 = arith.constant 0 : i32
      %eq3A_291 = arith.cmpi eq, %jit3A_289, %eq3A_290 : i32
      %jit3A_292 = arith.constant 1 : i32
      %select_n3A_293 = arith.select %eq3A_291, %jit3A_292, %jit3A_289 : i32
      %rem3A_294 = arith.remsi %add3A_286, %select_n3A_293 : i32
      %ne3A_295 = arith.constant 0 : i32
      %ne3A_296 = arith.cmpi ne, %rem3A_294, %ne3A_295 : i32
      %lt3A_297 = arith.constant 0 : i32
      %lt3A_298 = arith.cmpi slt, %rem3A_294, %lt3A_297 : i32
      %lt3A_299 = arith.constant 0 : i32
      %lt3A_300 = arith.cmpi slt, %select_n3A_293, %lt3A_299 : i32
      %ne3A_301 = arith.xori %lt3A_298, %lt3A_300 : i1
      %and3A_302 = arith.andi %ne3A_301, %ne3A_296 : i1
      %add3A_303 = arith.addi %rem3A_294, %select_n3A_293 : i32
      %select_n3A_304 = arith.select %and3A_302, %add3A_303, %rem3A_294 : i32
      %dma_wait3A_305 = arith.constant 0 : i32
      %dma_wait3A_306 = tpu.memref_slice %arg7[%select_n3A_304, %dma_wait3A_305] : memref<16x128xi32, #tpu.memory_space<vmem>> -> memref<1x128xi32, #tpu.memory_space<vmem>>
      %dma_wait3A_307 = tpu.memref_squeeze %dma_wait3A_306 : memref<1x128xi32, #tpu.memory_space<vmem>> -> memref<128xi32, #tpu.memory_space<vmem>>
      %dma_wait3A_308 = arith.constant 0 : i32
      %dma_wait3A_309 = arith.constant 0 : i32
      %dma_wait3A_310 = tpu.memref_slice %arg2[%dma_wait3A_308, %dma_wait3A_309] : memref<10000x128xbf16, #tpu.memory_space<hbm>> -> memref<10000x128xbf16, #tpu.memory_space<hbm>>
      tpu.wait_indirect_dma semaphore(%arg18 : memref<!tpu.dma_semaphore, #tpu.memory_space<semaphore_mem>>) src(%dma_wait3A_310 : memref<10000x128xbf16, #tpu.memory_space<hbm>>) dst(%arg12 : memref<128x128xbf16, #tpu.memory_space<vmem>>)
      %ge3A_311 = arith.constant 2 : i32
      %ge3A_312 = arith.cmpi sge, %add3A_286, %ge3A_311 : i32
      %convert_element_type3A_313 = arith.extui %ge3A_312 : i1 to i32
      %cond3A_314 = arith.constant 0 : i32
      %cond3A_315 = arith.cmpi ne, %convert_element_type3A_313, %cond3A_314 : i32
      scf.if %cond3A_315 {
        %sub3A = arith.constant 2 : i32
        %sub3A_364 = arith.subi %add3A_286, %sub3A : i32
        %jit3A_365 = arith.constant 16 : i32
        %eq3A_366 = arith.constant 0 : i32
        %eq3A_367 = arith.cmpi eq, %jit3A_365, %eq3A_366 : i32
        %jit3A_368 = arith.constant 1 : i32
        %select_n3A_369 = arith.select %eq3A_367, %jit3A_368, %jit3A_365 : i32
        %rem3A_370 = arith.remsi %sub3A_364, %select_n3A_369 : i32
        %ne3A_371 = arith.constant 0 : i32
        %ne3A_372 = arith.cmpi ne, %rem3A_370, %ne3A_371 : i32
        %lt3A_373 = arith.constant 0 : i32
        %lt3A_374 = arith.cmpi slt, %rem3A_370, %lt3A_373 : i32
        %lt3A_375 = arith.constant 0 : i32
        %lt3A_376 = arith.cmpi slt, %select_n3A_369, %lt3A_375 : i32
        %ne3A_377 = arith.xori %lt3A_374, %lt3A_376 : i1
        %and3A_378 = arith.andi %ne3A_377, %ne3A_372 : i1
        %add3A_379 = arith.addi %rem3A_370, %select_n3A_369 : i32
        %select_n3A_380 = arith.select %and3A_378, %add3A_379, %rem3A_370 : i32
        %dma_wait3A_381 = arith.constant 0 : i32
        %dma_wait3A_382 = tpu.memref_slice %arg8[%select_n3A_380, %dma_wait3A_381] : memref<16x128xi32, #tpu.memory_space<vmem>> -> memref<1x128xi32, #tpu.memory_space<vmem>>
        %dma_wait3A_383 = tpu.memref_squeeze %dma_wait3A_382 : memref<1x128xi32, #tpu.memory_space<vmem>> -> memref<128xi32, #tpu.memory_space<vmem>>
        %dma_wait3A_384 = arith.constant 0 : i32
        %dma_wait3A_385 = arith.constant 0 : i32
        %dma_wait3A_386 = tpu.memref_slice %arg14[%dma_wait3A_384, %dma_wait3A_385] : memref<10112x128xbf16, #tpu.memory_space<vmem_shared>> -> memref<10112x128xbf16, #tpu.memory_space<vmem_shared>>
        tpu.wait_indirect_dma semaphore(%arg20 : memref<!tpu.dma_semaphore, #tpu.memory_space<semaphore_mem>>) src(%arg10 : memref<128x128xbf16, #tpu.memory_space<vmem>>) dst(%dma_wait3A_386 : memref<10112x128xbf16, #tpu.memory_space<vmem_shared>>)
      } else {
      }
      %jit3A_316 = arith.constant 16 : i32
      %eq3A_317 = arith.constant 0 : i32
      %eq3A_318 = arith.cmpi eq, %jit3A_316, %eq3A_317 : i32
      %jit3A_319 = arith.constant 1 : i32
      %select_n3A_320 = arith.select %eq3A_318, %jit3A_319, %jit3A_316 : i32
      %rem3A_321 = arith.remsi %add3A_286, %select_n3A_320 : i32
      %ne3A_322 = arith.constant 0 : i32
      %ne3A_323 = arith.cmpi ne, %rem3A_321, %ne3A_322 : i32
      %lt3A_324 = arith.constant 0 : i32
      %lt3A_325 = arith.cmpi slt, %rem3A_321, %lt3A_324 : i32
      %lt3A_326 = arith.constant 0 : i32
      %lt3A_327 = arith.cmpi slt, %select_n3A_320, %lt3A_326 : i32
      %ne3A_328 = arith.xori %lt3A_325, %lt3A_327 : i1
      %and3A_329 = arith.andi %ne3A_328, %ne3A_323 : i1
      %add3A_330 = arith.addi %rem3A_321, %select_n3A_320 : i32
      %select_n3A_331 = arith.select %and3A_329, %add3A_330, %rem3A_321 : i32
      %dma_start3A_332 = arith.constant 0 : i32
      %dma_start3A_333 = tpu.memref_slice %arg8[%select_n3A_331, %dma_start3A_332] : memref<16x128xi32, #tpu.memory_space<vmem>> -> memref<1x128xi32, #tpu.memory_space<vmem>>
      %dma_start3A_334 = tpu.memref_squeeze %dma_start3A_333 : memref<1x128xi32, #tpu.memory_space<vmem>> -> memref<128xi32, #tpu.memory_space<vmem>>
      %dma_start3A_335 = arith.constant 0 : i32
      %dma_start3A_336 = arith.constant 0 : i32
      %dma_start3A_337 = tpu.memref_slice %arg14[%dma_start3A_335, %dma_start3A_336] : memref<10112x128xbf16, #tpu.memory_space<vmem_shared>> -> memref<10112x128xbf16, #tpu.memory_space<vmem_shared>>
      tpu.enqueue_indirect_dma source(%arg12 : memref<128x128xbf16, #tpu.memory_space<vmem>>) target(%dma_start3A_337 : memref<10112x128xbf16, #tpu.memory_space<vmem_shared>>) offsets(%dma_start3A_334 : memref<128xi32, #tpu.memory_space<vmem>>) semaphore(%arg22 : memref<!tpu.dma_semaphore, #tpu.memory_space<semaphore_mem>>) {add = true}
      %lt3A_338 = arith.constant 80 : i32
      %lt3A_339 = arith.cmpi slt, %add3A_288, %lt3A_338 : i32
      %convert_element_type3A_340 = arith.extui %lt3A_339 : i1 to i32
      %cond3A_341 = arith.constant 0 : i32
      %cond3A_342 = arith.cmpi ne, %convert_element_type3A_340, %cond3A_341 : i32
      scf.if %cond3A_342 {
        %jit3A_364 = arith.constant 8 : i32
        %eq3A_365 = arith.constant 0 : i32
        %eq3A_366 = arith.cmpi eq, %jit3A_364, %eq3A_365 : i32
        %jit3A_367 = arith.constant 1 : i32
        %select_n3A_368 = arith.select %eq3A_366, %jit3A_367, %jit3A_364 : i32
        %rem3A_369 = arith.remsi %add3A_288, %select_n3A_368 : i32
        %ne3A_370 = arith.constant 0 : i32
        %ne3A_371 = arith.cmpi ne, %rem3A_369, %ne3A_370 : i32
        %lt3A_372 = arith.constant 0 : i32
        %lt3A_373 = arith.cmpi slt, %rem3A_369, %lt3A_372 : i32
        %lt3A_374 = arith.constant 0 : i32
        %lt3A_375 = arith.cmpi slt, %select_n3A_368, %lt3A_374 : i32
        %ne3A_376 = arith.xori %lt3A_373, %lt3A_375 : i1
        %and3A_377 = arith.andi %ne3A_376, %ne3A_371 : i1
        %add3A_378 = arith.addi %rem3A_369, %select_n3A_368 : i32
        %select_n3A_379 = arith.select %and3A_377, %add3A_378, %rem3A_369 : i32
        %eq3A_380 = arith.constant 0 : i32
        %eq3A_381 = arith.cmpi eq, %select_n3A_379, %eq3A_380 : i32
        %convert_element_type3A_382 = arith.extui %eq3A_381 : i1 to i32
        %cond3A_383 = arith.constant 0 : i32
        %cond3A_384 = arith.cmpi ne, %convert_element_type3A_382, %cond3A_383 : i32
        scf.if %cond3A_384 {
          %jit3A_407 = arith.constant 8 : i32
          %div3A = arith.divsi %add3A_288, %jit3A_407 : i32
          %sign3A = arith.constant 0 : i32
          %sign3A_408 = arith.cmpi sgt, %add3A_288, %sign3A : i32
          %sign3A_409 = arith.extui %sign3A_408 : i1 to i32
          %sign3A_410 = arith.constant 0 : i32
          %sign3A_411 = arith.cmpi slt, %add3A_288, %sign3A_410 : i32
          %sign3A_412 = arith.extui %sign3A_411 : i1 to i32
          %sign3A_413 = arith.subi %sign3A_409, %sign3A_412 : i32
          %sign3A_414 = arith.constant 0 : i32
          %sign3A_415 = arith.cmpi sgt, %jit3A_407, %sign3A_414 : i32
          %sign3A_416 = arith.extui %sign3A_415 : i1 to i32
          %sign3A_417 = arith.constant 0 : i32
          %sign3A_418 = arith.cmpi slt, %jit3A_407, %sign3A_417 : i32
          %sign3A_419 = arith.extui %sign3A_418 : i1 to i32
          %sign3A_420 = arith.subi %sign3A_416, %sign3A_419 : i32
          %ne3A_421 = arith.cmpi ne, %sign3A_413, %sign3A_420 : i32
          %rem3A_422 = arith.remsi %add3A_288, %jit3A_407 : i32
          %ne3A_423 = arith.constant 0 : i32
          %ne3A_424 = arith.cmpi ne, %rem3A_422, %ne3A_423 : i32
          %and3A_425 = arith.andi %ne3A_421, %ne3A_424 : i1
          %sub3A = arith.constant 1 : i32
          %sub3A_426 = arith.subi %div3A, %sub3A : i32
          %select_n3A_427 = arith.select %and3A_425, %sub3A_426, %div3A : i32
          %jit3A_428 = arith.constant 2 : i32
          %eq3A_429 = arith.constant 0 : i32
          %eq3A_430 = arith.cmpi eq, %jit3A_428, %eq3A_429 : i32
          %jit3A_431 = arith.constant 1 : i32
          %select_n3A_432 = arith.select %eq3A_430, %jit3A_431, %jit3A_428 : i32
          %rem3A_433 = arith.remsi %select_n3A_427, %select_n3A_432 : i32
          %ne3A_434 = arith.constant 0 : i32
          %ne3A_435 = arith.cmpi ne, %rem3A_433, %ne3A_434 : i32
          %lt3A_436 = arith.constant 0 : i32
          %lt3A_437 = arith.cmpi slt, %rem3A_433, %lt3A_436 : i32
          %lt3A_438 = arith.constant 0 : i32
          %lt3A_439 = arith.cmpi slt, %select_n3A_432, %lt3A_438 : i32
          %ne3A_440 = arith.xori %lt3A_437, %lt3A_439 : i1
          %and3A_441 = arith.andi %ne3A_440, %ne3A_435 : i1
          %add3A_442 = arith.addi %rem3A_433, %select_n3A_432 : i32
          %select_n3A_443 = arith.select %and3A_441, %add3A_442, %rem3A_433 : i32
          %mul3A_444 = arith.constant 8 : i32
          %mul3A_445 = arith.muli %select_n3A_427, %mul3A_444 : i32
          %add3A_446 = arith.addi %mul3A_2, %mul3A_445 : i32
          %mul3A_447 = arith.constant 8 : i32
          %mul3A_448 = arith.muli %select_n3A_443, %mul3A_447 : i32
          %mul3A_449 = arith.constant 8 : i32
          %mul3A_450 = arith.muli %select_n3A_443, %mul3A_449 : i32
          %dma_wait3A_451 = arith.constant 0 : i32
          %dma_wait3A_452 = tpu.memref_slice %arg7[%mul3A_448, %dma_wait3A_451] : memref<16x128xi32, #tpu.memory_space<vmem>> -> memref<8x128xi32, #tpu.memory_space<vmem>>
          %dma_wait3A_453 = arith.constant 0 : i32
          %dma_wait3A_454 = tpu.memref_slice %arg3[%add3A_446, %dma_wait3A_453] : memref<2560x128xi32, #tpu.memory_space<hbm>> -> memref<8x128xi32, #tpu.memory_space<hbm>>
          %dma_wait3A_455 = arith.constant 0 : i32
          %dma_wait3A_456 = tpu.memref_slice %arg7[%mul3A_448, %dma_wait3A_455] : memref<16x128xi32, #tpu.memory_space<vmem>> -> memref<8x128xi32, #tpu.memory_space<vmem>>
          %dma_wait3A_457 = arith.constant 0 : i32
          %dma_wait3A_458 = tpu.memref_slice %arg3[%add3A_446, %dma_wait3A_457] : memref<2560x128xi32, #tpu.memory_space<hbm>> -> memref<8x128xi32, #tpu.memory_space<hbm>>
          tpu.wait_dma2 semaphore(%arg23 : memref<!tpu.dma_semaphore, #tpu.memory_space<semaphore_mem>>) src(%dma_wait3A_458 : memref<8x128xi32, #tpu.memory_space<hbm>>) dst(%dma_wait3A_456 : memref<8x128xi32, #tpu.memory_space<vmem>>)
          %dma_wait3A_459 = arith.constant 0 : i32
          %dma_wait3A_460 = tpu.memref_slice %arg8[%mul3A_450, %dma_wait3A_459] : memref<16x128xi32, #tpu.memory_space<vmem>> -> memref<8x128xi32, #tpu.memory_space<vmem>>
          %dma_wait3A_461 = arith.constant 0 : i32
          %dma_wait3A_462 = tpu.memref_slice %arg4[%add3A_446, %dma_wait3A_461] : memref<2560x128xi32, #tpu.memory_space<hbm>> -> memref<8x128xi32, #tpu.memory_space<hbm>>
          %dma_wait3A_463 = arith.constant 0 : i32
          %dma_wait3A_464 = tpu.memref_slice %arg8[%mul3A_450, %dma_wait3A_463] : memref<16x128xi32, #tpu.memory_space<vmem>> -> memref<8x128xi32, #tpu.memory_space<vmem>>
          %dma_wait3A_465 = arith.constant 0 : i32
          %dma_wait3A_466 = tpu.memref_slice %arg4[%add3A_446, %dma_wait3A_465] : memref<2560x128xi32, #tpu.memory_space<hbm>> -> memref<8x128xi32, #tpu.memory_space<hbm>>
          tpu.wait_dma2 semaphore(%arg23 : memref<!tpu.dma_semaphore, #tpu.memory_space<semaphore_mem>>) src(%dma_wait3A_466 : memref<8x128xi32, #tpu.memory_space<hbm>>) dst(%dma_wait3A_464 : memref<8x128xi32, #tpu.memory_space<vmem>>)
        } else {
        }
        %jit3A_385 = arith.constant 16 : i32
        %eq3A_386 = arith.constant 0 : i32
        %eq3A_387 = arith.cmpi eq, %jit3A_385, %eq3A_386 : i32
        %jit3A_388 = arith.constant 1 : i32
        %select_n3A_389 = arith.select %eq3A_387, %jit3A_388, %jit3A_385 : i32
        %rem3A_390 = arith.remsi %add3A_288, %select_n3A_389 : i32
        %ne3A_391 = arith.constant 0 : i32
        %ne3A_392 = arith.cmpi ne, %rem3A_390, %ne3A_391 : i32
        %lt3A_393 = arith.constant 0 : i32
        %lt3A_394 = arith.cmpi slt, %rem3A_390, %lt3A_393 : i32
        %lt3A_395 = arith.constant 0 : i32
        %lt3A_396 = arith.cmpi slt, %select_n3A_389, %lt3A_395 : i32
        %ne3A_397 = arith.xori %lt3A_394, %lt3A_396 : i1
        %and3A_398 = arith.andi %ne3A_397, %ne3A_392 : i1
        %add3A_399 = arith.addi %rem3A_390, %select_n3A_389 : i32
        %select_n3A_400 = arith.select %and3A_398, %add3A_399, %rem3A_390 : i32
        %dma_start3A_401 = arith.constant 0 : i32
        %dma_start3A_402 = tpu.memref_slice %arg7[%select_n3A_400, %dma_start3A_401] : memref<16x128xi32, #tpu.memory_space<vmem>> -> memref<1x128xi32, #tpu.memory_space<vmem>>
        %dma_start3A_403 = tpu.memref_squeeze %dma_start3A_402 : memref<1x128xi32, #tpu.memory_space<vmem>> -> memref<128xi32, #tpu.memory_space<vmem>>
        %dma_start3A_404 = arith.constant 0 : i32
        %dma_start3A_405 = arith.constant 0 : i32
        %dma_start3A_406 = tpu.memref_slice %arg2[%dma_start3A_404, %dma_start3A_405] : memref<10000x128xbf16, #tpu.memory_space<hbm>> -> memref<10000x128xbf16, #tpu.memory_space<hbm>>
        tpu.enqueue_indirect_dma source(%dma_start3A_406 : memref<10000x128xbf16, #tpu.memory_space<hbm>>) target(%arg10 : memref<128x128xbf16, #tpu.memory_space<vmem>>) offsets(%dma_start3A_403 : memref<128xi32, #tpu.memory_space<vmem>>) semaphore(%arg16 : memref<!tpu.dma_semaphore, #tpu.memory_space<semaphore_mem>>)
      } else {
      }
      %jit3A_343 = arith.constant 8 : i32
      %eq3A_344 = arith.constant 0 : i32
      %eq3A_345 = arith.cmpi eq, %jit3A_343, %eq3A_344 : i32
      %jit3A_346 = arith.constant 1 : i32
      %select_n3A_347 = arith.select %eq3A_345, %jit3A_346, %jit3A_343 : i32
      %rem3A_348 = arith.remsi %add3A_286, %select_n3A_347 : i32
      %ne3A_349 = arith.constant 0 : i32
      %ne3A_350 = arith.cmpi ne, %rem3A_348, %ne3A_349 : i32
      %lt3A_351 = arith.constant 0 : i32
      %lt3A_352 = arith.cmpi slt, %rem3A_348, %lt3A_351 : i32
      %lt3A_353 = arith.constant 0 : i32
      %lt3A_354 = arith.cmpi slt, %select_n3A_347, %lt3A_353 : i32
      %ne3A_355 = arith.xori %lt3A_352, %lt3A_354 : i1
      %and3A_356 = arith.andi %ne3A_355, %ne3A_350 : i1
      %add3A_357 = arith.addi %rem3A_348, %select_n3A_347 : i32
      %select_n3A_358 = arith.select %and3A_356, %add3A_357, %rem3A_348 : i32
      %eq3A_359 = arith.constant 1 : i32
      %eq3A_360 = arith.cmpi eq, %select_n3A_358, %eq3A_359 : i32
      %convert_element_type3A_361 = arith.extui %eq3A_360 : i1 to i32
      %cond3A_362 = arith.constant 0 : i32
      %cond3A_363 = arith.cmpi ne, %convert_element_type3A_361, %cond3A_362 : i32
      scf.if %cond3A_363 {
        %jit3A_364 = arith.constant 8 : i32
        %div3A = arith.divsi %add3A_286, %jit3A_364 : i32
        %sign3A = arith.constant 0 : i32
        %sign3A_365 = arith.cmpi sgt, %add3A_286, %sign3A : i32
        %sign3A_366 = arith.extui %sign3A_365 : i1 to i32
        %sign3A_367 = arith.constant 0 : i32
        %sign3A_368 = arith.cmpi slt, %add3A_286, %sign3A_367 : i32
        %sign3A_369 = arith.extui %sign3A_368 : i1 to i32
        %sign3A_370 = arith.subi %sign3A_366, %sign3A_369 : i32
        %sign3A_371 = arith.constant 0 : i32
        %sign3A_372 = arith.cmpi sgt, %jit3A_364, %sign3A_371 : i32
        %sign3A_373 = arith.extui %sign3A_372 : i1 to i32
        %sign3A_374 = arith.constant 0 : i32
        %sign3A_375 = arith.cmpi slt, %jit3A_364, %sign3A_374 : i32
        %sign3A_376 = arith.extui %sign3A_375 : i1 to i32
        %sign3A_377 = arith.subi %sign3A_373, %sign3A_376 : i32
        %ne3A_378 = arith.cmpi ne, %sign3A_370, %sign3A_377 : i32
        %rem3A_379 = arith.remsi %add3A_286, %jit3A_364 : i32
        %ne3A_380 = arith.constant 0 : i32
        %ne3A_381 = arith.cmpi ne, %rem3A_379, %ne3A_380 : i32
        %and3A_382 = arith.andi %ne3A_378, %ne3A_381 : i1
        %sub3A = arith.constant 1 : i32
        %sub3A_383 = arith.subi %div3A, %sub3A : i32
        %select_n3A_384 = arith.select %and3A_382, %sub3A_383, %div3A : i32
        %add3A_385 = arith.constant 1 : i32
        %add3A_386 = arith.addi %select_n3A_384, %add3A_385 : i32
        %lt3A_387 = arith.constant 10 : i32
        %lt3A_388 = arith.cmpi slt, %add3A_386, %lt3A_387 : i32
        %convert_element_type3A_389 = arith.extui %lt3A_388 : i1 to i32
        %cond3A_390 = arith.constant 0 : i32
        %cond3A_391 = arith.cmpi ne, %convert_element_type3A_389, %cond3A_390 : i32
        scf.if %cond3A_391 {
          %jit3A_392 = arith.constant 2 : i32
          %eq3A_393 = arith.constant 0 : i32
          %eq3A_394 = arith.cmpi eq, %jit3A_392, %eq3A_393 : i32
          %jit3A_395 = arith.constant 1 : i32
          %select_n3A_396 = arith.select %eq3A_394, %jit3A_395, %jit3A_392 : i32
          %rem3A_397 = arith.remsi %add3A_386, %select_n3A_396 : i32
          %ne3A_398 = arith.constant 0 : i32
          %ne3A_399 = arith.cmpi ne, %rem3A_397, %ne3A_398 : i32
          %lt3A_400 = arith.constant 0 : i32
          %lt3A_401 = arith.cmpi slt, %rem3A_397, %lt3A_400 : i32
          %lt3A_402 = arith.constant 0 : i32
          %lt3A_403 = arith.cmpi slt, %select_n3A_396, %lt3A_402 : i32
          %ne3A_404 = arith.xori %lt3A_401, %lt3A_403 : i1
          %and3A_405 = arith.andi %ne3A_404, %ne3A_399 : i1
          %add3A_406 = arith.addi %rem3A_397, %select_n3A_396 : i32
          %select_n3A_407 = arith.select %and3A_405, %add3A_406, %rem3A_397 : i32
          %mul3A_408 = arith.constant 8 : i32
          %mul3A_409 = arith.muli %add3A_386, %mul3A_408 : i32
          %add3A_410 = arith.addi %mul3A_2, %mul3A_409 : i32
          %mul3A_411 = arith.constant 8 : i32
          %mul3A_412 = arith.muli %select_n3A_407, %mul3A_411 : i32
          %mul3A_413 = arith.constant 8 : i32
          %mul3A_414 = arith.muli %select_n3A_407, %mul3A_413 : i32
          %dma_start3A_415 = arith.constant 0 : i32
          %dma_start3A_416 = tpu.memref_slice %arg7[%mul3A_412, %dma_start3A_415] : memref<16x128xi32, #tpu.memory_space<vmem>> -> memref<8x128xi32, #tpu.memory_space<vmem>>
          %dma_start3A_417 = arith.constant 0 : i32
          %dma_start3A_418 = tpu.memref_slice %arg3[%add3A_410, %dma_start3A_417] : memref<2560x128xi32, #tpu.memory_space<hbm>> -> memref<8x128xi32, #tpu.memory_space<hbm>>
          %dma_start3A_419 = arith.constant 0 : i32
          %dma_start3A_420 = tpu.memref_slice %arg7[%mul3A_412, %dma_start3A_419] : memref<16x128xi32, #tpu.memory_space<vmem>> -> memref<8x128xi32, #tpu.memory_space<vmem>>
          %dma_start3A_421 = arith.constant 0 : i32
          %dma_start3A_422 = tpu.memref_slice %arg3[%add3A_410, %dma_start3A_421] : memref<2560x128xi32, #tpu.memory_space<hbm>> -> memref<8x128xi32, #tpu.memory_space<hbm>>
          tpu.enqueue_dma source(%dma_start3A_422 : memref<8x128xi32, #tpu.memory_space<hbm>>) target(%dma_start3A_420 : memref<8x128xi32, #tpu.memory_space<vmem>>) target_semaphore(%arg23 : memref<!tpu.dma_semaphore, #tpu.memory_space<semaphore_mem>>)
          %dma_start3A_423 = arith.constant 0 : i32
          %dma_start3A_424 = tpu.memref_slice %arg8[%mul3A_414, %dma_start3A_423] : memref<16x128xi32, #tpu.memory_space<vmem>> -> memref<8x128xi32, #tpu.memory_space<vmem>>
          %dma_start3A_425 = arith.constant 0 : i32
          %dma_start3A_426 = tpu.memref_slice %arg4[%add3A_410, %dma_start3A_425] : memref<2560x128xi32, #tpu.memory_space<hbm>> -> memref<8x128xi32, #tpu.memory_space<hbm>>
          %dma_start3A_427 = arith.constant 0 : i32
          %dma_start3A_428 = tpu.memref_slice %arg8[%mul3A_414, %dma_start3A_427] : memref<16x128xi32, #tpu.memory_space<vmem>> -> memref<8x128xi32, #tpu.memory_space<vmem>>
          %dma_start3A_429 = arith.constant 0 : i32
          %dma_start3A_430 = tpu.memref_slice %arg4[%add3A_410, %dma_start3A_429] : memref<2560x128xi32, #tpu.memory_space<hbm>> -> memref<8x128xi32, #tpu.memory_space<hbm>>
          tpu.enqueue_dma source(%dma_start3A_430 : memref<8x128xi32, #tpu.memory_space<hbm>>) target(%dma_start3A_428 : memref<8x128xi32, #tpu.memory_space<vmem>>) target_semaphore(%arg23 : memref<!tpu.dma_semaphore, #tpu.memory_space<semaphore_mem>>)
        } else {
        }
      } else {
      }
    }
    %scan3A_24 = arith.constant 20 : i32
    %dma_wait3A = arith.constant 14 : i32
    %dma_wait3A_25 = arith.constant 0 : i32
    %dma_wait3A_26 = tpu.memref_slice %arg8[%dma_wait3A, %dma_wait3A_25] : memref<16x128xi32, #tpu.memory_space<vmem>> -> memref<1x128xi32, #tpu.memory_space<vmem>>
    %dma_wait3A_27 = tpu.memref_squeeze %dma_wait3A_26 : memref<1x128xi32, #tpu.memory_space<vmem>> -> memref<128xi32, #tpu.memory_space<vmem>>
    %dma_wait3A_28 = arith.constant 0 : i32
    %dma_wait3A_29 = arith.constant 0 : i32
    %dma_wait3A_30 = tpu.memref_slice %arg13[%dma_wait3A_28, %dma_wait3A_29] : memref<10112x128xbf16, #tpu.memory_space<vmem_shared>> -> memref<10112x128xbf16, #tpu.memory_space<vmem_shared>>
    tpu.wait_indirect_dma semaphore(%arg21 : memref<!tpu.dma_semaphore, #tpu.memory_space<semaphore_mem>>) src(%arg11 : memref<128x128xbf16, #tpu.memory_space<vmem>>) dst(%dma_wait3A_30 : memref<10112x128xbf16, #tpu.memory_space<vmem_shared>>)
    %dma_wait3A_31 = arith.constant 15 : i32
    %dma_wait3A_32 = arith.constant 0 : i32
    %dma_wait3A_33 = tpu.memref_slice %arg8[%dma_wait3A_31, %dma_wait3A_32] : memref<16x128xi32, #tpu.memory_space<vmem>> -> memref<1x128xi32, #tpu.memory_space<vmem>>
    %dma_wait3A_34 = tpu.memref_squeeze %dma_wait3A_33 : memref<1x128xi32, #tpu.memory_space<vmem>> -> memref<128xi32, #tpu.memory_space<vmem>>
    %dma_wait3A_35 = arith.constant 0 : i32
    %dma_wait3A_36 = arith.constant 0 : i32
    %dma_wait3A_37 = tpu.memref_slice %arg14[%dma_wait3A_35, %dma_wait3A_36] : memref<10112x128xbf16, #tpu.memory_space<vmem_shared>> -> memref<10112x128xbf16, #tpu.memory_space<vmem_shared>>
    tpu.wait_indirect_dma semaphore(%arg22 : memref<!tpu.dma_semaphore, #tpu.memory_space<semaphore_mem>>) src(%arg12 : memref<128x128xbf16, #tpu.memory_space<vmem>>) dst(%dma_wait3A_37 : memref<10112x128xbf16, #tpu.memory_space<vmem_shared>>)
    %barrier3A_38 = arith.constant 0 : index
    tpu.barrier barrier_id(%barrier3A_38)
    %mul3A_39 = arith.constant 632 : i32
    %mul3A_40 = arith.muli %arg1, %mul3A_39 : i32
    %mul3A_41 = arith.constant 2 : i32
    %mul3A_42 = arith.muli %mul3A_41, %arg0 : i32
    %add3A_43 = arith.constant 0 : i32
    %add3A_44 = arith.addi %mul3A_42, %add3A_43 : i32
    %mul3A_45 = arith.constant 632 : i32
    %mul3A_46 = arith.muli %arg1, %mul3A_45 : i32
    "tpu.region"() ({
      %run_scoped3A = tpu.sem_alloc : memref<!tpu.dma_semaphore, #tpu.memory_space<semaphore_mem>>
      %dma_start3A_55 = arith.constant 0 : i32
      %dma_start3A_56 = tpu.memref_slice %arg6[%add3A_44, %mul3A_46, %dma_start3A_55] : memref<4x10112x128xbf16, #tpu.memory_space<hbm>> -> memref<1x632x128xbf16, #tpu.memory_space<hbm>>
      %dma_start3A_57 = tpu.memref_squeeze %dma_start3A_56 : memref<1x632x128xbf16, #tpu.memory_space<hbm>> -> memref<632x128xbf16, #tpu.memory_space<hbm>>
      %dma_start3A_58 = arith.constant 0 : i32
      %dma_start3A_59 = tpu.memref_slice %arg13[%mul3A_40, %dma_start3A_58] : memref<10112x128xbf16, #tpu.memory_space<vmem_shared>> -> memref<632x128xbf16, #tpu.memory_space<vmem_shared>>
      tpu.enqueue_dma source(%dma_start3A_59 : memref<632x128xbf16, #tpu.memory_space<vmem_shared>>) target(%dma_start3A_57 : memref<632x128xbf16, #tpu.memory_space<hbm>>) target_semaphore(%run_scoped3A : memref<!tpu.dma_semaphore, #tpu.memory_space<semaphore_mem>>)
      %dma_wait3A_60 = arith.constant 0 : i32
      %dma_wait3A_61 = tpu.memref_slice %arg6[%add3A_44, %mul3A_46, %dma_wait3A_60] : memref<4x10112x128xbf16, #tpu.memory_space<hbm>> -> memref<1x632x128xbf16, #tpu.memory_space<hbm>>
      %dma_wait3A_62 = tpu.memref_squeeze %dma_wait3A_61 : memref<1x632x128xbf16, #tpu.memory_space<hbm>> -> memref<632x128xbf16, #tpu.memory_space<hbm>>
      %dma_wait3A_63 = arith.constant 0 : i32
      %dma_wait3A_64 = tpu.memref_slice %arg13[%mul3A_40, %dma_wait3A_63] : memref<10112x128xbf16, #tpu.memory_space<vmem_shared>> -> memref<632x128xbf16, #tpu.memory_space<vmem_shared>>
      tpu.wait_dma2 semaphore(%run_scoped3A : memref<!tpu.dma_semaphore, #tpu.memory_space<semaphore_mem>>) src(%dma_wait3A_64 : memref<632x128xbf16, #tpu.memory_space<vmem_shared>>) dst(%dma_wait3A_62 : memref<632x128xbf16, #tpu.memory_space<hbm>>)
      tpu.yield
    }) : () -> ()
    %mul3A_47 = arith.constant 632 : i32
    %mul3A_48 = arith.muli %arg1, %mul3A_47 : i32
    %mul3A_49 = arith.constant 2 : i32
    %mul3A_50 = arith.muli %mul3A_49, %arg0 : i32
    %add3A_51 = arith.constant 1 : i32
    %add3A_52 = arith.addi %mul3A_50, %add3A_51 : i32
    %mul3A_53 = arith.constant 632 : i32
    %mul3A_54 = arith.muli %arg1, %mul3A_53 : i32
    "tpu.region"() ({
      %run_scoped3A = tpu.sem_alloc : memref<!tpu.dma_semaphore, #tpu.memory_space<semaphore_mem>>
      %dma_start3A_55 = arith.constant 0 : i32
      %dma_start3A_56 = tpu.memref_slice %arg6[%add3A_52, %mul3A_54, %dma_start3A_55] : memref<4x10112x128xbf16, #tpu.memory_space<hbm>> -> memref<1x632x128xbf16, #tpu.memory_space<hbm>>
      %dma_start3A_57 = tpu.memref_squeeze %dma_start3A_56 : memref<1x632x128xbf16, #tpu.memory_space<hbm>> -> memref<632x128xbf16, #tpu.memory_space<hbm>>
      %dma_start3A_58 = arith.constant 0 : i32
      %dma_start3A_59 = tpu.memref_slice %arg14[%mul3A_48, %dma_start3A_58] : memref<10112x128xbf16, #tpu.memory_space<vmem_shared>> -> memref<632x128xbf16, #tpu.memory_space<vmem_shared>>
      tpu.enqueue_dma source(%dma_start3A_59 : memref<632x128xbf16, #tpu.memory_space<vmem_shared>>) target(%dma_start3A_57 : memref<632x128xbf16, #tpu.memory_space<hbm>>) target_semaphore(%run_scoped3A : memref<!tpu.dma_semaphore, #tpu.memory_space<semaphore_mem>>)
      %dma_wait3A_60 = arith.constant 0 : i32
      %dma_wait3A_61 = tpu.memref_slice %arg6[%add3A_52, %mul3A_54, %dma_wait3A_60] : memref<4x10112x128xbf16, #tpu.memory_space<hbm>> -> memref<1x632x128xbf16, #tpu.memory_space<hbm>>
      %dma_wait3A_62 = tpu.memref_squeeze %dma_wait3A_61 : memref<1x632x128xbf16, #tpu.memory_space<hbm>> -> memref<632x128xbf16, #tpu.memory_space<hbm>>
      %dma_wait3A_63 = arith.constant 0 : i32
      %dma_wait3A_64 = tpu.memref_slice %arg14[%mul3A_48, %dma_wait3A_63] : memref<10112x128xbf16, #tpu.memory_space<vmem_shared>> -> memref<632x128xbf16, #tpu.memory_space<vmem_shared>>
      tpu.wait_dma2 semaphore(%run_scoped3A : memref<!tpu.dma_semaphore, #tpu.memory_space<semaphore_mem>>) src(%dma_wait3A_64 : memref<632x128xbf16, #tpu.memory_space<vmem_shared>>) dst(%dma_wait3A_62 : memref<632x128xbf16, #tpu.memory_space<hbm>>)
      tpu.yield
    }) : () -> ()
    return
  }
}

module attributes {stable_mosaic.version = 14 : i64} {
  func.func @body(%arg0: i32, %arg1: memref<4x1000x128xbf16, #tpu.memory_space<vmem>>, %arg2: memref<4x1000x16xbf16, #tpu.memory_space<vmem>>, %arg3: memref<1000x128xf32, #tpu.memory_space<vmem>>, %arg4: memref<128x128xf32, #tpu.memory_space<vmem>>, %arg5: memref<128x128xf32, #tpu.memory_space<vmem>>, %arg6: memref<1x128xf32, #tpu.memory_space<vmem>>, %arg7: memref<1000x128xf32, #tpu.memory_space<vmem>>, %arg8: memref<1000x128xbf16, #tpu.memory_space<vmem>>) attributes {dimension_semantics = [#tpu.dimension_semantics<arbitrary>], iteration_bounds = array<i64: 10>, scalar_prefetch = 0 : i64, scratch_operands = 0 : i64, tpu.core_type = #tpu.core_type<tc>, window_params = [{transform_indices = @transform_0, window_bounds = array<i64: 4, 1000, 128>}, {transform_indices = @transform_1, window_bounds = array<i64: 4, 1000, 16>}, {transform_indices = @transform_2, window_bounds = array<i64: 1000, 128>}, {pipeline_mode = #tpu.pipeline_mode<synchronous>, transform_indices = @transform_3, window_bounds = array<i64: 128, 128>}, {pipeline_mode = #tpu.pipeline_mode<synchronous>, transform_indices = @transform_4, window_bounds = array<i64: 128, 128>}, {pipeline_mode = #tpu.pipeline_mode<synchronous>, transform_indices = @transform_5, window_bounds = array<i64: 1, 128>}, {transform_indices = @transform_6, window_bounds = array<i64: 1000, 128>}, {transform_indices = @transform_7, window_bounds = array<i64: 1000, 128>}]} {
    %get3A = arith.constant 0 : index
    %get3A_0 = arith.constant 0 : index
    %get3A_1 = arith.constant 0 : index
    %get3A_2 = vector.load %arg1[%get3A, %get3A_0, %get3A_1] : memref<4x1000x128xbf16, #tpu.memory_space<vmem>>, vector<1x1000x128xbf16>
    %get3A_3 = vector.shape_cast %get3A_2 : vector<1x1000x128xbf16> to vector<1000x128xbf16>
    %convert_element_type3A = arith.extf %get3A_3 : vector<1000x128xbf16> to vector<1000x128xf32>
    %add3A = arith.constant 0.000000e+00 : f32
    %add3A_4 = vector.broadcast %add3A : f32 to vector<1000x128xf32>
    %add3A_5 = arith.addf %add3A_4, %convert_element_type3A : vector<1000x128xf32>
    %get3A_6 = arith.constant 1 : index
    %get3A_7 = arith.constant 0 : index
    %get3A_8 = arith.constant 0 : index
    %get3A_9 = vector.load %arg1[%get3A_6, %get3A_7, %get3A_8] : memref<4x1000x128xbf16, #tpu.memory_space<vmem>>, vector<1x1000x128xbf16>
    %get3A_10 = vector.shape_cast %get3A_9 : vector<1x1000x128xbf16> to vector<1000x128xbf16>
    %convert_element_type3A_11 = arith.extf %get3A_10 : vector<1000x128xbf16> to vector<1000x128xf32>
    %add3A_12 = arith.addf %add3A_5, %convert_element_type3A_11 : vector<1000x128xf32>
    %get3A_13 = arith.constant 2 : index
    %get3A_14 = arith.constant 0 : index
    %get3A_15 = arith.constant 0 : index
    %get3A_16 = vector.load %arg1[%get3A_13, %get3A_14, %get3A_15] : memref<4x1000x128xbf16, #tpu.memory_space<vmem>>, vector<1x1000x128xbf16>
    %get3A_17 = vector.shape_cast %get3A_16 : vector<1x1000x128xbf16> to vector<1000x128xbf16>
    %convert_element_type3A_18 = arith.extf %get3A_17 : vector<1000x128xbf16> to vector<1000x128xf32>
    %add3A_19 = arith.addf %add3A_12, %convert_element_type3A_18 : vector<1000x128xf32>
    %get3A_20 = arith.constant 3 : index
    %get3A_21 = arith.constant 0 : index
    %get3A_22 = arith.constant 0 : index
    %get3A_23 = vector.load %arg1[%get3A_20, %get3A_21, %get3A_22] : memref<4x1000x128xbf16, #tpu.memory_space<vmem>>, vector<1x1000x128xbf16>
    %get3A_24 = vector.shape_cast %get3A_23 : vector<1x1000x128xbf16> to vector<1000x128xbf16>
    %convert_element_type3A_25 = arith.extf %get3A_24 : vector<1000x128xbf16> to vector<1000x128xf32>
    %add3A_26 = arith.addf %add3A_19, %convert_element_type3A_25 : vector<1000x128xf32>
    %get3A_27 = arith.constant 0 : index
    %get3A_28 = arith.constant 0 : index
    %get3A_29 = arith.constant 0 : index
    %get3A_30 = vector.load %arg2[%get3A_27, %get3A_28, %get3A_29] : memref<4x1000x16xbf16, #tpu.memory_space<vmem>>, vector<1x1000x1xbf16>
    %get3A_31 = vector.shape_cast %get3A_30 : vector<1x1000x1xbf16> to vector<1000x1xbf16>
    %convert_element_type3A_32 = arith.extf %get3A_31 : vector<1000x1xbf16> to vector<1000x1xf32>
    %add3A_33 = arith.constant 0.000000e+00 : f32
    %add3A_34 = vector.broadcast %add3A_33 : f32 to vector<1000x1xf32>
    %add3A_35 = arith.addf %add3A_34, %convert_element_type3A_32 : vector<1000x1xf32>
    %get3A_36 = arith.constant 1 : index
    %get3A_37 = arith.constant 0 : index
    %get3A_38 = arith.constant 0 : index
    %get3A_39 = vector.load %arg2[%get3A_36, %get3A_37, %get3A_38] : memref<4x1000x16xbf16, #tpu.memory_space<vmem>>, vector<1x1000x1xbf16>
    %get3A_40 = vector.shape_cast %get3A_39 : vector<1x1000x1xbf16> to vector<1000x1xbf16>
    %convert_element_type3A_41 = arith.extf %get3A_40 : vector<1000x1xbf16> to vector<1000x1xf32>
    %add3A_42 = arith.addf %add3A_35, %convert_element_type3A_41 : vector<1000x1xf32>
    %get3A_43 = arith.constant 2 : index
    %get3A_44 = arith.constant 0 : index
    %get3A_45 = arith.constant 0 : index
    %get3A_46 = vector.load %arg2[%get3A_43, %get3A_44, %get3A_45] : memref<4x1000x16xbf16, #tpu.memory_space<vmem>>, vector<1x1000x1xbf16>
    %get3A_47 = vector.shape_cast %get3A_46 : vector<1x1000x1xbf16> to vector<1000x1xbf16>
    %convert_element_type3A_48 = arith.extf %get3A_47 : vector<1000x1xbf16> to vector<1000x1xf32>
    %add3A_49 = arith.addf %add3A_42, %convert_element_type3A_48 : vector<1000x1xf32>
    %get3A_50 = arith.constant 3 : index
    %get3A_51 = arith.constant 0 : index
    %get3A_52 = arith.constant 0 : index
    %get3A_53 = vector.load %arg2[%get3A_50, %get3A_51, %get3A_52] : memref<4x1000x16xbf16, #tpu.memory_space<vmem>>, vector<1x1000x1xbf16>
    %get3A_54 = vector.shape_cast %get3A_53 : vector<1x1000x1xbf16> to vector<1000x1xbf16>
    %convert_element_type3A_55 = arith.extf %get3A_54 : vector<1000x1xbf16> to vector<1000x1xf32>
    %add3A_56 = arith.addf %add3A_49, %convert_element_type3A_55 : vector<1000x1xf32>
    %max3A = arith.constant 1.000000e+00 : f32
    %max3A_57 = vector.broadcast %max3A : f32 to vector<1000x1xf32>
    %max3A_58 = arith.maximumf %add3A_56, %max3A_57 : vector<1000x1xf32>
    %div3A = vector.broadcast %max3A_58 : vector<1000x1xf32> to vector<1000x128xf32>
    %div3A_59 = arith.divf %add3A_26, %div3A : vector<1000x128xf32>
    %get3A_60 = arith.constant 0 : index
    %get3A_61 = arith.constant 0 : index
    %get3A_62 = vector.load %arg4[%get3A_60, %get3A_61] : memref<128x128xf32, #tpu.memory_space<vmem>>, vector<128x128xf32>
    %dot_general3A = arith.constant dense<0.000000e+00> : vector<1000x128xf32>
    %dot_general3A_63 = tpu.matmul %div3A_59, %get3A_62, %dot_general3A {dimension_numbers = #tpu.dot_dimension_numbers<[1], [0], [0], [1], [0, 0, 1, 1], [], []>, transpose_lhs_hint = false} : vector<1000x128xf32>, vector<128x128xf32>, vector<1000x128xf32> -> vector<1000x128xf32>
    %get3A_64 = arith.constant 0 : index
    %get3A_65 = arith.constant 0 : index
    %get3A_66 = vector.load %arg3[%get3A_64, %get3A_65] : memref<1000x128xf32, #tpu.memory_space<vmem>>, vector<1000x128xf32>
    %get3A_67 = arith.constant 0 : index
    %get3A_68 = arith.constant 0 : index
    %get3A_69 = vector.load %arg5[%get3A_67, %get3A_68] : memref<128x128xf32, #tpu.memory_space<vmem>>, vector<128x128xf32>
    %dot_general3A_70 = arith.constant dense<0.000000e+00> : vector<1000x128xf32>
    %dot_general3A_71 = tpu.matmul %get3A_66, %get3A_69, %dot_general3A_70 {dimension_numbers = #tpu.dot_dimension_numbers<[1], [0], [0], [1], [0, 0, 1, 1], [], []>, transpose_lhs_hint = false} : vector<1000x128xf32>, vector<128x128xf32>, vector<1000x128xf32> -> vector<1000x128xf32>
    %add3A_72 = arith.addf %dot_general3A_63, %dot_general3A_71 : vector<1000x128xf32>
    %get3A_73 = arith.constant 0 : index
    %get3A_74 = arith.constant 0 : index
    %get3A_75 = vector.load %arg6[%get3A_73, %get3A_74] : memref<1x128xf32, #tpu.memory_space<vmem>>, vector<1x128xf32>
    %add3A_76 = vector.broadcast %get3A_75 : vector<1x128xf32> to vector<1000x128xf32>
    %add3A_77 = arith.addf %add3A_72, %add3A_76 : vector<1000x128xf32>
    %max3A_78 = arith.constant 0.000000e+00 : f32
    %max3A_79 = vector.broadcast %max3A_78 : f32 to vector<1000x128xf32>
    %max3A_80 = arith.maximumf %add3A_77, %max3A_79 : vector<1000x128xf32>
    %swap3A = arith.constant 0 : index
    %swap3A_81 = arith.constant 0 : index
    %swap3A_82 = vector.load %arg7[%swap3A, %swap3A_81] : memref<1000x128xf32, #tpu.memory_space<vmem>>, vector<1000x128xf32>
    tpu.vector_store %arg7[%swap3A, %swap3A_81], %max3A_80 {strides = array<i32>} : memref<1000x128xf32, #tpu.memory_space<vmem>>, vector<1000x128xf32>,
    %convert_element_type3A_83 = arith.truncf %max3A_80 : vector<1000x128xf32> to vector<1000x128xbf16>
    %swap3A_84 = arith.constant 0 : index
    %swap3A_85 = arith.constant 0 : index
    %swap3A_86 = vector.load %arg8[%swap3A_84, %swap3A_85] : memref<1000x128xbf16, #tpu.memory_space<vmem>>, vector<1000x128xbf16>
    tpu.vector_store %arg8[%swap3A_84, %swap3A_85], %convert_element_type3A_83 {strides = array<i32>} : memref<1000x128xbf16, #tpu.memory_space<vmem>>, vector<1000x128xbf16>,
    return
  }
  func.func @transform_0(%arg0: i32) -> (i32, i32, i32) {
    %c0_i32 = arith.constant 0 : i32
    %c0_i32_0 = arith.constant 0 : i32
    %c0_i32_1 = arith.constant 0 : i32
    return %c0_i32, %arg0, %c0_i32_0 : i32, i32, i32
  }
  func.func @transform_1(%arg0: i32) -> (i32, i32, i32) {
    %c0_i32 = arith.constant 0 : i32
    %c0_i32_0 = arith.constant 0 : i32
    %c0_i32_1 = arith.constant 0 : i32
    return %c0_i32, %arg0, %c0_i32_0 : i32, i32, i32
  }
  func.func @transform_2(%arg0: i32) -> (i32, i32) {
    %c0_i32 = arith.constant 0 : i32
    %c0_i32_0 = arith.constant 0 : i32
    return %arg0, %c0_i32 : i32, i32
  }
  func.func @transform_3(%arg0: i32) -> (i32, i32) {
    %c0_i32 = arith.constant 0 : i32
    %c0_i32_0 = arith.constant 0 : i32
    %c0_i32_1 = arith.constant 0 : i32
    return %c0_i32, %c0_i32_0 : i32, i32
  }
  func.func @transform_4(%arg0: i32) -> (i32, i32) {
    %c0_i32 = arith.constant 0 : i32
    %c0_i32_0 = arith.constant 0 : i32
    %c0_i32_1 = arith.constant 0 : i32
    return %c0_i32, %c0_i32_0 : i32, i32
  }
  func.func @transform_5(%arg0: i32) -> (i32, i32) {
    %c0_i32 = arith.constant 0 : i32
    %c0_i32_0 = arith.constant 0 : i32
    %c0_i32_1 = arith.constant 0 : i32
    return %c0_i32, %c0_i32_0 : i32, i32
  }
  func.func @transform_6(%arg0: i32) -> (i32, i32) {
    %c0_i32 = arith.constant 0 : i32
    %c0_i32_0 = arith.constant 0 : i32
    return %arg0, %c0_i32 : i32, i32
  }
  func.func @transform_7(%arg0: i32) -> (i32, i32) {
    %c0_i32 = arith.constant 0 : i32
    %c0_i32_0 = arith.constant 0 : i32
    return %arg0, %c0_i32 : i32, i32
  }
}

module attributes {stable_mosaic.version = 14 : i64} {
  func.func @body(%arg0: i32, %arg1: memref<4x1000x128xbf16, #tpu.memory_space<vmem>>, %arg2: memref<4x1000x16xbf16, #tpu.memory_space<vmem>>, %arg3: memref<1000x128xf32, #tpu.memory_space<vmem>>, %arg4: memref<128x128xf32, #tpu.memory_space<vmem>>, %arg5: memref<128x128xf32, #tpu.memory_space<vmem>>, %arg6: memref<1x128xf32, #tpu.memory_space<vmem>>, %arg7: memref<128x1xf32, #tpu.memory_space<vmem>>, %arg8: memref<1x1xf32, #tpu.memory_space<vmem>>, %arg9: memref<1000x1xf32, #tpu.memory_space<vmem>>) attributes {dimension_semantics = [#tpu.dimension_semantics<arbitrary>], iteration_bounds = array<i64: 10>, scalar_prefetch = 0 : i64, scratch_operands = 0 : i64, tpu.core_type = #tpu.core_type<tc>, window_params = [{transform_indices = @transform_0, window_bounds = array<i64: 4, 1000, 128>}, {transform_indices = @transform_1, window_bounds = array<i64: 4, 1000, 16>}, {transform_indices = @transform_2, window_bounds = array<i64: 1000, 128>}, {pipeline_mode = #tpu.pipeline_mode<synchronous>, transform_indices = @transform_3, window_bounds = array<i64: 128, 128>}, {pipeline_mode = #tpu.pipeline_mode<synchronous>, transform_indices = @transform_4, window_bounds = array<i64: 128, 128>}, {pipeline_mode = #tpu.pipeline_mode<synchronous>, transform_indices = @transform_5, window_bounds = array<i64: 1, 128>}, {pipeline_mode = #tpu.pipeline_mode<synchronous>, transform_indices = @transform_6, window_bounds = array<i64: 128, 1>}, {pipeline_mode = #tpu.pipeline_mode<synchronous>, transform_indices = @transform_7, window_bounds = array<i64: 1, 1>}, {transform_indices = @transform_8, window_bounds = array<i64: 1000, 1>}]} {
    %get3A = arith.constant 0 : index
    %get3A_0 = arith.constant 0 : index
    %get3A_1 = arith.constant 0 : index
    %get3A_2 = vector.load %arg1[%get3A, %get3A_0, %get3A_1] : memref<4x1000x128xbf16, #tpu.memory_space<vmem>>, vector<1x1000x128xbf16>
    %get3A_3 = vector.shape_cast %get3A_2 : vector<1x1000x128xbf16> to vector<1000x128xbf16>
    %convert_element_type3A = arith.extf %get3A_3 : vector<1000x128xbf16> to vector<1000x128xf32>
    %add3A = arith.constant 0.000000e+00 : f32
    %add3A_4 = vector.broadcast %add3A : f32 to vector<1000x128xf32>
    %add3A_5 = arith.addf %add3A_4, %convert_element_type3A : vector<1000x128xf32>
    %get3A_6 = arith.constant 1 : index
    %get3A_7 = arith.constant 0 : index
    %get3A_8 = arith.constant 0 : index
    %get3A_9 = vector.load %arg1[%get3A_6, %get3A_7, %get3A_8] : memref<4x1000x128xbf16, #tpu.memory_space<vmem>>, vector<1x1000x128xbf16>
    %get3A_10 = vector.shape_cast %get3A_9 : vector<1x1000x128xbf16> to vector<1000x128xbf16>
    %convert_element_type3A_11 = arith.extf %get3A_10 : vector<1000x128xbf16> to vector<1000x128xf32>
    %add3A_12 = arith.addf %add3A_5, %convert_element_type3A_11 : vector<1000x128xf32>
    %get3A_13 = arith.constant 2 : index
    %get3A_14 = arith.constant 0 : index
    %get3A_15 = arith.constant 0 : index
    %get3A_16 = vector.load %arg1[%get3A_13, %get3A_14, %get3A_15] : memref<4x1000x128xbf16, #tpu.memory_space<vmem>>, vector<1x1000x128xbf16>
    %get3A_17 = vector.shape_cast %get3A_16 : vector<1x1000x128xbf16> to vector<1000x128xbf16>
    %convert_element_type3A_18 = arith.extf %get3A_17 : vector<1000x128xbf16> to vector<1000x128xf32>
    %add3A_19 = arith.addf %add3A_12, %convert_element_type3A_18 : vector<1000x128xf32>
    %get3A_20 = arith.constant 3 : index
    %get3A_21 = arith.constant 0 : index
    %get3A_22 = arith.constant 0 : index
    %get3A_23 = vector.load %arg1[%get3A_20, %get3A_21, %get3A_22] : memref<4x1000x128xbf16, #tpu.memory_space<vmem>>, vector<1x1000x128xbf16>
    %get3A_24 = vector.shape_cast %get3A_23 : vector<1x1000x128xbf16> to vector<1000x128xbf16>
    %convert_element_type3A_25 = arith.extf %get3A_24 : vector<1000x128xbf16> to vector<1000x128xf32>
    %add3A_26 = arith.addf %add3A_19, %convert_element_type3A_25 : vector<1000x128xf32>
    %get3A_27 = arith.constant 0 : index
    %get3A_28 = arith.constant 0 : index
    %get3A_29 = arith.constant 0 : index
    %get3A_30 = vector.load %arg2[%get3A_27, %get3A_28, %get3A_29] : memref<4x1000x16xbf16, #tpu.memory_space<vmem>>, vector<1x1000x1xbf16>
    %get3A_31 = vector.shape_cast %get3A_30 : vector<1x1000x1xbf16> to vector<1000x1xbf16>
    %convert_element_type3A_32 = arith.extf %get3A_31 : vector<1000x1xbf16> to vector<1000x1xf32>
    %add3A_33 = arith.constant 0.000000e+00 : f32
    %add3A_34 = vector.broadcast %add3A_33 : f32 to vector<1000x1xf32>
    %add3A_35 = arith.addf %add3A_34, %convert_element_type3A_32 : vector<1000x1xf32>
    %get3A_36 = arith.constant 1 : index
    %get3A_37 = arith.constant 0 : index
    %get3A_38 = arith.constant 0 : index
    %get3A_39 = vector.load %arg2[%get3A_36, %get3A_37, %get3A_38] : memref<4x1000x16xbf16, #tpu.memory_space<vmem>>, vector<1x1000x1xbf16>
    %get3A_40 = vector.shape_cast %get3A_39 : vector<1x1000x1xbf16> to vector<1000x1xbf16>
    %convert_element_type3A_41 = arith.extf %get3A_40 : vector<1000x1xbf16> to vector<1000x1xf32>
    %add3A_42 = arith.addf %add3A_35, %convert_element_type3A_41 : vector<1000x1xf32>
    %get3A_43 = arith.constant 2 : index
    %get3A_44 = arith.constant 0 : index
    %get3A_45 = arith.constant 0 : index
    %get3A_46 = vector.load %arg2[%get3A_43, %get3A_44, %get3A_45] : memref<4x1000x16xbf16, #tpu.memory_space<vmem>>, vector<1x1000x1xbf16>
    %get3A_47 = vector.shape_cast %get3A_46 : vector<1x1000x1xbf16> to vector<1000x1xbf16>
    %convert_element_type3A_48 = arith.extf %get3A_47 : vector<1000x1xbf16> to vector<1000x1xf32>
    %add3A_49 = arith.addf %add3A_42, %convert_element_type3A_48 : vector<1000x1xf32>
    %get3A_50 = arith.constant 3 : index
    %get3A_51 = arith.constant 0 : index
    %get3A_52 = arith.constant 0 : index
    %get3A_53 = vector.load %arg2[%get3A_50, %get3A_51, %get3A_52] : memref<4x1000x16xbf16, #tpu.memory_space<vmem>>, vector<1x1000x1xbf16>
    %get3A_54 = vector.shape_cast %get3A_53 : vector<1x1000x1xbf16> to vector<1000x1xbf16>
    %convert_element_type3A_55 = arith.extf %get3A_54 : vector<1000x1xbf16> to vector<1000x1xf32>
    %add3A_56 = arith.addf %add3A_49, %convert_element_type3A_55 : vector<1000x1xf32>
    %max3A = arith.constant 1.000000e+00 : f32
    %max3A_57 = vector.broadcast %max3A : f32 to vector<1000x1xf32>
    %max3A_58 = arith.maximumf %add3A_56, %max3A_57 : vector<1000x1xf32>
    %div3A = vector.broadcast %max3A_58 : vector<1000x1xf32> to vector<1000x128xf32>
    %div3A_59 = arith.divf %add3A_26, %div3A : vector<1000x128xf32>
    %get3A_60 = arith.constant 0 : index
    %get3A_61 = arith.constant 0 : index
    %get3A_62 = vector.load %arg4[%get3A_60, %get3A_61] : memref<128x128xf32, #tpu.memory_space<vmem>>, vector<128x128xf32>
    %dot_general3A = arith.constant dense<0.000000e+00> : vector<1000x128xf32>
    %dot_general3A_63 = tpu.matmul %div3A_59, %get3A_62, %dot_general3A {dimension_numbers = #tpu.dot_dimension_numbers<[1], [0], [0], [1], [0, 0, 1, 1], [], []>, transpose_lhs_hint = false} : vector<1000x128xf32>, vector<128x128xf32>, vector<1000x128xf32> -> vector<1000x128xf32>
    %get3A_64 = arith.constant 0 : index
    %get3A_65 = arith.constant 0 : index
    %get3A_66 = vector.load %arg3[%get3A_64, %get3A_65] : memref<1000x128xf32, #tpu.memory_space<vmem>>, vector<1000x128xf32>
    %get3A_67 = arith.constant 0 : index
    %get3A_68 = arith.constant 0 : index
    %get3A_69 = vector.load %arg5[%get3A_67, %get3A_68] : memref<128x128xf32, #tpu.memory_space<vmem>>, vector<128x128xf32>
    %dot_general3A_70 = arith.constant dense<0.000000e+00> : vector<1000x128xf32>
    %dot_general3A_71 = tpu.matmul %get3A_66, %get3A_69, %dot_general3A_70 {dimension_numbers = #tpu.dot_dimension_numbers<[1], [0], [0], [1], [0, 0, 1, 1], [], []>, transpose_lhs_hint = false} : vector<1000x128xf32>, vector<128x128xf32>, vector<1000x128xf32> -> vector<1000x128xf32>
    %add3A_72 = arith.addf %dot_general3A_63, %dot_general3A_71 : vector<1000x128xf32>
    %get3A_73 = arith.constant 0 : index
    %get3A_74 = arith.constant 0 : index
    %get3A_75 = vector.load %arg6[%get3A_73, %get3A_74] : memref<1x128xf32, #tpu.memory_space<vmem>>, vector<1x128xf32>
    %add3A_76 = vector.broadcast %get3A_75 : vector<1x128xf32> to vector<1000x128xf32>
    %add3A_77 = arith.addf %add3A_72, %add3A_76 : vector<1000x128xf32>
    %max3A_78 = arith.constant 0.000000e+00 : f32
    %max3A_79 = vector.broadcast %max3A_78 : f32 to vector<1000x128xf32>
    %max3A_80 = arith.maximumf %add3A_77, %max3A_79 : vector<1000x128xf32>
    %get3A_81 = arith.constant 0 : index
    %get3A_82 = arith.constant 0 : index
    %get3A_83 = vector.load %arg7[%get3A_81, %get3A_82] : memref<128x1xf32, #tpu.memory_space<vmem>>, vector<128x1xf32>
    %dot_general3A_84 = arith.constant dense<0.000000e+00> : vector<1000x1xf32>
    %dot_general3A_85 = tpu.matmul %max3A_80, %get3A_83, %dot_general3A_84 {dimension_numbers = #tpu.dot_dimension_numbers<[1], [0], [0], [1], [0, 0, 1, 1], [], []>, transpose_lhs_hint = false} : vector<1000x128xf32>, vector<128x1xf32>, vector<1000x1xf32> -> vector<1000x1xf32>
    %get3A_86 = arith.constant 0 : index
    %get3A_87 = arith.constant 0 : index
    %get3A_88 = vector.load %arg8[%get3A_86, %get3A_87] : memref<1x1xf32, #tpu.memory_space<vmem>>, vector<1x1xf32>
    %add3A_89 = vector.broadcast %get3A_88 : vector<1x1xf32> to vector<1000x1xf32>
    %add3A_90 = arith.addf %dot_general3A_85, %add3A_89 : vector<1000x1xf32>
    %swap3A = arith.constant 0 : index
    %swap3A_91 = arith.constant 0 : index
    %swap3A_92 = vector.load %arg9[%swap3A, %swap3A_91] : memref<1000x1xf32, #tpu.memory_space<vmem>>, vector<1000x1xf32>
    tpu.vector_store %arg9[%swap3A, %swap3A_91], %add3A_90 {strides = array<i32>} : memref<1000x1xf32, #tpu.memory_space<vmem>>, vector<1000x1xf32>,
    return
  }
  func.func @transform_0(%arg0: i32) -> (i32, i32, i32) {
    %c0_i32 = arith.constant 0 : i32
    %c0_i32_0 = arith.constant 0 : i32
    %c0_i32_1 = arith.constant 0 : i32
    return %c0_i32, %arg0, %c0_i32_0 : i32, i32, i32
  }
  func.func @transform_1(%arg0: i32) -> (i32, i32, i32) {
    %c0_i32 = arith.constant 0 : i32
    %c0_i32_0 = arith.constant 0 : i32
    %c0_i32_1 = arith.constant 0 : i32
    return %c0_i32, %arg0, %c0_i32_0 : i32, i32, i32
  }
  func.func @transform_2(%arg0: i32) -> (i32, i32) {
    %c0_i32 = arith.constant 0 : i32
    %c0_i32_0 = arith.constant 0 : i32
    return %arg0, %c0_i32 : i32, i32
  }
  func.func @transform_3(%arg0: i32) -> (i32, i32) {
    %c0_i32 = arith.constant 0 : i32
    %c0_i32_0 = arith.constant 0 : i32
    %c0_i32_1 = arith.constant 0 : i32
    return %c0_i32, %c0_i32_0 : i32, i32
  }
  func.func @transform_4(%arg0: i32) -> (i32, i32) {
    %c0_i32 = arith.constant 0 : i32
    %c0_i32_0 = arith.constant 0 : i32
    %c0_i32_1 = arith.constant 0 : i32
    return %c0_i32, %c0_i32_0 : i32, i32
  }
  func.func @transform_5(%arg0: i32) -> (i32, i32) {
    %c0_i32 = arith.constant 0 : i32
    %c0_i32_0 = arith.constant 0 : i32
    %c0_i32_1 = arith.constant 0 : i32
    return %c0_i32, %c0_i32_0 : i32, i32
  }
  func.func @transform_6(%arg0: i32) -> (i32, i32) {
    %c0_i32 = arith.constant 0 : i32
    %c0_i32_0 = arith.constant 0 : i32
    %c0_i32_1 = arith.constant 0 : i32
    return %c0_i32, %c0_i32_0 : i32, i32
  }
  func.func @transform_7(%arg0: i32) -> (i32, i32) {
    %c0_i32 = arith.constant 0 : i32
    %c0_i32_0 = arith.constant 0 : i32
    %c0_i32_1 = arith.constant 0 : i32
    return %c0_i32, %c0_i32_0 : i32, i32
  }
  func.func @transform_8(%arg0: i32) -> (i32, i32) {
    %c0_i32 = arith.constant 0 : i32
    %c0_i32_0 = arith.constant 0 : i32
    return %arg0, %c0_i32 : i32, i32
  }
}

</mosaic_0001>

<sc_bundles>
// kernel: kernel.6.cloned.1.call-start
scs
__scs_entry_jumppad:
0x0: {  	(pc) =	sbr.rel $0x88, $3  }
0x1: {  	(tag) =	ssettag $0x0;
	lr =	simm.s32 $0x1  }
0x2: {  	[smem:$0x3F97] =	sst lr;
	_ =	strace $0xD0000000  }
0x3: {  	_ = 	snop  }
0x4: {  	_ = 	snop  }
0x5: {  	_ = 	snop  }
0x6: {  	_ = 	snop  }
0x7: {  	_ = 	snop  }
__scs_overlays_trampoline_lowered:
0x8: {  	[smem:$0x3FA6] =	sst s0  }
0x9: {  	[smem:$0x3FA7] =	sst s1  }
0xa: {  	[smem:$0x3FA8] =	sst s2  }
0xb: {  	[smem:$0x3FA9] =	sst s3  }
0xc: {  	[smem:$0x3FAA] =	sst s4  }
0xd: {  	[smem:$0x3FAB] =	sst s5  }
0xe: {  	[smem:$0x3FAC] =	sst s6  }
0xf: {  	[smem:$0x3FAD] =	sst s7  }
0x10: {  	[smem:$0x3FAE] =	sst s8  }
0x11: {  	[smem:$0x3FAF] =	sst s9;
	s0 =	simm.s32 @!p0 $0x0  }
0x12: {  	s1 =	sld [smem:$0x3F95];
	s0 =	simm.s32 @p0 $0x1  }
0x13: {  	[smem:$0x3FB0] =	sst s0;
	s0 =	simm.s32 @!p1 $0x0  }
0x14: {  	s2 =	sld [smem:$0x3F94];
	s0 =	simm.s32 @p1 $0x1  }
0x15: {  	[smem:$0x3FB1] =	sst s0;
	s0 =	simm.s32 @!p2 $0x0  }
0x16: {  	s3 =	sld [smem:$0x3FDB];
	s0 =	simm.s32 @p2 $0x1  }
0x17: {  	s4 =	simm.s32 $0x1BF5;
	[smem:$0x3FB3] =	sst s0  }
0x18: {  	s0 =	sld [smem:$0x3F96];
	_ =	swait.ge [sflag:s4], $0x0  }
0x19: {  	s7 =	sld [smem:$0x3F97]  }
0x1a: {  	s8 =	sadd.s32 $0xFFFFE003, lr  }
0x1b: {  	s9 =	sadd.s32 $0xFFFFFEF7, lr;
	s5 =	simm.s32 $0xFFFFFFFF;
	p2 =	slt.u32 s8, $0xFFFFF086  }
0x1c: {  	p1 =	slt.u32 s9, $0xF7A;
	s5 =	simm.s32 @!p2 $0x0  }
0x1d: {  	s5 =	simm.s32 @p1 $0x1;
	p0 =	seq.s32 s7, s2  }
0x1e: {  	s7 =	smul.u32 @!p0 $0xF7A, s2;
	p2 =	seq.s32 @!p0 s5, $0x0  }
0x1f: {  	s9 =	smul.u32 $0xF7A, s1;
	s8 =	simm.s32 @!p0 $0x1BF5;
	p2 =	por !p2, p0  }
0x20: {  	[sflag:s8] =	ssyncset.s32 @!p0 $0xFFFFF086;
	s6 =	sadd.s32 @!p0 s3, s7;
	s7 =	simm.s32 @!p0 $0x108  }
0x21: {  	s3 =	sadd.s32 s3, s9;
	s6 =	sadd.s32 @!p0 $0x88, s6;
	s7 =	simm.s32 @p2 $0x1082  }
0x22: {  	[simem:s7], [sflag:s8] =	dma.local @!p0 [hbm:s6], $0xF7A  }
0x23: {  	s9 =	sor.u32 $0xD0000000, s2;
	s6 =	simm.s32 $0x108;
	_ =	swait.ge @!p0 [sflag:s8], $0x0  }
0x24: {  	s3 =	sadd.s32 $0x88, s3;
	s6 =	simm.s32 @!p1 $0x1082;
	[sflag:s4] =	ssyncset.s32 $0xFFFFF086  }
0x25: {  	[simem:s6], [sflag:s4] =	dma.local [hbm:s3], $0xF7A  }
0x26: {  	[smem:$0x3F97] =	sst s1;
	(tag) =	ssettag s2;
	_ =	strace s9  }
0x27: {  	s1 =	sld [smem:$0x3FA7]  }
0x28: {  	s2 =	sld [smem:$0x3FA8]  }
0x29: {  	s4 =	sld [smem:$0x3FAA]  }
0x2a: {  	p0 =	seq.s32 s5, $0x0;
	s5 =	sld [smem:$0x3FAB]  }
0x2b: {  	s6 =	sld [smem:$0x3FAC]  }
0x2c: {  	s7 =	sld [smem:$0x3FAD]  }
0x2d: {  	s3 =	simm.s32 $0x108;
	s8 =	sld [smem:$0x3FAE]  }
0x2e: {  	s3 =	simm.s32 @!p0 $0x1082;
	s9 =	sld [smem:$0x3FAF]  }
0x2f: {  	lr =	sadd.s32 s0, s3;
	s0 =	sld [smem:$0x3FA6]  }
0x30: {  	s3 =	sld [smem:$0x3FA9]  }
0x31: {  	[smem:$0x3FB2] =	sst s10  }
0x32: {  	s10 =	sld [smem:$0x3FB0];
	_ =	sdelay $0x3  }
0x33: {  	p0 =	seq.s32 s10, $0x1;
	s10 =	sld [smem:$0x3FB2];
	_ =	sdelay $0x3  }
0x34: {  	[smem:$0x3FB2] =	sst s10  }
0x35: {  	s10 =	sld [smem:$0x3FB1];
	_ =	sdelay $0x3  }
0x36: {  	p1 =	seq.s32 s10, $0x1;
	s10 =	sld [smem:$0x3FB2];
	_ =	sdelay $0x3  }
0x37: {  	[smem:$0x3FB2] =	sst s10  }
0x38: {  	s10 =	sld [smem:$0x3FB3]  }
0x39: {  	_ = 	snop;
	(pc) =	sbr.ind lr, $3  }
0x3a: {  	_ = 	snop  }
0x3b: {  	_ = 	snop  }
0x3c: {  	p2 =	seq.s32 s10, $0x1;
	s10 =	sld [smem:$0x3FB2]  }
0x3d: {  	_ =	shalt  }
0x3e: {  	_ =	shalt  }
0x3f: {  	_ =	shalt  }
0x40: {  	_ =	shalt  }
0x41: {  	_ =	shalt  }
0x42: {  	_ =	shalt  }
0x43: {  	_ =	shalt  }
0x44: {  	_ =	shalt  }
0x45: {  	_ =	shalt  }
0x46: {  	_ =	shalt  }
0x47: {  	_ =	shalt  }
0x48: {  	_ =	shalt  }
0x49: {  	_ =	shalt  }
0x4a: {  	_ =	shalt  }
0x4b: {  	_ =	shalt  }
0x4c: {  	_ =	shalt  }
0x4d: {  	_ =	shalt  }
0x4e: {  	_ =	shalt  }
0x4f: {  	_ =	shalt  }
0x50: {  	_ =	shalt  }
0x51: {  	_ =	shalt  }
0x52: {  	_ =	shalt  }
0x53: {  	_ =	shalt  }
0x54: {  	_ =	shalt  }
0x55: {  	_ =	shalt  }
0x56: {  	_ =	shalt  }
0x57: {  	_ =	shalt  }
0x58: {  	_ =	shalt  }
0x59: {  	_ =	shalt  }
0x5a: {  	_ =	shalt  }
0x5b: {  	_ =	shalt  }
0x5c: {  	_ =	shalt  }
0x5d: {  	_ =	shalt  }
0x5e: {  	_ =	shalt  }
0x5f: {  	_ =	shalt  }
0x60: {  	_ =	shalt  }
0x61: {  	_ =	shalt  }
0x62: {  	_ =	shalt  }
0x63: {  	_ =	shalt  }
0x64: {  	_ =	shalt  }
0x65: {  	_ =	shalt  }
0x66: {  	_ =	shalt  }
0x67: {  	_ =	shalt  }
0x68: {  	_ =	shalt  }
0x69: {  	_ =	shalt  }
0x6a: {  	_ =	shalt  }
0x6b: {  	_ =	shalt  }
0x6c: {  	_ =	shalt  }
0x6d: {  	_ =	shalt  }
0x6e: {  	_ =	shalt  }
0x6f: {  	_ =	shalt  }
0x70: {  	_ =	shalt  }
0x71: {  	_ =	shalt  }
0x72: {  	_ =	shalt  }
0x73: {  	_ =	shalt  }
0x74: {  	_ =	shalt  }
0x75: {  	_ =	shalt  }
0x76: {  	_ =	shalt  }
0x77: {  	_ =	shalt  }
0x78: {  	_ =	shalt  }
0x79: {  	_ =	shalt  }
0x7a: {  	_ =	shalt  }
0x7b: {  	_ =	shalt  }
0x7c: {  	_ =	shalt  }
0x7d: {  	_ =	shalt  }
0x7e: {  	_ =	shalt  }
0x7f: {  	_ =	shalt  }
0x80: {  	_ =	shalt  }
0x81: {  	_ =	shalt  }
0x82: {  	_ =	shalt  }
0x83: {  	_ =	shalt  }
0x84: {  	_ =	shalt  }
0x85: {  	_ =	shalt  }
0x86: {  	_ =	shalt  }
0x87: {  	_ =	shalt  }
.Lfunc_end0:
.L_simem_size_0:
called_computation_lowered:
.L_overlay_start_0:
0x88: {  	s2 =	sld [smem:$0x3FD9]  }
0x89: {  	s3 =	sld [smem:$0x3FFE];
	_ =	sdelay $0x1  }
0x8a: {  	s1 =	srdreg.scid  }
0x8b: {  	s0 =	sand.u32 $0x1, s1  }
0x8c: {  	s17 =	sshll.u32 s0, $0xA;
	s2 =	sadd.s32 s3, s2  }
0x8d: {  	s2 =	sadd.s32 s2, s17  }
0x8e: {  	[smem:$0x3FBE] =	sst s2  }
0x8f: {  	_ = 	snop  }
0x90: {  	s2 =	sld [smem:$0x3FD0];
	(tm) =	ssettm $0x1  }
0x91: {  	s18 =	sld [smem:$0x3FFB];
	_ =	sdelay $0x3  }
0x92: {  	_ =	strace s18  }
0x93: {  	s3 =	sld [smem:$0x3FFC];
	_ =	sdelay $0x3  }
0x94: {  	_ =	strace s3  }
0x95: {  	s3 =	sld [smem:$0x3FFD];
	_ =	sdelay $0x3  }
0x96: {  	_ =	strace s3  }
0x97: {  	_ =	strace $0x8FFFFFFF  }
0x98: {  	s19 =	sld [smem:$0x3FDB];
	_ =	sdelay $0x1  }
0x99: {  	s4 =	simm.s32 $_scs_section_size  }
0x9a: {  	s5 =	simm.s32 $_size__tile_overlayer_lowered;
	s6 =	simm.s32 $_tile_overlayer_lowered  }
0x9b: {  	s22 =	simm.s32 $0x1BFF;
	s21 =	sshll.u32 s6, $0x1;
	s3 =	sadd.s32 s4, s19  }
0x9c: {  	s7 =	simm.s32 $0x0;
	s20 =	sshll.u32 s5, $0x1;
	s5 =	sadd.s32 s21, s3  }
0x9d: {  	[timem:s7], [sflag:s22] =	dma.local [hbm:s5], s20  }
0x9e: {  	_ =	swait.ge [sflag:s22], s20  }
0x9f: {  	s4 =	ssub.s32 $0x0, s20;
	[sflag:s22] =	ssyncset.done $0x0  }
0xa0: {  	[sflag:s22] =	ssyncadd.s32 s4;
	_ =	sdelay $0x1  }
0xa1: {  	s23 =	simm.s32 $0x1B8B  }
0xa2: {  	_ =	swait.ge [sflag:s23], $0x1  }
0xa3: {  	[sflag:s23] =	ssyncset.done $0x0  }
0xa4: {  	s25 =	simm.s32 $0x1B8E;
	s24 =	sld [smem:$0x3FFE];
	[sflag:s23] =	ssyncadd.s32 $0xFFFFFFFF  }
0xa5: {  	s26 =	simm.s32 $execute0_lowered;
	[smem:$0x3FD2] =	sst s25  }
0xa6: {  	s5 =	sshll.u32 s26, $0x1;
	_ =	strace $0x80000046;
	[dreg:$0x1] =	wrdreg $0xFFFFFFFF  }
0xa7: {  	s28 =	simm.s32 $_size_execute0_lowered;
	s3 =	sadd.s32 s3, s5;
	[dreg:$0x0] =	wrdreg $0x0  }
0xa8: {  	s5 =	sshll.u32 s28, $0x1;
	[dreg:$0x2] =	wrdreg s3  }
0xa9: {  	[dreg:$0x3] =	wrdreg s5  }
0xaa: {  	[dreg:$0x4] =	wrdreg $0xC0  }
0xab: {  	_ =	task [dreg:s7], $0x5FFFF  }
0xac: {  	[dreg:$0x1] =	wrdreg $0xFFFFFFFF  }
0xad: {  	[dreg:$0x0] =	wrdreg $0x60  }
0xae: {  	[dreg:$0x2] =	wrdreg s24  }
0xaf: {  	[dreg:$0x3] =	wrdreg s2  }
0xb0: {  	[dreg:$0x4] =	wrdreg $0x90000  }
0xb1: {  	[dreg:$0x5] =	wrdreg $0x12E000  }
0xb2: {  	[dreg:$0x6] =	wrdreg $0x1D0000  }
0xb3: {  	[dreg:$0x7] =	wrdreg $0x1E3C00  }
0xb4: {  	[dreg:$0x8] =	wrdreg $0x9  }
0xb5: {  	_ =	task.clear_ibuf [dreg:s7], $0x9FFFF;
	_ =	strace $0x90000046  }
0xb6: {  	s29 =	simm.s32 $0x9;
	_ =	strace $0x80000048  }
0xb7: {  	_ =	swait.ge [sflag:s29], $0x1  }
0xb8: {  	[sflag:s29] =	ssyncadd.s32 $0xFFFFFFFF  }
0xb9: {  	_ =	strace $0x90000048  }
0xba: {  	_ =	sfence  }
0xbb: {  	s30 =	sld [smem:$0x0];
	_ =	sdelay $0x2  }
0xbc: {  	s31 =	sshll.u32 s1, $0xD;
	s1 =	sshrl.u32 s1, $0x2  }
0xbd: {  	s3 =	sand.u32 $0x4000, s31;
	s1 =	sadd.s32 s1, s30  }
0xbe: {  	s0 =	sor.u32 s3, s0;
	s1 =	sshll.u32 s1, $0x11  }
0xbf: {  	s0 =	sor.u32 s1, s0  }
0xc0: {  	s0 =	sadd.s32 $0x8F2B, s0  }
0xc1: {  	[sflag:s0] =	ssyncadd.remote.s32 $0x1  }
0xc2: {  	_ =	sfence.sel $0xFFFF  }
0xc3: {  	[dreg:$0x0] =	wrdreg $0xFFFFFFFF;
	(pc) =	sbr.abs _section_cstart, $3  }
0xc4: {  	[dreg:$0x1] =	wrdreg $0xFFFFFFFF  }
0xc5: {  	_ =	task.clear_ibuf [dreg:s7], $0x2FFFF;
	_ =	strace $0x9FFFFFFF  }
0xc6: {  	(tm) =	ssettm $0x7FFFFFFF  }
0xc7: {  	_ =	shalt  }
tec
execute0_lowered:
.L_overlay_start_1:
0x0: {  	(tag) =	ssettag $0x1  }
0x1: {  	s0 =	rddreg [dreg:$0x0]  }
0x2: {  	s2 =	rddreg [dreg:$0x2]  }
0x3: {  	s3 =	rddreg [dreg:$0x3]  }
0x4: {  	s4 =	rddreg [dreg:$0x4]  }
0x5: {  	s5 =	rddreg [dreg:$0x5];
	s1 =	simm.s32 $0x0  }
0x6: {  	s22 =	srdreg.scid;
	s18 =	stileid.u32;
	s28 =	simm.s32 $0x1CC00  }
0x7: {  	s30 =	simm.s32 $0x80;
	s31 =	simm.s32 $0x1000;
	s29 =	simm.s32 $0x5000  }
0x8: {  	[smem:$0x7FF] =	sst s1;
	s7 =	sadd.s32 $0x2600, s0;
	s8 =	sadd.s32 $0x20200, s0  }
0x9: {  	s9 =	sadd.s32 $0x16200, s0;
	s6 =	sadd.s32 $0x1200, s0;
	s23 =	sadd.s32 $0x16000, s0  }
0xa: {  	s1 =	sand.u32 $0x1, s22;
	s24 =	sadd.s32 $0x34000, s0;
	s13 =	smul.u32 $0x13C00, s18  }
0xb: {  	s0 =	sadd.s32 $0x2A200, s0;
	s26 =	sshll.u32 s18, $0x6;
	_ =	strace $0x80000047  }
0xc: {  	[dreg:$0x7] =	wrdreg s6;
	s10 =	ssub.s32 $0x2, s1;
	s15 =	smul.u32 $0x278000, s1  }
0xd: {  	s12 =	sshll.u32 s1, $0x4;
	s16 =	sshllo.u32 s1, $0x1;
	s1 =	smul.u32 $0x4F000, s1  }
0xe: {  	[dreg:$0x8] =	wrdreg s23;
	s11 =	sshrl.u32 s10, $0x1;
	s17 =	smul.u32 $0x13C000, s16  }
0xf: {  	s25 =	sshrl.u32 s13, $0x1;
	s16 =	smul.u32 $0x27800, s16;
	s10 =	ssub.s32 s10, s11  }
0x10: {  	s11 =	sor.u32 s18, s12;
	s14 =	sadd.s32 s25, s2;
	s12 =	sadd.s32 s25, s3  }
0x11: {  	s18 =	smul.u32 $0x2780, s18;
	s15 =	sadd.s32 s13, s15;
	[dreg:$0x9] =	wrdreg s14  }
0x12: {  	s14 =	sor.u32 $0x1C0A, s26;
	[dreg:$0xb] =	wrdreg s12;
	s13 =	sadd.s32 s13, s17  }
0x13: {  	s15 =	sshrl.u32 s15, $0x4;
	s22 =	smul.u32 $0x500, s11;
	s26 =	smax.u32 s10, $0x1  }
0x14: {  	s10 =	simm.s32 $0x1;
	s12 =	simm.s32 $0x7000;
	s17 =	simm.s32 $0x6  }
0x15: {  	s13 =	sshrl.u32 s13, $0x4;
	s19 =	sshrl.u32 s18, $0x1;
	s15 =	sadd.s32 s24, s15  }
0x16: {  	s1 =	sadd.s32 s18, s1;
	s21 =	sadd.s32 s18, s16;
	[dreg:$0x14] =	wrdreg s26  }
0x17: {  	s26 =	simm.s32 $0xA;
	s16 =	simm.s32 $0x4;
	[dreg:$0xa] =	wrdreg s14  }
0x18: {  	[dreg:$0xc] =	wrdreg s15;
	s6 =	sadd.s32 s24, s13;
	s20 =	sadd.s32 s19, s4  }
0x19: {  	s1 =	sshrl.u32 s1, $0x4;
	s23 =	sadd.s32 s19, s5;
	[dreg:$0xd] =	wrdreg s6  }
0x1a: {  	s24 =	sadd.s32 s8, s22;
	s25 =	sadd.s32 s9, s22;
	[dreg:$0xe] =	wrdreg s20  }
.Ltmp0:
0x1b: {  	s13 =	simm.s32 $0x3;
	[dreg:$0xf] =	wrdreg s23;
	(pc) =	sbr.rel .LBB2_1-.Ltmp0, $4  }
0x1c: {  	s15 =	simm.s32 $0x5;
	s6 =	sshrl.u32 s21, $0x4;
	[dreg:$0x12] =	wrdreg s24  }
0x1d: {  	s1 =	sadd.s32 s0, s1;
	[dreg:$0x13] =	wrdreg s25;
	s24 =	smul.u32 $0x2800, s11  }
0x1e: {  	s20 =	simm.s32 $0x0;
	[dreg:$0x10] =	wrdreg s1;
	s0 =	sadd.s32 s0, s6  }
0x1f: {  	s1 =	simm.s32 $0x2;
	[dreg:$0x11] =	wrdreg s0;
	s0 =	simm.s32 $0x3000  }
.LBB2_4:
0x20: {  	s6 =	simm.s32 $0x7  }
0x21: {  	_ =	swait.ge [sflag:s6], $0x2000  }
0x22: {  	[sflag:s6] =	ssyncset.done $0x0  }
0x23: {  	[sflag:s6] =	ssyncadd.s32 $0xFFFFE000  }
0x24: {  	_ =	swait.ge [sflag:s6], $0x400  }
0x25: {  	[sflag:s6] =	ssyncset.done $0x0  }
0x26: {  	s23 =	simm.s32 $0x8;
	[sflag:s6] =	ssyncadd.s32 $0xFFFFFC00  }
0x27: {  	_ =	swait.ge [sflag:s23], $0x2000  }
0x28: {  	[sflag:s23] =	ssyncset.done $0x0  }
0x29: {  	[sflag:s23] =	ssyncadd.s32 $0xFFFFE000  }
0x2a: {  	_ =	swait.ge [sflag:s23], $0x400  }
0x2b: {  	[sflag:s23] =	ssyncset.done $0x0  }
0x2c: {  	[sflag:s23] =	ssyncadd.s32 $0xFFFFFC00  }
0x2d: {  	[bflag:$0x0] =	sbarrier.arrive $0xFFFF  }
0x2e: {  	s14 =	rddreg [dreg:$0xa]  }
0x2f: {  	s25 =	rddreg [dreg:$0xc]  }
0x30: {  	s11 =	rddreg [dreg:$0x16]  }
0x31: {  	[hbm:s25], [sflag:s14] =	dma.local [spmem:s11], $0x13C0  }
0x32: {  	_ =	swait.ge [sflag:s26], $0x13C0  }
0x33: {  	[sflag:s26] =	ssyncset.done $0x0;
	s11 =	rddreg [dreg:$0x10]  }
0x34: {  	s18 =	rddreg [dreg:$0x18];
	[sflag:s26] =	ssyncadd.s32 $0xFFFFEC40  }
0x35: {  	[hbm:s11], [sflag:s14] =	dma.local [spmem:s18], $0x278  }
0x36: {  	_ =	swait.ge [sflag:s26], $0x278  }
0x37: {  	[sflag:s26] =	ssyncset.done $0x0;
	s19 =	rddreg [dreg:$0xd]  }
0x38: {  	s21 =	rddreg [dreg:$0x15];
	[sflag:s26] =	ssyncadd.s32 $0xFFFFFD88  }
0x39: {  	[hbm:s19], [sflag:s14] =	dma.local [spmem:s21], $0x13C0  }
0x3a: {  	_ =	swait.ge [sflag:s26], $0x13C0  }
0x3b: {  	[sflag:s26] =	ssyncset.done $0x0;
	s22 =	rddreg [dreg:$0x11]  }
0x3c: {  	s23 =	rddreg [dreg:$0x17];
	[sflag:s26] =	ssyncadd.s32 $0xFFFFEC40  }
0x3d: {  	[hbm:s22], [sflag:s14] =	dma.local [spmem:s23], $0x278  }
0x3e: {  	_ =	swait.ge [sflag:s26], $0x278  }
0x3f: {  	s20 =	sadd.s32 $0x1, s20;
	s25 =	rddreg [dreg:$0x14]  }
0x40: {  	p0 =	sne.s32 s20, s25  }
.Ltmp1:
0x41: {  	_ = 	snop;
	(pc) =	sbr.rel @!p0 .LBB2_5-.Ltmp1, $3  }
0x42: {  	_ =	sdelay $0x1  }
0x43: {  	[sflag:s26] =	ssyncset.done $0x0  }
0x44: {  	[sflag:s26] =	ssyncadd.s32 $0xFFFFFD88  }
.LBB2_1:
0x45: {  	s6 =	rddreg [dreg:$0x9]  }
0x46: {  	s19 =	rddreg [dreg:$0x7];
	s11 =	sshrl.u32 s6, $0x3  }
0x47: {  	[dreg:$0x16] =	wrdreg s11  }
0x48: {  	[spmem:s11], [sflag:s14] =	dma.local [hbm:s19], $0x13C0  }
0x49: {  	_ =	swait.ge [sflag:s26], $0x13C0  }
0x4a: {  	s21 =	rddreg [dreg:$0xb]  }
0x4b: {  	[sflag:s26] =	ssyncset.done $0x0;
	s11 =	sshrl.u32 s21, $0x3  }
0x4c: {  	[sflag:s26] =	ssyncadd.s32 $0xFFFFEC40;
	[dreg:$0x15] =	wrdreg s11  }
0x4d: {  	[spmem:s11], [sflag:s14] =	dma.local [hbm:s19], $0x13C0  }
0x4e: {  	_ =	swait.ge [sflag:s26], $0x13C0  }
0x4f: {  	[sflag:s26] =	ssyncset.done $0x0  }
0x50: {  	s22 =	rddreg [dreg:$0xe];
	[sflag:s26] =	ssyncadd.s32 $0xFFFFEC40  }
0x51: {  	s23 =	sshrl.u32 s22, $0x3;
	s25 =	rddreg [dreg:$0x1]  }
0x52: {  	[dreg:$0x18] =	wrdreg s23  }
0x53: {  	[spmem:s23], [sflag:s14] =	dma.local [hbm:s25], $0x278  }
0x54: {  	_ =	swait.ge [sflag:s26], $0x278  }
0x55: {  	s18 =	rddreg [dreg:$0xf]  }
0x56: {  	[sflag:s26] =	ssyncset.done $0x0;
	s11 =	sshrl.u32 s18, $0x3  }
0x57: {  	[sflag:s26] =	ssyncadd.s32 $0xFFFFFD88;
	[dreg:$0x17] =	wrdreg s11  }
0x58: {  	[spmem:s11], [sflag:s14] =	dma.local [hbm:s25], $0x278  }
0x59: {  	_ =	swait.ge [sflag:s26], $0x278  }
0x5a: {  	[sflag:s26] =	ssyncset.done $0x0  }
0x5b: {  	s19 =	simm.s32 $0x0;
	s21 =	rddreg [dreg:$0x8];
	[sflag:s26] =	ssyncadd.s32 $0xFFFFFD88  }
0x5c: {  	[tilespmem:s28], [sflag:$0xA] =	stream.linear.gather [hbm4b:s21+s19], $0x400, $0x38;
	[tilespmem:$0x1F780] =	vst v63  }
0x5d: {  	_ =	swait.ge [sflag:s26], $0x400  }
0x5e: {  	[sflag:s26] =	ssyncset.done $0x0  }
0x5f: {  	s22 =	rddreg [dreg:$0x12];
	[sflag:s26] =	ssyncadd.s32 $0xFFFFFC00  }
0x60: {  	[tilespmem:s19], [sflag:$0xA] =	stream.linear.gather [hbm4b:s22+s19], $0x400, $0x38;
	[tilespmem:$0x1F780] =	vst v63  }
0x61: {  	_ =	swait.ge [sflag:s26], $0x400  }
0x62: {  	[sflag:s26] =	ssyncset.done $0x0  }
0x63: {  	s25 =	simm.s32 $0x800;
	s23 =	rddreg [dreg:$0x13];
	[sflag:s26] =	ssyncadd.s32 $0xFFFFFC00  }
0x64: {  	[tilespmem:s25], [sflag:$0xA] =	stream.linear.gather [hbm4b:s23+s19], $0x400, $0x38;
	[tilespmem:$0x1F780] =	vst v63  }
0x65: {  	_ =	swait.ge [sflag:s26], $0x400  }
0x66: {  	[sflag:s26] =	ssyncset.done $0x0  }
0x67: {  	[sflag:s26] =	ssyncadd.s32 $0xFFFFFC00  }
0x68: {  	[bflag:$0x0] =	sbarrier.arrive $0xFFFF  }
0x69: {  	[tilespmem:s31], [sflag:$0x1] =	stream.indirect.gather [hbm4b:s7+s30], $0x40, s19, s30, $0xb8;
	[tilespmem:$0x1F780] =	vst v63  }
0x6a: {  	s6 =	simm.s32 $0x1;
	s18 =	simm.s32 $0x0;
	s11 =	simm.s32 $0x0  }
0x6b: {  	[tilespmem:s0], [sflag:$0x2] =	stream.indirect.gather [hbm4b:s7+s30], $0x40, s30, s30, $0xb8;
	[tilespmem:$0x1F780] =	vst v63  }
.LBB2_2:
0x6c: {  	_ =	swait.ge [sflag:s10], $0x2000  }
0x6d: {  	p0 =	seq.s32 s11, $0x0;
	[sflag:s10] =	ssyncset.done $0x0  }
0x6e: {  	s19 =	simm.s32 @!p0 $0x7;
	[sflag:s10] =	ssyncadd.s32 $0xFFFFE000  }
0x6f: {  	_ =	swait.ge @!p0 [sflag:s19], $0x2000  }
0x70: {  	[sflag:s19] =	ssyncset.done @!p0 $0x0  }
0x71: {  	[sflag:s19] =	ssyncadd.s32 @!p0 $0xFFFFE000  }
0x72: {  	_ =	swait.ge @!p0 [sflag:s19], $0x400  }
0x73: {  	s21 =	sand.u32 $0x600, s11;
	[sflag:s19] =	ssyncset.done @!p0 $0x0  }
0x74: {  	s23 =	sor.u32 $0x800, s21;
	[sflag:s19] =	ssyncadd.s32 @!p0 $0xFFFFFC00  }
0x75: {  	[spmem:s2] =	stream.indirect.scatter.add.bf16 [tilespmem:s31], [sflag:$0x5], $0x40, s23, s30, $0xb8;
	[tilespmem:$0x1F780] =	vst v63  }
0x76: {  	_ = 	snop  }
0x77: {  	[spmem:s4] =	stream.indirect.scatter.add.bf16 [tilespmem:s28], [sflag:$0x5], $0x8, s23, s30, $0xb8;
	[tilespmem:$0x1F780] =	vst v63  }
0x78: {  	s19 =	sor.u32 $0x100, s21  }
0x79: {  	[tilespmem:s29], [sflag:$0x3] =	stream.indirect.gather [hbm4b:s7+s30], $0x40, s19, s30, $0xb8;
	[tilespmem:$0x1F780] =	vst v63  }
0x7a: {  	_ =	swait.ge [sflag:s1], $0x2000  }
0x7b: {  	[sflag:s1] =	ssyncset.done $0x0  }
0x7c: {  	s22 =	simm.s32 @!p0 $0x8;
	[sflag:s1] =	ssyncadd.s32 $0xFFFFE000  }
0x7d: {  	_ =	swait.ge @!p0 [sflag:s22], $0x2000  }
0x7e: {  	[sflag:s22] =	ssyncset.done @!p0 $0x0  }
0x7f: {  	[sflag:s22] =	ssyncadd.s32 @!p0 $0xFFFFE000  }
0x80: {  	s23 =	sadd.s32 $0x80, s11;
	_ =	swait.ge @!p0 [sflag:s22], $0x400  }
0x81: {  	s14 =	sand.u32 $0x5, s6;
	s23 =	sand.u32 $0x680, s23;
	[sflag:s22] =	ssyncset.done @!p0 $0x0  }
0x82: {  	s25 =	sor.u32 $0x800, s23;
	[sflag:s22] =	ssyncadd.s32 @!p0 $0xFFFFFC00;
	p0 =	sne.s32 s14, $0x1  }
0x83: {  	[spmem:s3] =	stream.indirect.scatter.add.bf16 [tilespmem:s0], [sflag:$0x6], $0x40, s25, s30, $0xb8;
	[tilespmem:$0x1F780] =	vst v63  }
0x84: {  	p1 =	sgt.u32 @!p0 s18, $0x11  }
0x85: {  	p0 =	por p1, p0  }
0x86: {  	[spmem:s5] =	stream.indirect.scatter.add.bf16 [tilespmem:s28], [sflag:$0x6], $0x8, s25, s30, $0xb8;
	[tilespmem:$0x1F780] =	vst v63  }
0x87: {  	s22 =	sand.u32 @!p0 $0x3C00, s11  }
0x88: {  	s21 =	sor.u32 $0x180, s21;
	s22 =	sadd.s32 @!p0 $0x400, s22  }
0x89: {  	[tilespmem:s12], [sflag:$0x4] =	stream.indirect.gather [hbm4b:s7+s30], $0x40, s21, s30, $0xb8;
	[tilespmem:$0x1F780] =	vst v63  }
0x8a: {  	s23 =	sadd.s32 @!p0 s24, s22  }
0x8b: {  	s23 =	sshrl.u32 @!p0 s23, $0x3  }
0x8c: {  	s14 =	simm.s32 @!p0 $0x0;
	s22 =	sand.u32 @!p0 $0x400, s22;
	s25 =	sadd.s32 @!p0 s8, s23  }
0x8d: {  	[tilespmem:s22], [sflag:$0x9] =	stream.linear.gather @!p0 [hbm4b:s25+s14], $0x400, $0x38;
	[tilespmem:$0x1F780] =	vst v63  }
0x8e: {  	s23 =	sadd.s32 @!p0 s9, s23;
	s22 =	sor.u32 @!p0 $0x800, s22  }
0x8f: {  	[tilespmem:s22], [sflag:$0x9] =	stream.linear.gather @!p0 [hbm4b:s23+s14], $0x400, $0x38;
	[tilespmem:$0x1F780] =	vst v63  }
0x90: {  	_ =	swait.ge [sflag:s13], $0x2000  }
0x91: {  	[sflag:s13] =	ssyncset.done $0x0  }
0x92: {  	[sflag:s13] =	ssyncadd.s32 $0xFFFFE000  }
0x93: {  	_ =	swait.ge [sflag:s15], $0x2000  }
0x94: {  	[sflag:s15] =	ssyncset.done $0x0  }
0x95: {  	p0 =	seq.s32 s11, $0x2600;
	[sflag:s15] =	ssyncadd.s32 $0xFFFFE000  }
0x96: {  	s14 =	sand.u32 @!p0 $0x1, s18;
	_ =	swait.ge [sflag:s15], $0x400  }
0x97: {  	p1 =	seq.s32 @!p0 s14, $0x0;
	[sflag:s15] =	ssyncset.done $0x0  }
0x98: {  	s23 =	sor.u32 $0x800, s19;
	p1 =	por p1, p0;
	[sflag:s15] =	ssyncadd.s32 $0xFFFFFC00  }
0x99: {  	[spmem:s2] =	stream.indirect.scatter.add.bf16 [tilespmem:s29], [sflag:$0x7], $0x40, s23, s30, $0xb8;
	[tilespmem:$0x1F780] =	vst v63  }
0x9a: {  	s14 =	simm.s32 @!p1 $0x9  }
0x9b: {  	[spmem:s4] =	stream.indirect.scatter.add.bf16 [tilespmem:s28], [sflag:$0x7], $0x8, s23, s30, $0xb8;
	[tilespmem:$0x1F780] =	vst v63  }
0x9c: {  	_ =	swait.ge @!p1 [sflag:s14], $0x400  }
0x9d: {  	[sflag:s14] =	ssyncset.done @!p1 $0x0  }
0x9e: {  	[sflag:s14] =	ssyncadd.s32 @!p1 $0xFFFFFC00  }
0x9f: {  	_ =	swait.ge @!p1 [sflag:s14], $0x400  }
0xa0: {  	[sflag:s14] =	ssyncset.done @!p1 $0x0  }
0xa1: {  	[sflag:s14] =	ssyncadd.s32 @!p1 $0xFFFFFC00;
	s14 =	sadd.s32 @!p0 $0x200, s11  }
0xa2: {  	s19 =	simm.s32 @!p0 $0x80;
	s22 =	simm.s32 @!p0 $0x1000;
	s14 =	sand.u32 @!p0 $0x600, s14  }
0xa3: {  	[tilespmem:s22], [sflag:$0x1] =	stream.indirect.gather @!p0 [hbm4b:s7+s19], $0x40, s14, s19, $0xb8;
	[tilespmem:$0x1F780] =	vst v63  }
0xa4: {  	_ =	swait.ge [sflag:s16], $0x2000  }
0xa5: {  	[sflag:s16] =	ssyncset.done $0x0  }
0xa6: {  	[sflag:s16] =	ssyncadd.s32 $0xFFFFE000  }
0xa7: {  	_ =	swait.ge [sflag:s17], $0x2000  }
0xa8: {  	[sflag:s17] =	ssyncset.done $0x0  }
0xa9: {  	[sflag:s17] =	ssyncadd.s32 $0xFFFFE000  }
0xaa: {  	_ =	swait.ge [sflag:s17], $0x400  }
.Ltmp2:
0xab: {  	[sflag:s17] =	ssyncset.done $0x0;
	(pc) =	sbr.rel @p0 .LBB2_4-.Ltmp2, $4  }
0xac: {  	s25 =	sor.u32 $0x800, s21;
	[sflag:s17] =	ssyncadd.s32 $0xFFFFFC00  }
0xad: {  	[spmem:s3] =	stream.indirect.scatter.add.bf16 [tilespmem:s12], [sflag:$0x8], $0x40, s25, s30, $0xb8;
	[tilespmem:$0x1F780] =	vst v63  }
0xae: {  	_ = 	snop  }
0xaf: {  	[spmem:s5] =	stream.indirect.scatter.add.bf16 [tilespmem:s28], [sflag:$0x8], $0x8, s25, s30, $0xb8;
	[tilespmem:$0x1F780] =	vst v63  }
.Ltmp3:
0xb0: {  	(pc) =	sbr.rel .LBB2_2-.Ltmp3, $4  }
0xb1: {  	_ = 	snop  }
0xb2: {  	s14 =	sadd.s32 $0x280, s11;
	s18 =	sadd.s32 $0x1, s18  }
0xb3: {  	s11 =	sadd.s32 $0x200, s11;
	s6 =	sadd.s32 $0x4, s6;
	s14 =	sand.u32 $0x680, s14  }
0xb4: {  	[tilespmem:s0], [sflag:$0x2] =	stream.indirect.gather [hbm4b:s7+s30], $0x40, s14, s30, $0xb8;
	[tilespmem:$0x1F780] =	vst v63  }
.LBB2_5:
0xb5: {  	_ =	sfence.sel $0x180000  }
0xb6: {  	[bflag:$0x0] =	sbarrier.arrive $0xFFFF  }
0xb7: {  	_ =	strace $0x90000047  }
0xb8: {  	s0 =	stileid.u32;
	[bflag:$0x2] =	sbarrier.arrive $0xFFFF  }
0xb9: {  	p0 =	sne.s32 s0, $0x0;
	s0 =	rddreg [dreg:$0x6]  }
0xba: {  	s0 =	sadd.s32 @!p0 $0x100000, s0  }
0xbb: {  	[sflag:s0] =	ssyncadd.tile.s32 @!p0 $0x1;
	_ =	shalt  }
.Lfunc_end2:
_tile_overlayer_lowered:
.L_overlay_start_2:
0xbc: {  	(tag) =	ssettag $0x2  }
0xbd: {  	s0 =	rddreg [dreg:$0x0];
	s2 =	stileid.u32  }
0xbe: {  	s1 =	rddreg [dreg:$0x1];
	p0 =	sne.s32 s2, $0x0  }
0xbf: {  	s3 =	rddreg [dreg:$0x2];
	[bflag:$0x3] =	sbarrier.arrive $0xFFFF;
	s2 =	simm.s32 @!p0 $0x1C0A  }
0xc0: {  	[timem:s3], [sflag:s2] =	dma.local @!p0 [hbm:s0], s1  }
0xc1: {  	s0 =	simm.s32 @!p0 $0xA  }
0xc2: {  	_ =	swait.ge @!p0 [sflag:s0], s1  }
0xc3: {  	s1 =	ssub.s32 @!p0 $0x0, s1;
	[sflag:s0] =	ssyncset.done @!p0 $0x0  }
0xc4: {  	[sflag:s0] =	ssyncadd.s32 @!p0 s1  }
0xc5: {  	[bflag:$0x3] =	sbarrier.arrive $0xFFFF  }
0xc6: {  	_ =	shalt  }

// kernel: kernel.9.cloned.1.call-start
scs
__scs_entry_jumppad:
0x0: {  	(pc) =	sbr.rel $0x88, $3  }
0x1: {  	(tag) =	ssettag $0x0;
	lr =	simm.s32 $0x1  }
0x2: {  	[smem:$0x3F97] =	sst lr;
	_ =	strace $0xD0000000  }
0x3: {  	_ = 	snop  }
0x4: {  	_ = 	snop  }
0x5: {  	_ = 	snop  }
0x6: {  	_ = 	snop  }
0x7: {  	_ = 	snop  }
__scs_overlays_trampoline_lowered:
0x8: {  	[smem:$0x3FA6] =	sst s0  }
0x9: {  	[smem:$0x3FA7] =	sst s1  }
0xa: {  	[smem:$0x3FA8] =	sst s2  }
0xb: {  	[smem:$0x3FA9] =	sst s3  }
0xc: {  	[smem:$0x3FAA] =	sst s4  }
0xd: {  	[smem:$0x3FAB] =	sst s5  }
0xe: {  	[smem:$0x3FAC] =	sst s6  }
0xf: {  	[smem:$0x3FAD] =	sst s7  }
0x10: {  	[smem:$0x3FAE] =	sst s8  }
0x11: {  	[smem:$0x3FAF] =	sst s9;
	s0 =	simm.s32 @!p0 $0x0  }
0x12: {  	s1 =	sld [smem:$0x3F95];
	s0 =	simm.s32 @p0 $0x1  }
0x13: {  	[smem:$0x3FB0] =	sst s0;
	s0 =	simm.s32 @!p1 $0x0  }
0x14: {  	s2 =	sld [smem:$0x3F94];
	s0 =	simm.s32 @p1 $0x1  }
0x15: {  	[smem:$0x3FB1] =	sst s0;
	s0 =	simm.s32 @!p2 $0x0  }
0x16: {  	s3 =	sld [smem:$0x3FDB];
	s0 =	simm.s32 @p2 $0x1  }
0x17: {  	s4 =	simm.s32 $0x1BF5;
	[smem:$0x3FB3] =	sst s0  }
0x18: {  	s0 =	sld [smem:$0x3F96];
	_ =	swait.ge [sflag:s4], $0x0  }
0x19: {  	s7 =	sld [smem:$0x3F97]  }
0x1a: {  	s8 =	sadd.s32 $0xFFFFE003, lr  }
0x1b: {  	s9 =	sadd.s32 $0xFFFFFEF7, lr;
	s5 =	simm.s32 $0xFFFFFFFF;
	p2 =	slt.u32 s8, $0xFFFFF086  }
0x1c: {  	p1 =	slt.u32 s9, $0xF7A;
	s5 =	simm.s32 @!p2 $0x0  }
0x1d: {  	s5 =	simm.s32 @p1 $0x1;
	p0 =	seq.s32 s7, s2  }
0x1e: {  	s7 =	smul.u32 @!p0 $0xF7A, s2;
	p2 =	seq.s32 @!p0 s5, $0x0  }
0x1f: {  	s9 =	smul.u32 $0xF7A, s1;
	s8 =	simm.s32 @!p0 $0x1BF5;
	p2 =	por !p2, p0  }
0x20: {  	[sflag:s8] =	ssyncset.s32 @!p0 $0xFFFFF086;
	s6 =	sadd.s32 @!p0 s3, s7;
	s7 =	simm.s32 @!p0 $0x108  }
0x21: {  	s3 =	sadd.s32 s3, s9;
	s6 =	sadd.s32 @!p0 $0x88, s6;
	s7 =	simm.s32 @p2 $0x1082  }
0x22: {  	[simem:s7], [sflag:s8] =	dma.local @!p0 [hbm:s6], $0xF7A  }
0x23: {  	s9 =	sor.u32 $0xD0000000, s2;
	s6 =	simm.s32 $0x108;
	_ =	swait.ge @!p0 [sflag:s8], $0x0  }
0x24: {  	s3 =	sadd.s32 $0x88, s3;
	s6 =	simm.s32 @!p1 $0x1082;
	[sflag:s4] =	ssyncset.s32 $0xFFFFF086  }
0x25: {  	[simem:s6], [sflag:s4] =	dma.local [hbm:s3], $0xF7A  }
0x26: {  	[smem:$0x3F97] =	sst s1;
	(tag) =	ssettag s2;
	_ =	strace s9  }
0x27: {  	s1 =	sld [smem:$0x3FA7]  }
0x28: {  	s2 =	sld [smem:$0x3FA8]  }
0x29: {  	s4 =	sld [smem:$0x3FAA]  }
0x2a: {  	p0 =	seq.s32 s5, $0x0;
	s5 =	sld [smem:$0x3FAB]  }
0x2b: {  	s6 =	sld [smem:$0x3FAC]  }
0x2c: {  	s7 =	sld [smem:$0x3FAD]  }
0x2d: {  	s3 =	simm.s32 $0x108;
	s8 =	sld [smem:$0x3FAE]  }
0x2e: {  	s3 =	simm.s32 @!p0 $0x1082;
	s9 =	sld [smem:$0x3FAF]  }
0x2f: {  	lr =	sadd.s32 s0, s3;
	s0 =	sld [smem:$0x3FA6]  }
0x30: {  	s3 =	sld [smem:$0x3FA9]  }
0x31: {  	[smem:$0x3FB2] =	sst s10  }
0x32: {  	s10 =	sld [smem:$0x3FB0];
	_ =	sdelay $0x3  }
0x33: {  	p0 =	seq.s32 s10, $0x1;
	s10 =	sld [smem:$0x3FB2];
	_ =	sdelay $0x3  }
0x34: {  	[smem:$0x3FB2] =	sst s10  }
0x35: {  	s10 =	sld [smem:$0x3FB1];
	_ =	sdelay $0x3  }
0x36: {  	p1 =	seq.s32 s10, $0x1;
	s10 =	sld [smem:$0x3FB2];
	_ =	sdelay $0x3  }
0x37: {  	[smem:$0x3FB2] =	sst s10  }
0x38: {  	s10 =	sld [smem:$0x3FB3]  }
0x39: {  	_ = 	snop;
	(pc) =	sbr.ind lr, $3  }
0x3a: {  	_ = 	snop  }
0x3b: {  	_ = 	snop  }
0x3c: {  	p2 =	seq.s32 s10, $0x1;
	s10 =	sld [smem:$0x3FB2]  }
0x3d: {  	_ =	shalt  }
0x3e: {  	_ =	shalt  }
0x3f: {  	_ =	shalt  }
0x40: {  	_ =	shalt  }
0x41: {  	_ =	shalt  }
0x42: {  	_ =	shalt  }
0x43: {  	_ =	shalt  }
0x44: {  	_ =	shalt  }
0x45: {  	_ =	shalt  }
0x46: {  	_ =	shalt  }
0x47: {  	_ =	shalt  }
0x48: {  	_ =	shalt  }
0x49: {  	_ =	shalt  }
0x4a: {  	_ =	shalt  }
0x4b: {  	_ =	shalt  }
0x4c: {  	_ =	shalt  }
0x4d: {  	_ =	shalt  }
0x4e: {  	_ =	shalt  }
0x4f: {  	_ =	shalt  }
0x50: {  	_ =	shalt  }
0x51: {  	_ =	shalt  }
0x52: {  	_ =	shalt  }
0x53: {  	_ =	shalt  }
0x54: {  	_ =	shalt  }
0x55: {  	_ =	shalt  }
0x56: {  	_ =	shalt  }
0x57: {  	_ =	shalt  }
0x58: {  	_ =	shalt  }
0x59: {  	_ =	shalt  }
0x5a: {  	_ =	shalt  }
0x5b: {  	_ =	shalt  }
0x5c: {  	_ =	shalt  }
0x5d: {  	_ =	shalt  }
0x5e: {  	_ =	shalt  }
0x5f: {  	_ =	shalt  }
0x60: {  	_ =	shalt  }
0x61: {  	_ =	shalt  }
0x62: {  	_ =	shalt  }
0x63: {  	_ =	shalt  }
0x64: {  	_ =	shalt  }
0x65: {  	_ =	shalt  }
0x66: {  	_ =	shalt  }
0x67: {  	_ =	shalt  }
0x68: {  	_ =	shalt  }
0x69: {  	_ =	shalt  }
0x6a: {  	_ =	shalt  }
0x6b: {  	_ =	shalt  }
0x6c: {  	_ =	shalt  }
0x6d: {  	_ =	shalt  }
0x6e: {  	_ =	shalt  }
0x6f: {  	_ =	shalt  }
0x70: {  	_ =	shalt  }
0x71: {  	_ =	shalt  }
0x72: {  	_ =	shalt  }
0x73: {  	_ =	shalt  }
0x74: {  	_ =	shalt  }
0x75: {  	_ =	shalt  }
0x76: {  	_ =	shalt  }
0x77: {  	_ =	shalt  }
0x78: {  	_ =	shalt  }
0x79: {  	_ =	shalt  }
0x7a: {  	_ =	shalt  }
0x7b: {  	_ =	shalt  }
0x7c: {  	_ =	shalt  }
0x7d: {  	_ =	shalt  }
0x7e: {  	_ =	shalt  }
0x7f: {  	_ =	shalt  }
0x80: {  	_ =	shalt  }
0x81: {  	_ =	shalt  }
0x82: {  	_ =	shalt  }
0x83: {  	_ =	shalt  }
0x84: {  	_ =	shalt  }
0x85: {  	_ =	shalt  }
0x86: {  	_ =	shalt  }
0x87: {  	_ =	shalt  }
.Lfunc_end0:
.L_simem_size_0:
called_computation.1_lowered:
.L_overlay_start_0:
0x88: {  	s2 =	sld [smem:$0x3FD9]  }
0x89: {  	s3 =	sld [smem:$0x3FFE];
	_ =	sdelay $0x1  }
0x8a: {  	s1 =	srdreg.scid  }
0x8b: {  	s0 =	sand.u32 $0x1, s1  }
0x8c: {  	s16 =	sshll.u32 s0, $0xA;
	s2 =	sadd.s32 s3, s2  }
0x8d: {  	s2 =	sadd.s32 s2, s16  }
0x8e: {  	[smem:$0x3FBE] =	sst s2  }
0x8f: {  	_ = 	snop  }
0x90: {  	(tm) =	ssettm $0x1  }
0x91: {  	s17 =	sld [smem:$0x3FFB];
	_ =	sdelay $0x3  }
0x92: {  	_ =	strace s17  }
0x93: {  	s2 =	sld [smem:$0x3FFC];
	_ =	sdelay $0x3  }
0x94: {  	_ =	strace s2  }
0x95: {  	s2 =	sld [smem:$0x3FFD];
	_ =	sdelay $0x3  }
0x96: {  	_ =	strace s2  }
0x97: {  	_ =	strace $0x8FFFFFFF  }
0x98: {  	s18 =	sld [smem:$0x3FDB];
	_ =	sdelay $0x1  }
0x99: {  	s19 =	simm.s32 $_scs_section_size  }
0x9a: {  	s4 =	simm.s32 $_size__tile_overlayer_lowered;
	s5 =	simm.s32 $_tile_overlayer_lowered  }
0x9b: {  	s22 =	simm.s32 $0x1BFF;
	s21 =	sshll.u32 s5, $0x1;
	s2 =	sadd.s32 s19, s18  }
0x9c: {  	s6 =	simm.s32 $0x0;
	s20 =	sshll.u32 s4, $0x1;
	s4 =	sadd.s32 s21, s2  }
0x9d: {  	[timem:s6], [sflag:s22] =	dma.local [hbm:s4], s20  }
0x9e: {  	_ =	swait.ge [sflag:s22], s20  }
0x9f: {  	s3 =	ssub.s32 $0x0, s20;
	[sflag:s22] =	ssyncset.done $0x0  }
0xa0: {  	[sflag:s22] =	ssyncadd.s32 s3;
	_ =	sdelay $0x1  }
0xa1: {  	s23 =	simm.s32 $0x1B8B  }
0xa2: {  	_ =	swait.ge [sflag:s23], $0x1  }
0xa3: {  	[sflag:s23] =	ssyncset.done $0x0  }
0xa4: {  	s25 =	simm.s32 $0x1B8E;
	s24 =	sld [smem:$0x3FFE];
	[sflag:s23] =	ssyncadd.s32 $0xFFFFFFFF  }
0xa5: {  	s26 =	simm.s32 $execute0_lowered;
	[smem:$0x3FD2] =	sst s25  }
0xa6: {  	s4 =	sshll.u32 s26, $0x1;
	_ =	strace $0x80000049;
	[dreg:$0x1] =	wrdreg $0xFFFFFFFF  }
0xa7: {  	s28 =	simm.s32 $_size_execute0_lowered;
	s2 =	sadd.s32 s2, s4;
	[dreg:$0x0] =	wrdreg $0x0  }
0xa8: {  	s4 =	sshll.u32 s28, $0x1;
	[dreg:$0x2] =	wrdreg s2  }
0xa9: {  	[dreg:$0x3] =	wrdreg s4  }
0xaa: {  	[dreg:$0x4] =	wrdreg $0xC0  }
0xab: {  	_ =	task [dreg:s6], $0x5FFFF  }
0xac: {  	[dreg:$0x1] =	wrdreg $0xFFFFFFFF  }
0xad: {  	[dreg:$0x0] =	wrdreg $0x60  }
0xae: {  	[dreg:$0x2] =	wrdreg s24  }
0xaf: {  	[dreg:$0x3] =	wrdreg $0x90000  }
0xb0: {  	[dreg:$0x4] =	wrdreg $0x12E000  }
0xb1: {  	[dreg:$0x5] =	wrdreg $0x9  }
0xb2: {  	_ =	task.clear_ibuf [dreg:s6], $0x6FFFF;
	_ =	strace $0x90000049  }
0xb3: {  	s29 =	simm.s32 $0x9;
	_ =	strace $0x8000004B  }
0xb4: {  	_ =	swait.ge [sflag:s29], $0x1  }
0xb5: {  	[sflag:s29] =	ssyncadd.s32 $0xFFFFFFFF  }
0xb6: {  	_ =	strace $0x9000004B  }
0xb7: {  	_ =	sfence  }
0xb8: {  	s30 =	sld [smem:$0x0];
	_ =	sdelay $0x2  }
0xb9: {  	s31 =	sshll.u32 s1, $0xD;
	s1 =	sshrl.u32 s1, $0x2  }
0xba: {  	s3 =	sand.u32 $0x4000, s31;
	s1 =	sadd.s32 s1, s30  }
0xbb: {  	s0 =	sor.u32 s3, s0;
	s1 =	sshll.u32 s1, $0x11  }
0xbc: {  	s0 =	sor.u32 s1, s0  }
0xbd: {  	s0 =	sadd.s32 $0x8F2B, s0  }
0xbe: {  	[sflag:s0] =	ssyncadd.remote.s32 $0x1  }
0xbf: {  	_ =	sfence.sel $0xFFFF  }
0xc0: {  	[dreg:$0x0] =	wrdreg $0xFFFFFFFF;
	(pc) =	sbr.abs _section_cstart, $3  }
0xc1: {  	[dreg:$0x1] =	wrdreg $0xFFFFFFFF  }
0xc2: {  	_ =	task.clear_ibuf [dreg:s6], $0x2FFFF;
	_ =	strace $0x9FFFFFFF  }
0xc3: {  	(tm) =	ssettm $0x7FFFFFFF  }
tec
execute0_lowered:
.L_overlay_start_1:
0x0: {  	(tag) =	ssettag $0x1  }
0x1: {  	s0 =	rddreg [dreg:$0x0]  }
0x2: {  	s1 =	rddreg [dreg:$0x1]  }
0x3: {  	s3 =	rddreg [dreg:$0x2]  }
0x4: {  	s5 =	simm.s32 $0x0;
	s2 =	srdreg.scid;
	s4 =	stileid.u32  }
0x5: {  	s17 =	simm.s32 $0xA;
	s28 =	simm.s32 $0x3;
	s29 =	simm.s32 $0x5  }
0x6: {  	s30 =	simm.s32 $0x4;
	s31 =	simm.s32 $0x6;
	[smem:$0x7FF] =	sst s5  }
0x7: {  	s2 =	sand.u32 $0x1, s2;
	s9 =	smul.u32 $0x13C00, s4;
	s5 =	sadd.s32 $0x2600, s0  }
0x8: {  	s6 =	sadd.s32 $0x20200, s0;
	s7 =	sadd.s32 $0x16200, s0;
	s8 =	sadd.s32 $0x1200, s0  }
0x9: {  	s21 =	sshll.u32 s4, $0x6;
	_ =	strace $0x8000004A;
	s10 =	smul.u32 $0x278000, s2  }
0xa: {  	[dreg:$0x4] =	wrdreg s8;
	s11 =	ssub.s32 $0x2, s2;
	s2 =	sshll.u32 s2, $0x4  }
0xb: {  	s12 =	sshrl.u32 s11, $0x1;
	s2 =	sor.u32 s4, s2;
	s20 =	sshrl.u32 s9, $0x1  }
0xc: {  	s10 =	sadd.s32 s9, s10;
	s19 =	ssub.s32 s11, s12;
	s22 =	smul.u32 $0x500, s2  }
0xd: {  	s13 =	sadd.s32 s20, s1;
	s9 =	sor.u32 $0x1C0A, s21;
	s11 =	sadd.s32 s20, s3  }
0xe: {  	s12 =	smul.u32 $0x2800, s2;
	s20 =	simm.s32 $0x80;
	s21 =	simm.s32 $0x1000  }
0xf: {  	s10 =	sshrl.u32 s10, $0x4;
	s26 =	smax.u32 s19, $0x1;
	s16 =	sshrl.u32 s13, $0x3  }
0x10: {  	s18 =	sshrl.u32 s11, $0x3;
	s19 =	simm.s32 $0x0;
	s0 =	sadd.s32 s10, s0  }
.Ltmp0:
0x11: {  	s23 =	sadd.s32 s6, s22;
	[dreg:$0x9] =	wrdreg s26;
	(pc) =	sbr.rel .LBB2_1-.Ltmp0, $4  }
0x12: {  	s24 =	sadd.s32 s7, s22;
	s22 =	simm.s32 $0x3000;
	[dreg:$0x5] =	wrdreg s23  }
0x13: {  	s26 =	simm.s32 $0x7000;
	[dreg:$0x6] =	wrdreg s24;
	s25 =	sadd.s32 $0x2A200, s0  }
0x14: {  	s0 =	sadd.s32 $0x3DE00, s0;
	s23 =	simm.s32 $0x1;
	[dreg:$0x7] =	wrdreg s25  }
0x15: {  	s24 =	simm.s32 $0x5000;
	[dreg:$0x8] =	wrdreg s0;
	s25 =	simm.s32 $0x2  }
.LBB2_4:
0x16: {  	_ =	swait.ge [sflag:s30], $0x2000  }
0x17: {  	[sflag:s30] =	ssyncset.done $0x0  }
0x18: {  	[sflag:s30] =	ssyncadd.s32 $0xFFFFE000  }
0x19: {  	_ =	swait.ge [sflag:s31], $0x2000  }
0x1a: {  	[sflag:s31] =	ssyncset.done $0x0  }
0x1b: {  	s0 =	sor.u32 $0x800, s14;
	s10 =	simm.s32 $0x7;
	[sflag:s31] =	ssyncadd.s32 $0xFFFFE000  }
0x1c: {  	[spmem:s3] =	stream.indirect.scatter.add.bf16 [tilespmem:s26], [sflag:$0x8], $0x40, s0, s20, $0xb8;
	[tilespmem:$0x1CC00] =	vst v63  }
0x1d: {  	_ =	swait.ge [sflag:s10], $0x2000  }
0x1e: {  	[sflag:s10] =	ssyncset.done $0x0  }
0x1f: {  	s11 =	simm.s32 $0x8;
	[sflag:s10] =	ssyncadd.s32 $0xFFFFE000  }
0x20: {  	_ =	swait.ge [sflag:s11], $0x2000  }
0x21: {  	[sflag:s11] =	ssyncset.done $0x0  }
0x22: {  	[sflag:s11] =	ssyncadd.s32 $0xFFFFE000  }
0x23: {  	[bflag:$0x0] =	sbarrier.arrive $0xFFFF  }
0x24: {  	s13 =	rddreg [dreg:$0x7]  }
0x25: {  	[hbm:s13], [sflag:s9] =	dma.local [spmem:s16], $0x13C0  }
0x26: {  	_ =	swait.ge [sflag:s17], $0x13C0  }
0x27: {  	[sflag:s17] =	ssyncset.done $0x0  }
0x28: {  	s14 =	rddreg [dreg:$0x8];
	[sflag:s17] =	ssyncadd.s32 $0xFFFFEC40  }
0x29: {  	[hbm:s14], [sflag:s9] =	dma.local [spmem:s18], $0x13C0  }
0x2a: {  	_ =	swait.ge [sflag:s17], $0x13C0  }
0x2b: {  	s19 =	sadd.s32 $0x1, s19;
	s15 =	rddreg [dreg:$0x9]  }
0x2c: {  	p0 =	sne.s32 s19, s15  }
.Ltmp1:
0x2d: {  	_ = 	snop;
	(pc) =	sbr.rel @!p0 .LBB2_5-.Ltmp1, $3  }
0x2e: {  	_ =	sdelay $0x1  }
0x2f: {  	[sflag:s17] =	ssyncset.done $0x0  }
0x30: {  	[sflag:s17] =	ssyncadd.s32 $0xFFFFEC40  }
.LBB2_1:
0x31: {  	s0 =	rddreg [dreg:$0x4]  }
0x32: {  	[spmem:s16], [sflag:s9] =	dma.local [hbm:s0], $0x13C0  }
0x33: {  	_ =	swait.ge [sflag:s17], $0x13C0  }
0x34: {  	[sflag:s17] =	ssyncset.done $0x0  }
0x35: {  	[sflag:s17] =	ssyncadd.s32 $0xFFFFEC40  }
0x36: {  	[spmem:s18], [sflag:s9] =	dma.local [hbm:s0], $0x13C0  }
0x37: {  	_ =	swait.ge [sflag:s17], $0x13C0  }
0x38: {  	[sflag:s17] =	ssyncset.done $0x0  }
0x39: {  	s14 =	simm.s32 $0x0;
	s2 =	rddreg [dreg:$0x5];
	[sflag:s17] =	ssyncadd.s32 $0xFFFFEC40  }
0x3a: {  	[tilespmem:s14], [sflag:$0xA] =	stream.linear.gather [hbm4b:s2+s14], $0x400, $0x38;
	[tilespmem:$0x1CC00] =	vst v63  }
0x3b: {  	_ =	swait.ge [sflag:s17], $0x400  }
0x3c: {  	[sflag:s17] =	ssyncset.done $0x0  }
0x3d: {  	s4 =	simm.s32 $0x800;
	s15 =	rddreg [dreg:$0x6];
	[sflag:s17] =	ssyncadd.s32 $0xFFFFFC00  }
0x3e: {  	[tilespmem:s4], [sflag:$0xA] =	stream.linear.gather [hbm4b:s15+s14], $0x400, $0x38;
	[tilespmem:$0x1CC00] =	vst v63  }
0x3f: {  	_ =	swait.ge [sflag:s17], $0x400  }
0x40: {  	[sflag:s17] =	ssyncset.done $0x0  }
0x41: {  	[sflag:s17] =	ssyncadd.s32 $0xFFFFFC00  }
0x42: {  	[bflag:$0x0] =	sbarrier.arrive $0xFFFF  }
0x43: {  	[tilespmem:s21], [sflag:$0x1] =	stream.indirect.gather [hbm4b:s5+s20], $0x40, s14, s20, $0xb8;
	[tilespmem:$0x1CC00] =	vst v63  }
0x44: {  	s10 =	simm.s32 $0x1;
	s13 =	simm.s32 $0x0;
	s11 =	simm.s32 $0x0  }
0x45: {  	[tilespmem:s22], [sflag:$0x2] =	stream.indirect.gather [hbm4b:s5+s20], $0x40, s20, s20, $0xb8;
	[tilespmem:$0x1CC00] =	vst v63  }
.LBB2_2:
0x46: {  	_ =	swait.ge [sflag:s23], $0x2000  }
0x47: {  	p0 =	seq.s32 s13, $0x0;
	[sflag:s23] =	ssyncset.done $0x0  }
0x48: {  	s14 =	simm.s32 @!p0 $0x7;
	[sflag:s23] =	ssyncadd.s32 $0xFFFFE000  }
0x49: {  	_ =	swait.ge @!p0 [sflag:s14], $0x2000  }
0x4a: {  	s15 =	sand.u32 $0x600, s13;
	[sflag:s14] =	ssyncset.done @!p0 $0x0  }
0x4b: {  	s4 =	sor.u32 $0x800, s15;
	[sflag:s14] =	ssyncadd.s32 @!p0 $0xFFFFE000  }
0x4c: {  	[spmem:s1] =	stream.indirect.scatter.add.bf16 [tilespmem:s21], [sflag:$0x5], $0x40, s4, s20, $0xb8;
	[tilespmem:$0x1CC00] =	vst v63  }
0x4d: {  	s4 =	sor.u32 $0x100, s15  }
0x4e: {  	[tilespmem:s24], [sflag:$0x3] =	stream.indirect.gather [hbm4b:s5+s20], $0x40, s4, s20, $0xb8;
	[tilespmem:$0x1CC00] =	vst v63  }
0x4f: {  	_ =	swait.ge [sflag:s25], $0x2000  }
0x50: {  	[sflag:s25] =	ssyncset.done $0x0  }
0x51: {  	s14 =	simm.s32 @!p0 $0x8;
	[sflag:s25] =	ssyncadd.s32 $0xFFFFE000  }
0x52: {  	s0 =	sadd.s32 $0x80, s13;
	_ =	swait.ge @!p0 [sflag:s14], $0x2000  }
0x53: {  	s8 =	sand.u32 $0x5, s10;
	s0 =	sand.u32 $0x680, s0;
	[sflag:s14] =	ssyncset.done @!p0 $0x0  }
0x54: {  	s0 =	sor.u32 $0x800, s0;
	[sflag:s14] =	ssyncadd.s32 @!p0 $0xFFFFE000;
	p0 =	sne.s32 s8, $0x1  }
0x55: {  	[spmem:s3] =	stream.indirect.scatter.add.bf16 [tilespmem:s22], [sflag:$0x6], $0x40, s0, s20, $0xb8;
	[tilespmem:$0x1CC00] =	vst v63  }
0x56: {  	p1 =	sgt.u32 @!p0 s11, $0x11  }
0x57: {  	s14 =	sor.u32 $0x180, s15;
	p0 =	por p1, p0  }
0x58: {  	[tilespmem:s26], [sflag:$0x4] =	stream.indirect.gather [hbm4b:s5+s20], $0x40, s14, s20, $0xb8;
	[tilespmem:$0x1CC00] =	vst v63  }
0x59: {  	s0 =	sand.u32 @!p0 $0x3C00, s13  }
0x5a: {  	s0 =	sadd.s32 @!p0 $0x400, s0  }
0x5b: {  	s15 =	sadd.s32 @!p0 s12, s0  }
0x5c: {  	s15 =	sshrl.u32 @!p0 s15, $0x3  }
0x5d: {  	s8 =	simm.s32 @!p0 $0x0;
	s0 =	sand.u32 @!p0 $0x400, s0;
	s2 =	sadd.s32 @!p0 s6, s15  }
0x5e: {  	[tilespmem:s0], [sflag:$0x9] =	stream.linear.gather @!p0 [hbm4b:s2+s8], $0x400, $0x38;
	[tilespmem:$0x1CC00] =	vst v63  }
0x5f: {  	s0 =	sor.u32 @!p0 $0x800, s0;
	s2 =	sadd.s32 @!p0 s7, s15  }
0x60: {  	[tilespmem:s0], [sflag:$0x9] =	stream.linear.gather @!p0 [hbm4b:s2+s8], $0x400, $0x38;
	[tilespmem:$0x1CC00] =	vst v63  }
0x61: {  	_ =	swait.ge [sflag:s28], $0x2000  }
0x62: {  	p0 =	seq.s32 s13, $0x2600;
	[sflag:s28] =	ssyncset.done $0x0  }
.Ltmp2:
0x63: {  	[sflag:s28] =	ssyncadd.s32 $0xFFFFE000;
	(pc) =	sbr.rel @p0 .LBB2_4-.Ltmp2, $4  }
0x64: {  	_ =	swait.ge [sflag:s29], $0x2000  }
0x65: {  	[sflag:s29] =	ssyncset.done $0x0  }
0x66: {  	s15 =	sor.u32 $0x800, s4;
	[sflag:s29] =	ssyncadd.s32 $0xFFFFE000  }
0x67: {  	[spmem:s1] =	stream.indirect.scatter.add.bf16 [tilespmem:s24], [sflag:$0x7], $0x40, s15, s20, $0xb8;
	[tilespmem:$0x1CC00] =	vst v63  }
0x68: {  	s0 =	sand.u32 $0x1, s11  }
0x69: {  	p0 =	seq.s32 s0, $0x0  }
0x6a: {  	s0 =	simm.s32 @!p0 $0x9  }
0x6b: {  	_ =	swait.ge @!p0 [sflag:s0], $0x400  }
0x6c: {  	[sflag:s0] =	ssyncset.done @!p0 $0x0  }
0x6d: {  	[sflag:s0] =	ssyncadd.s32 @!p0 $0xFFFFFC00  }
0x6e: {  	_ =	swait.ge @!p0 [sflag:s0], $0x400  }
0x6f: {  	s2 =	sadd.s32 $0x200, s13;
	[sflag:s0] =	ssyncset.done @!p0 $0x0  }
0x70: {  	s8 =	sand.u32 $0x600, s2;
	[sflag:s0] =	ssyncadd.s32 @!p0 $0xFFFFFC00  }
0x71: {  	[tilespmem:s21], [sflag:$0x1] =	stream.indirect.gather [hbm4b:s5+s20], $0x40, s8, s20, $0xb8;
	[tilespmem:$0x1CC00] =	vst v63  }
0x72: {  	_ =	swait.ge [sflag:s30], $0x2000  }
0x73: {  	[sflag:s30] =	ssyncset.done $0x0  }
0x74: {  	[sflag:s30] =	ssyncadd.s32 $0xFFFFE000  }
0x75: {  	_ =	swait.ge [sflag:s31], $0x2000  }
.Ltmp3:
0x76: {  	s14 =	sor.u32 $0x800, s14;
	[sflag:s31] =	ssyncset.done $0x0;
	(pc) =	sbr.rel .LBB2_2-.Ltmp3, $4  }
0x77: {  	s15 =	sadd.s32 $0x280, s13;
	s11 =	sadd.s32 $0x1, s11;
	[sflag:s31] =	ssyncadd.s32 $0xFFFFE000  }
0x78: {  	[spmem:s3] =	stream.indirect.scatter.add.bf16 [tilespmem:s26], [sflag:$0x8], $0x40, s14, s20, $0xb8;
	[tilespmem:$0x1CC00] =	vst v63  }
0x79: {  	s10 =	sadd.s32 $0x4, s10;
	s13 =	smov.u32 s2;
	s0 =	sand.u32 $0x680, s15  }
0x7a: {  	[tilespmem:s22], [sflag:$0x2] =	stream.indirect.gather [hbm4b:s5+s20], $0x40, s0, s20, $0xb8;
	[tilespmem:$0x1CC00] =	vst v63  }
.LBB2_5:
0x7b: {  	_ =	sfence.sel $0x180000  }
0x7c: {  	[bflag:$0x0] =	sbarrier.arrive $0xFFFF  }
0x7d: {  	_ =	strace $0x9000004A  }
0x7e: {  	s0 =	stileid.u32;
	[bflag:$0x2] =	sbarrier.arrive $0xFFFF  }
0x7f: {  	p0 =	sne.s32 s0, $0x0;
	s0 =	rddreg [dreg:$0x3]  }
0x80: {  	s0 =	sadd.s32 @!p0 $0x100000, s0  }
0x81: {  	[sflag:s0] =	ssyncadd.tile.s32 @!p0 $0x1;
	_ =	shalt  }
.Lfunc_end2:
_tile_overlayer_lowered:
.L_overlay_start_2:
0x82: {  	(tag) =	ssettag $0x2  }
0x83: {  	s0 =	rddreg [dreg:$0x0];
	s2 =	stileid.u32  }
0x84: {  	s1 =	rddreg [dreg:$0x1];
	p0 =	sne.s32 s2, $0x0  }
0x85: {  	s3 =	rddreg [dreg:$0x2];
	[bflag:$0x3] =	sbarrier.arrive $0xFFFF;
	s2 =	simm.s32 @!p0 $0x1C0A  }
0x86: {  	[timem:s3], [sflag:s2] =	dma.local @!p0 [hbm:s0], s1  }
0x87: {  	s0 =	simm.s32 @!p0 $0xA  }
0x88: {  	_ =	swait.ge @!p0 [sflag:s0], s1  }
0x89: {  	s1 =	ssub.s32 @!p0 $0x0, s1;
	[sflag:s0] =	ssyncset.done @!p0 $0x0  }
0x8a: {  	[sflag:s0] =	ssyncadd.s32 @!p0 s1  }
0x8b: {  	[bflag:$0x3] =	sbarrier.arrive $0xFFFF  }
0x8c: {  	_ =	shalt  }

</sc_bundles>
